<compile_context>
chip_gen: v7x
topology: tpu7x:2x2x1
jax: 0.10.2.dev20260603
libtpu: 0.0.44.dev20260713+nightly
codegen_flags: <defaults>
</compile_context>

<pallas_src>
import jax
import jax.numpy as jnp
from jax import lax
from jax.experimental import pallas as pl
from jax.experimental.pallas import tpu as pltpu
from jax.experimental.pallas import tpu_sc as plsc

N = 10000
E = 320000
D = 128
G = 128
OUTC = 1

NC = 2
NS = 16
NW = NC * NS

CHUNK = 64
NCHUNK = 160
EPW = NCHUNK * CHUNK
EPAD = NW * EPW
NBUF = 4

N_ACC = 10112
ZROWS = N_ACC // NS

_mesh = plsc.VectorSubcoreMesh(
    core_axis_name="c", subcore_axis_name="s", num_cores=NC, num_subcores=NS)


def _mask_body(f_ref, m_ref, o_ref):
    o_ref[...] = f_ref[...] * m_ref[...]


_mask_call = pl.pallas_call(
    _mask_body, out_shape=jax.ShapeDtypeStruct((N, D), jnp.float32))


def _edge_agg_body(h_hbm, src_hbm, dst_hbm, z_hbm, out_hbm,
                   acc, src_v, dring, rowbuf, gsem, ssem, isem):
    c = lax.axis_index("c")
    s = lax.axis_index("s")
    wid = c * NS + s

    pltpu.sync_copy(src_hbm.at[wid], src_v)
    pltpu.sync_copy(z_hbm, acc.at[pl.ds(s * ZROWS, ZROWS)])
    plsc.subcore_barrier()

    def start_gather(j, b):
        pltpu.async_copy(h_hbm.at[src_v.at[pl.ds(j * CHUNK, CHUNK)]],
                         rowbuf.at[b], gsem.at[b])

    def wait_gather(j, b):
        pltpu.make_async_copy(h_hbm.at[src_v.at[pl.ds(j * CHUNK, CHUNK)]],
                              rowbuf.at[b], gsem.at[b]).wait()

    def start_idx(j, b):
        pltpu.async_copy(dst_hbm.at[wid, j], dring.at[b], isem.at[b])

    def wait_idx(j, b):
        pltpu.make_async_copy(dst_hbm.at[wid, j], dring.at[b],
                              isem.at[b]).wait()

    def start_scatter(b):
        pltpu.async_copy(rowbuf.at[b], acc.at[dring.at[b]], ssem.at[b],
                         add=True)

    def wait_scatter(b):
        pltpu.make_async_copy(rowbuf.at[b], acc.at[dring.at[b]],
                              ssem.at[b]).wait()

    for b in range(NBUF):
        start_gather(b, b)
        start_idx(b, b)

    def ring(g, carry):
        for b in range(NBUF):
            j = g * NBUF + b
            wait_gather(j, b)
            wait_idx(j, b)
            start_scatter(b)
            wait_scatter(b)
            start_gather(j + NBUF, b)
            start_idx(j + NBUF, b)
        return carry

    lax.fori_loop(0, NCHUNK // NBUF - 1, ring, 0)
    for b in range(NBUF):
        j = NCHUNK - NBUF + b
        wait_gather(j, b)
        wait_idx(j, b)
        start_scatter(b)
        wait_scatter(b)

    plsc.subcore_barrier()
    wbase = s * ZROWS
    pltpu.sync_copy(acc.at[pl.ds(wbase, ZROWS)],
                    out_hbm.at[c, pl.ds(wbase, ZROWS)])


_edge_agg_call = pl.kernel(
    _edge_agg_body,
    out_type=jax.ShapeDtypeStruct((NC, N_ACC, D), jnp.float32),
    mesh=_mesh,
    scratch_types=[
        pltpu.VMEM_SHARED((N_ACC, D), jnp.float32),
        pltpu.VMEM((EPW,), jnp.int32),
        pltpu.VMEM((NBUF, CHUNK), jnp.int32),
        pltpu.VMEM((NBUF, CHUNK, D), jnp.float32),
        pltpu.SemaphoreType.DMA((NBUF,)),
        pltpu.SemaphoreType.DMA((NBUF,)),
        pltpu.SemaphoreType.DMA((NBUF,)),
    ],
)


def _x1_body(x_ref, a_ref, w_ref, b_ref, o_ref):
    z = x_ref[...] + (a_ref[0, :N, :] + a_ref[1, :N, :])
    o_ref[...] = jnp.maximum(
        jnp.dot(z, w_ref[...], preferred_element_type=jnp.float32)
        + b_ref[...], 0.0)


_x1_call = pl.pallas_call(
    _x1_body, out_shape=jax.ShapeDtypeStruct((N, D), jnp.float32))


def _fin_body(x_ref, a_ref, w2_ref, b2_ref, wp_ref, bp_ref, bat_ref, o_ref):
    z = x_ref[...] + (a_ref[0, :N, :] + a_ref[1, :N, :])
    nr = jnp.dot(z, w2_ref[...],
                 preferred_element_type=jnp.float32) + b2_ref[...]
    gids = lax.broadcasted_iota(jnp.int32, (G, N), 0)
    onehot = (bat_ref[...] == gids).astype(jnp.float32)
    sums = jnp.dot(onehot, nr, preferred_element_type=jnp.float32,
                   precision=lax.Precision.HIGHEST)
    cnt = jnp.sum(onehot, axis=1, keepdims=True)
    pool = sums / jnp.maximum(cnt, 1.0)
    o_ref[...] = jnp.dot(pool, wp_ref[...],
                         preferred_element_type=jnp.float32) + bp_ref[...]


_fin_call = pl.pallas_call(
    _fin_body, out_shape=jax.ShapeDtypeStruct((G, OUTC), jnp.float32))


def kernel(edges, features, label_masks, batch, W1, b1, W2, b2, Wp, bp):
    src = edges[0]
    dst = edges[1]
    pad = EPAD - E
    src_p = jnp.concatenate([src, jnp.zeros((pad,), jnp.int32)])
    dst_p = jnp.concatenate([dst, jnp.full((pad,), N, jnp.int32)])
    src_f = src_p.reshape(NW, EPW)
    dst_t = dst_p.reshape(NW, NCHUNK, CHUNK)

    zrows = jnp.zeros((ZROWS, D), jnp.float32)

    x0 = _mask_call(features, label_masks)
    agg0 = _edge_agg_call(x0, src_f, dst_t, zrows)
    x1 = _x1_call(x0, agg0, W1, b1.reshape(1, D))
    agg1 = _edge_agg_call(x1, src_f, dst_t, zrows)
    out = _fin_call(x1, agg1, W2, b2.reshape(1, D), Wp, bp.reshape(1, 1),
                    batch.reshape(1, N))
    return out

# --- scband reference (transcript-rebuilt; emitter-appended) ---
"""Pipeline reference for scband-gnngraphpred-58634893525296 (READ-ONLY COPY).

The authoritative reference and input builder live on the scoring server;
editing this copy changes nothing except your own understanding.
"""

import jax, jax.numpy as jnp
import numpy as np

N = 10000   # n_nodes
E = 320000  # n_edges
D = 128     # d_feat == input_channels
G = 128     # num graphs in batch
OUT = 1     # output_channels


def setup_inputs(seed: int = 0) -> dict:
    key = jax.random.key(seed)
    ks = jax.random.split(key, 8)
    edges = jax.random.randint(ks[0], (2, E), 0, N, dtype=jnp.int32)
    features = jax.random.normal(ks[1], (N, D), dtype=jnp.float32)
    label_masks = jax.random.uniform(ks[2], (N, 1), dtype=jnp.float32)
    batch = jnp.sort(jax.random.randint(ks[3], (N,), 0, G, dtype=jnp.int32))
    # learned params: 2 retained GIN-style message passing layers (3rd layer of the
    # pretrained gnn is dropped per __init__) + graph_pred_linear head
    W1 = jax.random.normal(ks[4], (D, D), dtype=jnp.float32) * 0.05
    b1 = jnp.zeros((D,), dtype=jnp.float32)
    W2 = jax.random.normal(ks[5], (D, D), dtype=jnp.float32) * 0.05
    b2 = jnp.zeros((D,), dtype=jnp.float32)
    Wp = jax.random.normal(ks[6], (D, OUT), dtype=jnp.float32) * 0.05
    bp = jnp.zeros((OUT,), dtype=jnp.float32)
    return {"edges": edges, "features": features, "label_masks": label_masks,
            "batch": batch, "W1": W1, "b1": b1, "W2": W2, "b2": b2,
            "Wp": Wp, "bp": bp}


def reference(edges, features, label_masks, batch, W1, b1, W2, b2, Wp, bp):
    src = edges[0]
    dst = edges[1]
    # gnn(edges, features, label_masks): mask features, then 2 message-passing layers
    x = features * label_masks
    # layer 1: gather messages from src, scatter-add into dst, transform
    msgs = jnp.take(x, src, axis=0)
    agg = jax.ops.segment_sum(msgs, dst, num_segments=N)
    x = jax.nn.relu((x + agg) @ W1 + b1)
    # layer 2 (last retained layer; original final layer was removed)
    msgs = jnp.take(x, src, axis=0)
    agg = jax.ops.segment_sum(msgs, dst, num_segments=N)
    node_representation = (x + agg) @ W2 + b2
    # global_mean_pool over batch assignment
    sums = jax.ops.segment_sum(node_representation, batch, num_segments=G)
    counts = jax.ops.segment_sum(jnp.ones((N,), jnp.float32), batch, num_segments=G)
    pool_feature = sums / jnp.maximum(counts, 1.0)[:, None]
    # graph_pred_linear
    return pool_feature @ Wp + bp

if __name__ == "__main__":
    import jax
    _d = setup_inputs()
    print(jax.jit(kernel)(*tuple(_d.values())))

</pallas_src>

<mosaic_0001>
#map = affine_map<(d0, d1) -> (0, 0)>
#map1 = affine_map<(d0, d1) -> (0, 0, 0)>
module attributes {stable_mosaic.version = 14 : i64} {
  func.func @_edge_agg_body(%arg0: i32, %arg1: i32, %arg2: memref<10000x128xf32, #tpu.memory_space<hbm>>, %arg3: memref<32x10240xi32, #tpu.memory_space<hbm>>, %arg4: memref<32x160x64xi32, #tpu.memory_space<hbm>>, %arg5: memref<632x128xf32, #tpu.memory_space<hbm>>, %arg6: memref<2x10112x128xf32, #tpu.memory_space<hbm>>, %arg7: memref<10112x128xf32, #tpu.memory_space<vmem_shared>>, %arg8: memref<10240xi32, #tpu.memory_space<vmem>>, %arg9: memref<4x64xi32, #tpu.memory_space<vmem>>, %arg10: memref<4x64x128xf32, #tpu.memory_space<vmem>>, %arg11: memref<4x!tpu.dma_semaphore, #tpu.memory_space<semaphore_mem>>, %arg12: memref<4x!tpu.dma_semaphore, #tpu.memory_space<semaphore_mem>>, %arg13: memref<4x!tpu.dma_semaphore, #tpu.memory_space<semaphore_mem>>) attributes {dimension_semantics = [#tpu.dimension_semantics<core_parallel>, #tpu.dimension_semantics<subcore_parallel>], iteration_bounds = array<i64: 2, 16>, scalar_prefetch = 0 : i64, scratch_operands = 7 : i64, tpu.core_type = #tpu.core_type<sc_vector_subcore>, window_params = [{transform_indices = #map}, {transform_indices = #map}, {transform_indices = #map1}, {transform_indices = #map}, {transform_indices = #map1}]} {
    %mul3A = arith.constant 16 : i32
    %mul3A_0 = arith.muli %arg0, %mul3A : i32
    %add3A = arith.addi %mul3A_0, %arg1 : i32
    "tpu.region"() ({
      %run_scoped3A = tpu.sem_alloc : memref<!tpu.dma_semaphore, #tpu.memory_space<semaphore_mem>>
      %dma_start3A_369 = arith.constant 0 : i32
      %dma_start3A_370 = tpu.memref_slice %arg3[%add3A, %dma_start3A_369] : memref<32x10240xi32, #tpu.memory_space<hbm>> -> memref<1x10240xi32, #tpu.memory_space<hbm>>
      %dma_start3A_371 = tpu.memref_squeeze %dma_start3A_370 : memref<1x10240xi32, #tpu.memory_space<hbm>> -> memref<10240xi32, #tpu.memory_space<hbm>>
      %dma_start3A_372 = arith.constant 0 : i32
      %dma_start3A_373 = tpu.memref_slice %arg3[%add3A, %dma_start3A_372] : memref<32x10240xi32, #tpu.memory_space<hbm>> -> memref<1x10240xi32, #tpu.memory_space<hbm>>
      %dma_start3A_374 = tpu.memref_squeeze %dma_start3A_373 : memref<1x10240xi32, #tpu.memory_space<hbm>> -> memref<10240xi32, #tpu.memory_space<hbm>>
      tpu.enqueue_dma source(%dma_start3A_374 : memref<10240xi32, #tpu.memory_space<hbm>>) target(%arg8 : memref<10240xi32, #tpu.memory_space<vmem>>) target_semaphore(%run_scoped3A : memref<!tpu.dma_semaphore, #tpu.memory_space<semaphore_mem>>)
      %dma_wait3A_375 = arith.constant 0 : i32
      %dma_wait3A_376 = tpu.memref_slice %arg3[%add3A, %dma_wait3A_375] : memref<32x10240xi32, #tpu.memory_space<hbm>> -> memref<1x10240xi32, #tpu.memory_space<hbm>>
      %dma_wait3A_377 = tpu.memref_squeeze %dma_wait3A_376 : memref<1x10240xi32, #tpu.memory_space<hbm>> -> memref<10240xi32, #tpu.memory_space<hbm>>
      %dma_wait3A_378 = arith.constant 0 : i32
      %dma_wait3A_379 = tpu.memref_slice %arg3[%add3A, %dma_wait3A_378] : memref<32x10240xi32, #tpu.memory_space<hbm>> -> memref<1x10240xi32, #tpu.memory_space<hbm>>
      %dma_wait3A_380 = tpu.memref_squeeze %dma_wait3A_379 : memref<1x10240xi32, #tpu.memory_space<hbm>> -> memref<10240xi32, #tpu.memory_space<hbm>>
      tpu.wait_dma2 semaphore(%run_scoped3A : memref<!tpu.dma_semaphore, #tpu.memory_space<semaphore_mem>>) src(%dma_wait3A_380 : memref<10240xi32, #tpu.memory_space<hbm>>) dst(%arg8 : memref<10240xi32, #tpu.memory_space<vmem>>)
      tpu.yield
    }) : () -> ()
    %mul3A_1 = arith.constant 632 : i32
    %mul3A_2 = arith.muli %arg1, %mul3A_1 : i32
    "tpu.region"() ({
      %run_scoped3A = tpu.sem_alloc : memref<!tpu.dma_semaphore, #tpu.memory_space<semaphore_mem>>
      %dma_start3A_369 = arith.constant 0 : i32
      %dma_start3A_370 = tpu.memref_slice %arg7[%mul3A_2, %dma_start3A_369] : memref<10112x128xf32, #tpu.memory_space<vmem_shared>> -> memref<632x128xf32, #tpu.memory_space<vmem_shared>>
      tpu.enqueue_dma source(%arg5 : memref<632x128xf32, #tpu.memory_space<hbm>>) target(%dma_start3A_370 : memref<632x128xf32, #tpu.memory_space<vmem_shared>>) target_semaphore(%run_scoped3A : memref<!tpu.dma_semaphore, #tpu.memory_space<semaphore_mem>>)
      %dma_wait3A_371 = arith.constant 0 : i32
      %dma_wait3A_372 = tpu.memref_slice %arg7[%mul3A_2, %dma_wait3A_371] : memref<10112x128xf32, #tpu.memory_space<vmem_shared>> -> memref<632x128xf32, #tpu.memory_space<vmem_shared>>
      tpu.wait_dma2 semaphore(%run_scoped3A : memref<!tpu.dma_semaphore, #tpu.memory_space<semaphore_mem>>) src(%arg5 : memref<632x128xf32, #tpu.memory_space<hbm>>) dst(%dma_wait3A_372 : memref<632x128xf32, #tpu.memory_space<vmem_shared>>)
      tpu.yield
    }) : () -> ()
    %barrier3A = arith.constant 0 : index
    tpu.barrier barrier_id(%barrier3A)
    %dma_start3A = arith.constant 0 : i32
    %dma_start3A_3 = arith.constant 0 : i32
    %dma_start3A_4 = arith.constant 0 : i32
    %dma_start3A_5 = arith.constant 0 : i32
    %dma_start3A_6 = tpu.memref_slice %arg10[%dma_start3A, %dma_start3A_4, %dma_start3A_5] : memref<4x64x128xf32, #tpu.memory_space<vmem>> -> memref<1x64x128xf32, #tpu.memory_space<vmem>>
    %dma_start3A_7 = tpu.memref_squeeze %dma_start3A_6 : memref<1x64x128xf32, #tpu.memory_space<vmem>> -> memref<64x128xf32, #tpu.memory_space<vmem>>
    %dma_start3A_8 = arith.constant 0 : i32
    %dma_start3A_9 = tpu.memref_slice %arg8[%dma_start3A_8] : memref<10240xi32, #tpu.memory_space<vmem>> -> memref<64xi32, #tpu.memory_space<vmem>>
    %dma_start3A_10 = arith.constant 0 : i32
    %dma_start3A_11 = arith.constant 0 : i32
    %dma_start3A_12 = tpu.memref_slice %arg2[%dma_start3A_10, %dma_start3A_11] : memref<10000x128xf32, #tpu.memory_space<hbm>> -> memref<10000x128xf32, #tpu.memory_space<hbm>>
    %dma_start3A_13 = tpu.memref_slice %arg11[%dma_start3A_3] : memref<4x!tpu.dma_semaphore, #tpu.memory_space<semaphore_mem>> -> memref<1x!tpu.dma_semaphore, #tpu.memory_space<semaphore_mem>>
    %dma_start3A_14 = tpu.memref_squeeze %dma_start3A_13 : memref<1x!tpu.dma_semaphore, #tpu.memory_space<semaphore_mem>> -> memref<!tpu.dma_semaphore, #tpu.memory_space<semaphore_mem>>
    tpu.enqueue_indirect_dma source(%dma_start3A_12 : memref<10000x128xf32, #tpu.memory_space<hbm>>) target(%dma_start3A_7 : memref<64x128xf32, #tpu.memory_space<vmem>>) offsets(%dma_start3A_9 : memref<64xi32, #tpu.memory_space<vmem>>) semaphore(%dma_start3A_14 : memref<!tpu.dma_semaphore, #tpu.memory_space<semaphore_mem>>)
    %dma_start3A_15 = arith.constant 0 : i32
    %dma_start3A_16 = arith.constant 0 : i32
    %dma_start3A_17 = arith.constant 0 : i32
    %dma_start3A_18 = arith.constant 0 : i32
    %dma_start3A_19 = tpu.memref_slice %arg9[%dma_start3A_16, %dma_start3A_18] : memref<4x64xi32, #tpu.memory_space<vmem>> -> memref<1x64xi32, #tpu.memory_space<vmem>>
    %dma_start3A_20 = tpu.memref_squeeze %dma_start3A_19 : memref<1x64xi32, #tpu.memory_space<vmem>> -> memref<64xi32, #tpu.memory_space<vmem>>
    %dma_start3A_21 = arith.constant 0 : i32
    %dma_start3A_22 = tpu.memref_slice %arg4[%add3A, %dma_start3A_15, %dma_start3A_21] : memref<32x160x64xi32, #tpu.memory_space<hbm>> -> memref<1x1x64xi32, #tpu.memory_space<hbm>>
    %dma_start3A_23 = tpu.memref_squeeze %dma_start3A_22 : memref<1x1x64xi32, #tpu.memory_space<hbm>> -> memref<64xi32, #tpu.memory_space<hbm>>
    %dma_start3A_24 = tpu.memref_slice %arg13[%dma_start3A_17] : memref<4x!tpu.dma_semaphore, #tpu.memory_space<semaphore_mem>> -> memref<1x!tpu.dma_semaphore, #tpu.memory_space<semaphore_mem>>
    %dma_start3A_25 = tpu.memref_squeeze %dma_start3A_24 : memref<1x!tpu.dma_semaphore, #tpu.memory_space<semaphore_mem>> -> memref<!tpu.dma_semaphore, #tpu.memory_space<semaphore_mem>>
    %dma_start3A_26 = arith.constant 0 : i32
    %dma_start3A_27 = tpu.memref_slice %arg9[%dma_start3A_16, %dma_start3A_26] : memref<4x64xi32, #tpu.memory_space<vmem>> -> memref<1x64xi32, #tpu.memory_space<vmem>>
    %dma_start3A_28 = tpu.memref_squeeze %dma_start3A_27 : memref<1x64xi32, #tpu.memory_space<vmem>> -> memref<64xi32, #tpu.memory_space<vmem>>
    %dma_start3A_29 = arith.constant 0 : i32
    %dma_start3A_30 = tpu.memref_slice %arg4[%add3A, %dma_start3A_15, %dma_start3A_29] : memref<32x160x64xi32, #tpu.memory_space<hbm>> -> memref<1x1x64xi32, #tpu.memory_space<hbm>>
    %dma_start3A_31 = tpu.memref_squeeze %dma_start3A_30 : memref<1x1x64xi32, #tpu.memory_space<hbm>> -> memref<64xi32, #tpu.memory_space<hbm>>
    tpu.enqueue_dma source(%dma_start3A_31 : memref<64xi32, #tpu.memory_space<hbm>>) target(%dma_start3A_28 : memref<64xi32, #tpu.memory_space<vmem>>) target_semaphore(%dma_start3A_25 : memref<!tpu.dma_semaphore, #tpu.memory_space<semaphore_mem>>)
    %dma_start3A_32 = arith.constant 1 : i32
    %dma_start3A_33 = arith.constant 1 : i32
    %dma_start3A_34 = arith.constant 0 : i32
    %dma_start3A_35 = arith.constant 0 : i32
    %dma_start3A_36 = tpu.memref_slice %arg10[%dma_start3A_32, %dma_start3A_34, %dma_start3A_35] : memref<4x64x128xf32, #tpu.memory_space<vmem>> -> memref<1x64x128xf32, #tpu.memory_space<vmem>>
    %dma_start3A_37 = tpu.memref_squeeze %dma_start3A_36 : memref<1x64x128xf32, #tpu.memory_space<vmem>> -> memref<64x128xf32, #tpu.memory_space<vmem>>
    %dma_start3A_38 = arith.constant 64 : i32
    %dma_start3A_39 = tpu.memref_slice %arg8[%dma_start3A_38] : memref<10240xi32, #tpu.memory_space<vmem>> -> memref<64xi32, #tpu.memory_space<vmem>>
    %dma_start3A_40 = arith.constant 0 : i32
    %dma_start3A_41 = arith.constant 0 : i32
    %dma_start3A_42 = tpu.memref_slice %arg2[%dma_start3A_40, %dma_start3A_41] : memref<10000x128xf32, #tpu.memory_space<hbm>> -> memref<10000x128xf32, #tpu.memory_space<hbm>>
    %dma_start3A_43 = tpu.memref_slice %arg11[%dma_start3A_33] : memref<4x!tpu.dma_semaphore, #tpu.memory_space<semaphore_mem>> -> memref<1x!tpu.dma_semaphore, #tpu.memory_space<semaphore_mem>>
    %dma_start3A_44 = tpu.memref_squeeze %dma_start3A_43 : memref<1x!tpu.dma_semaphore, #tpu.memory_space<semaphore_mem>> -> memref<!tpu.dma_semaphore, #tpu.memory_space<semaphore_mem>>
    tpu.enqueue_indirect_dma source(%dma_start3A_42 : memref<10000x128xf32, #tpu.memory_space<hbm>>) target(%dma_start3A_37 : memref<64x128xf32, #tpu.memory_space<vmem>>) offsets(%dma_start3A_39 : memref<64xi32, #tpu.memory_space<vmem>>) semaphore(%dma_start3A_44 : memref<!tpu.dma_semaphore, #tpu.memory_space<semaphore_mem>>)
    %dma_start3A_45 = arith.constant 1 : i32
    %dma_start3A_46 = arith.constant 1 : i32
    %dma_start3A_47 = arith.constant 1 : i32
    %dma_start3A_48 = arith.constant 0 : i32
    %dma_start3A_49 = tpu.memref_slice %arg9[%dma_start3A_46, %dma_start3A_48] : memref<4x64xi32, #tpu.memory_space<vmem>> -> memref<1x64xi32, #tpu.memory_space<vmem>>
    %dma_start3A_50 = tpu.memref_squeeze %dma_start3A_49 : memref<1x64xi32, #tpu.memory_space<vmem>> -> memref<64xi32, #tpu.memory_space<vmem>>
    %dma_start3A_51 = arith.constant 0 : i32
    %dma_start3A_52 = tpu.memref_slice %arg4[%add3A, %dma_start3A_45, %dma_start3A_51] : memref<32x160x64xi32, #tpu.memory_space<hbm>> -> memref<1x1x64xi32, #tpu.memory_space<hbm>>
    %dma_start3A_53 = tpu.memref_squeeze %dma_start3A_52 : memref<1x1x64xi32, #tpu.memory_space<hbm>> -> memref<64xi32, #tpu.memory_space<hbm>>
    %dma_start3A_54 = tpu.memref_slice %arg13[%dma_start3A_47] : memref<4x!tpu.dma_semaphore, #tpu.memory_space<semaphore_mem>> -> memref<1x!tpu.dma_semaphore, #tpu.memory_space<semaphore_mem>>
    %dma_start3A_55 = tpu.memref_squeeze %dma_start3A_54 : memref<1x!tpu.dma_semaphore, #tpu.memory_space<semaphore_mem>> -> memref<!tpu.dma_semaphore, #tpu.memory_space<semaphore_mem>>
    %dma_start3A_56 = arith.constant 0 : i32
    %dma_start3A_57 = tpu.memref_slice %arg9[%dma_start3A_46, %dma_start3A_56] : memref<4x64xi32, #tpu.memory_space<vmem>> -> memref<1x64xi32, #tpu.memory_space<vmem>>
    %dma_start3A_58 = tpu.memref_squeeze %dma_start3A_57 : memref<1x64xi32, #tpu.memory_space<vmem>> -> memref<64xi32, #tpu.memory_space<vmem>>
    %dma_start3A_59 = arith.constant 0 : i32
    %dma_start3A_60 = tpu.memref_slice %arg4[%add3A, %dma_start3A_45, %dma_start3A_59] : memref<32x160x64xi32, #tpu.memory_space<hbm>> -> memref<1x1x64xi32, #tpu.memory_space<hbm>>
    %dma_start3A_61 = tpu.memref_squeeze %dma_start3A_60 : memref<1x1x64xi32, #tpu.memory_space<hbm>> -> memref<64xi32, #tpu.memory_space<hbm>>
    tpu.enqueue_dma source(%dma_start3A_61 : memref<64xi32, #tpu.memory_space<hbm>>) target(%dma_start3A_58 : memref<64xi32, #tpu.memory_space<vmem>>) target_semaphore(%dma_start3A_55 : memref<!tpu.dma_semaphore, #tpu.memory_space<semaphore_mem>>)
    %dma_start3A_62 = arith.constant 2 : i32
    %dma_start3A_63 = arith.constant 2 : i32
    %dma_start3A_64 = arith.constant 0 : i32
    %dma_start3A_65 = arith.constant 0 : i32
    %dma_start3A_66 = tpu.memref_slice %arg10[%dma_start3A_62, %dma_start3A_64, %dma_start3A_65] : memref<4x64x128xf32, #tpu.memory_space<vmem>> -> memref<1x64x128xf32, #tpu.memory_space<vmem>>
    %dma_start3A_67 = tpu.memref_squeeze %dma_start3A_66 : memref<1x64x128xf32, #tpu.memory_space<vmem>> -> memref<64x128xf32, #tpu.memory_space<vmem>>
    %dma_start3A_68 = arith.constant 128 : i32
    %dma_start3A_69 = tpu.memref_slice %arg8[%dma_start3A_68] : memref<10240xi32, #tpu.memory_space<vmem>> -> memref<64xi32, #tpu.memory_space<vmem>>
    %dma_start3A_70 = arith.constant 0 : i32
    %dma_start3A_71 = arith.constant 0 : i32
    %dma_start3A_72 = tpu.memref_slice %arg2[%dma_start3A_70, %dma_start3A_71] : memref<10000x128xf32, #tpu.memory_space<hbm>> -> memref<10000x128xf32, #tpu.memory_space<hbm>>
    %dma_start3A_73 = tpu.memref_slice %arg11[%dma_start3A_63] : memref<4x!tpu.dma_semaphore, #tpu.memory_space<semaphore_mem>> -> memref<1x!tpu.dma_semaphore, #tpu.memory_space<semaphore_mem>>
    %dma_start3A_74 = tpu.memref_squeeze %dma_start3A_73 : memref<1x!tpu.dma_semaphore, #tpu.memory_space<semaphore_mem>> -> memref<!tpu.dma_semaphore, #tpu.memory_space<semaphore_mem>>
    tpu.enqueue_indirect_dma source(%dma_start3A_72 : memref<10000x128xf32, #tpu.memory_space<hbm>>) target(%dma_start3A_67 : memref<64x128xf32, #tpu.memory_space<vmem>>) offsets(%dma_start3A_69 : memref<64xi32, #tpu.memory_space<vmem>>) semaphore(%dma_start3A_74 : memref<!tpu.dma_semaphore, #tpu.memory_space<semaphore_mem>>)
    %dma_start3A_75 = arith.constant 2 : i32
    %dma_start3A_76 = arith.constant 2 : i32
    %dma_start3A_77 = arith.constant 2 : i32
    %dma_start3A_78 = arith.constant 0 : i32
    %dma_start3A_79 = tpu.memref_slice %arg9[%dma_start3A_76, %dma_start3A_78] : memref<4x64xi32, #tpu.memory_space<vmem>> -> memref<1x64xi32, #tpu.memory_space<vmem>>
    %dma_start3A_80 = tpu.memref_squeeze %dma_start3A_79 : memref<1x64xi32, #tpu.memory_space<vmem>> -> memref<64xi32, #tpu.memory_space<vmem>>
    %dma_start3A_81 = arith.constant 0 : i32
    %dma_start3A_82 = tpu.memref_slice %arg4[%add3A, %dma_start3A_75, %dma_start3A_81] : memref<32x160x64xi32, #tpu.memory_space<hbm>> -> memref<1x1x64xi32, #tpu.memory_space<hbm>>
    %dma_start3A_83 = tpu.memref_squeeze %dma_start3A_82 : memref<1x1x64xi32, #tpu.memory_space<hbm>> -> memref<64xi32, #tpu.memory_space<hbm>>
    %dma_start3A_84 = tpu.memref_slice %arg13[%dma_start3A_77] : memref<4x!tpu.dma_semaphore, #tpu.memory_space<semaphore_mem>> -> memref<1x!tpu.dma_semaphore, #tpu.memory_space<semaphore_mem>>
    %dma_start3A_85 = tpu.memref_squeeze %dma_start3A_84 : memref<1x!tpu.dma_semaphore, #tpu.memory_space<semaphore_mem>> -> memref<!tpu.dma_semaphore, #tpu.memory_space<semaphore_mem>>
    %dma_start3A_86 = arith.constant 0 : i32
    %dma_start3A_87 = tpu.memref_slice %arg9[%dma_start3A_76, %dma_start3A_86] : memref<4x64xi32, #tpu.memory_space<vmem>> -> memref<1x64xi32, #tpu.memory_space<vmem>>
    %dma_start3A_88 = tpu.memref_squeeze %dma_start3A_87 : memref<1x64xi32, #tpu.memory_space<vmem>> -> memref<64xi32, #tpu.memory_space<vmem>>
    %dma_start3A_89 = arith.constant 0 : i32
    %dma_start3A_90 = tpu.memref_slice %arg4[%add3A, %dma_start3A_75, %dma_start3A_89] : memref<32x160x64xi32, #tpu.memory_space<hbm>> -> memref<1x1x64xi32, #tpu.memory_space<hbm>>
    %dma_start3A_91 = tpu.memref_squeeze %dma_start3A_90 : memref<1x1x64xi32, #tpu.memory_space<hbm>> -> memref<64xi32, #tpu.memory_space<hbm>>
    tpu.enqueue_dma source(%dma_start3A_91 : memref<64xi32, #tpu.memory_space<hbm>>) target(%dma_start3A_88 : memref<64xi32, #tpu.memory_space<vmem>>) target_semaphore(%dma_start3A_85 : memref<!tpu.dma_semaphore, #tpu.memory_space<semaphore_mem>>)
    %dma_start3A_92 = arith.constant 3 : i32
    %dma_start3A_93 = arith.constant 3 : i32
    %dma_start3A_94 = arith.constant 0 : i32
    %dma_start3A_95 = arith.constant 0 : i32
    %dma_start3A_96 = tpu.memref_slice %arg10[%dma_start3A_92, %dma_start3A_94, %dma_start3A_95] : memref<4x64x128xf32, #tpu.memory_space<vmem>> -> memref<1x64x128xf32, #tpu.memory_space<vmem>>
    %dma_start3A_97 = tpu.memref_squeeze %dma_start3A_96 : memref<1x64x128xf32, #tpu.memory_space<vmem>> -> memref<64x128xf32, #tpu.memory_space<vmem>>
    %dma_start3A_98 = arith.constant 192 : i32
    %dma_start3A_99 = tpu.memref_slice %arg8[%dma_start3A_98] : memref<10240xi32, #tpu.memory_space<vmem>> -> memref<64xi32, #tpu.memory_space<vmem>>
    %dma_start3A_100 = arith.constant 0 : i32
    %dma_start3A_101 = arith.constant 0 : i32
    %dma_start3A_102 = tpu.memref_slice %arg2[%dma_start3A_100, %dma_start3A_101] : memref<10000x128xf32, #tpu.memory_space<hbm>> -> memref<10000x128xf32, #tpu.memory_space<hbm>>
    %dma_start3A_103 = tpu.memref_slice %arg11[%dma_start3A_93] : memref<4x!tpu.dma_semaphore, #tpu.memory_space<semaphore_mem>> -> memref<1x!tpu.dma_semaphore, #tpu.memory_space<semaphore_mem>>
    %dma_start3A_104 = tpu.memref_squeeze %dma_start3A_103 : memref<1x!tpu.dma_semaphore, #tpu.memory_space<semaphore_mem>> -> memref<!tpu.dma_semaphore, #tpu.memory_space<semaphore_mem>>
    tpu.enqueue_indirect_dma source(%dma_start3A_102 : memref<10000x128xf32, #tpu.memory_space<hbm>>) target(%dma_start3A_97 : memref<64x128xf32, #tpu.memory_space<vmem>>) offsets(%dma_start3A_99 : memref<64xi32, #tpu.memory_space<vmem>>) semaphore(%dma_start3A_104 : memref<!tpu.dma_semaphore, #tpu.memory_space<semaphore_mem>>)
    %dma_start3A_105 = arith.constant 3 : i32
    %dma_start3A_106 = arith.constant 3 : i32
    %dma_start3A_107 = arith.constant 3 : i32
    %dma_start3A_108 = arith.constant 0 : i32
    %dma_start3A_109 = tpu.memref_slice %arg9[%dma_start3A_106, %dma_start3A_108] : memref<4x64xi32, #tpu.memory_space<vmem>> -> memref<1x64xi32, #tpu.memory_space<vmem>>
    %dma_start3A_110 = tpu.memref_squeeze %dma_start3A_109 : memref<1x64xi32, #tpu.memory_space<vmem>> -> memref<64xi32, #tpu.memory_space<vmem>>
    %dma_start3A_111 = arith.constant 0 : i32
    %dma_start3A_112 = tpu.memref_slice %arg4[%add3A, %dma_start3A_105, %dma_start3A_111] : memref<32x160x64xi32, #tpu.memory_space<hbm>> -> memref<1x1x64xi32, #tpu.memory_space<hbm>>
    %dma_start3A_113 = tpu.memref_squeeze %dma_start3A_112 : memref<1x1x64xi32, #tpu.memory_space<hbm>> -> memref<64xi32, #tpu.memory_space<hbm>>
    %dma_start3A_114 = tpu.memref_slice %arg13[%dma_start3A_107] : memref<4x!tpu.dma_semaphore, #tpu.memory_space<semaphore_mem>> -> memref<1x!tpu.dma_semaphore, #tpu.memory_space<semaphore_mem>>
    %dma_start3A_115 = tpu.memref_squeeze %dma_start3A_114 : memref<1x!tpu.dma_semaphore, #tpu.memory_space<semaphore_mem>> -> memref<!tpu.dma_semaphore, #tpu.memory_space<semaphore_mem>>
    %dma_start3A_116 = arith.constant 0 : i32
    %dma_start3A_117 = tpu.memref_slice %arg9[%dma_start3A_106, %dma_start3A_116] : memref<4x64xi32, #tpu.memory_space<vmem>> -> memref<1x64xi32, #tpu.memory_space<vmem>>
    %dma_start3A_118 = tpu.memref_squeeze %dma_start3A_117 : memref<1x64xi32, #tpu.memory_space<vmem>> -> memref<64xi32, #tpu.memory_space<vmem>>
    %dma_start3A_119 = arith.constant 0 : i32
    %dma_start3A_120 = tpu.memref_slice %arg4[%add3A, %dma_start3A_105, %dma_start3A_119] : memref<32x160x64xi32, #tpu.memory_space<hbm>> -> memref<1x1x64xi32, #tpu.memory_space<hbm>>
    %dma_start3A_121 = tpu.memref_squeeze %dma_start3A_120 : memref<1x1x64xi32, #tpu.memory_space<hbm>> -> memref<64xi32, #tpu.memory_space<hbm>>
    tpu.enqueue_dma source(%dma_start3A_121 : memref<64xi32, #tpu.memory_space<hbm>>) target(%dma_start3A_118 : memref<64xi32, #tpu.memory_space<vmem>>) target_semaphore(%dma_start3A_115 : memref<!tpu.dma_semaphore, #tpu.memory_space<semaphore_mem>>)
    %scan3A = arith.constant 0 : i32
    %scan3A_122 = arith.constant 0 : i32
    %scan3A_123 = arith.constant 39 : i32
    %scan3A_124 = arith.addi %scan3A_122, %scan3A_123 : i32
    %scan3A_125 = arith.constant 1 : i32
    scf.for %scan3A_369 = %scan3A_122 to %scan3A_124 step %scan3A_125  : i32 {
      %mul3A_370 = arith.constant 4 : i32
      %mul3A_371 = arith.muli %scan3A_369, %mul3A_370 : i32
      %add3A_372 = arith.constant 0 : i32
      %add3A_373 = arith.addi %mul3A_371, %add3A_372 : i32
      %mul3A_374 = arith.constant 64 : i32
      %mul3A_375 = arith.muli %add3A_373, %mul3A_374 : i32
      %dma_wait3A_376 = arith.constant 0 : i32
      %dma_wait3A_377 = arith.constant 0 : i32
      %dma_wait3A_378 = arith.constant 0 : i32
      %dma_wait3A_379 = arith.constant 0 : i32
      %dma_wait3A_380 = tpu.memref_slice %arg10[%dma_wait3A_376, %dma_wait3A_378, %dma_wait3A_379] : memref<4x64x128xf32, #tpu.memory_space<vmem>> -> memref<1x64x128xf32, #tpu.memory_space<vmem>>
      %dma_wait3A_381 = tpu.memref_squeeze %dma_wait3A_380 : memref<1x64x128xf32, #tpu.memory_space<vmem>> -> memref<64x128xf32, #tpu.memory_space<vmem>>
      %dma_wait3A_382 = tpu.memref_slice %arg8[%mul3A_375] : memref<10240xi32, #tpu.memory_space<vmem>> -> memref<64xi32, #tpu.memory_space<vmem>>
      %dma_wait3A_383 = arith.constant 0 : i32
      %dma_wait3A_384 = arith.constant 0 : i32
      %dma_wait3A_385 = tpu.memref_slice %arg2[%dma_wait3A_383, %dma_wait3A_384] : memref<10000x128xf32, #tpu.memory_space<hbm>> -> memref<10000x128xf32, #tpu.memory_space<hbm>>
      %dma_wait3A_386 = tpu.memref_slice %arg11[%dma_wait3A_377] : memref<4x!tpu.dma_semaphore, #tpu.memory_space<semaphore_mem>> -> memref<1x!tpu.dma_semaphore, #tpu.memory_space<semaphore_mem>>
      %dma_wait3A_387 = tpu.memref_squeeze %dma_wait3A_386 : memref<1x!tpu.dma_semaphore, #tpu.memory_space<semaphore_mem>> -> memref<!tpu.dma_semaphore, #tpu.memory_space<semaphore_mem>>
      tpu.wait_indirect_dma semaphore(%dma_wait3A_387 : memref<!tpu.dma_semaphore, #tpu.memory_space<semaphore_mem>>) src(%dma_wait3A_385 : memref<10000x128xf32, #tpu.memory_space<hbm>>) dst(%dma_wait3A_381 : memref<64x128xf32, #tpu.memory_space<vmem>>)
      %dma_wait3A_388 = arith.constant 0 : i32
      %dma_wait3A_389 = arith.constant 0 : i32
      %dma_wait3A_390 = arith.constant 0 : i32
      %dma_wait3A_391 = tpu.memref_slice %arg9[%dma_wait3A_388, %dma_wait3A_390] : memref<4x64xi32, #tpu.memory_space<vmem>> -> memref<1x64xi32, #tpu.memory_space<vmem>>
      %dma_wait3A_392 = tpu.memref_squeeze %dma_wait3A_391 : memref<1x64xi32, #tpu.memory_space<vmem>> -> memref<64xi32, #tpu.memory_space<vmem>>
      %dma_wait3A_393 = arith.constant 0 : i32
      %dma_wait3A_394 = tpu.memref_slice %arg4[%add3A, %add3A_373, %dma_wait3A_393] : memref<32x160x64xi32, #tpu.memory_space<hbm>> -> memref<1x1x64xi32, #tpu.memory_space<hbm>>
      %dma_wait3A_395 = tpu.memref_squeeze %dma_wait3A_394 : memref<1x1x64xi32, #tpu.memory_space<hbm>> -> memref<64xi32, #tpu.memory_space<hbm>>
      %dma_wait3A_396 = tpu.memref_slice %arg13[%dma_wait3A_389] : memref<4x!tpu.dma_semaphore, #tpu.memory_space<semaphore_mem>> -> memref<1x!tpu.dma_semaphore, #tpu.memory_space<semaphore_mem>>
      %dma_wait3A_397 = tpu.memref_squeeze %dma_wait3A_396 : memref<1x!tpu.dma_semaphore, #tpu.memory_space<semaphore_mem>> -> memref<!tpu.dma_semaphore, #tpu.memory_space<semaphore_mem>>
      %dma_wait3A_398 = arith.constant 0 : i32
      %dma_wait3A_399 = tpu.memref_slice %arg9[%dma_wait3A_388, %dma_wait3A_398] : memref<4x64xi32, #tpu.memory_space<vmem>> -> memref<1x64xi32, #tpu.memory_space<vmem>>
      %dma_wait3A_400 = tpu.memref_squeeze %dma_wait3A_399 : memref<1x64xi32, #tpu.memory_space<vmem>> -> memref<64xi32, #tpu.memory_space<vmem>>
      %dma_wait3A_401 = arith.constant 0 : i32
      %dma_wait3A_402 = tpu.memref_slice %arg4[%add3A, %add3A_373, %dma_wait3A_401] : memref<32x160x64xi32, #tpu.memory_space<hbm>> -> memref<1x1x64xi32, #tpu.memory_space<hbm>>
      %dma_wait3A_403 = tpu.memref_squeeze %dma_wait3A_402 : memref<1x1x64xi32, #tpu.memory_space<hbm>> -> memref<64xi32, #tpu.memory_space<hbm>>
      tpu.wait_dma2 semaphore(%dma_wait3A_397 : memref<!tpu.dma_semaphore, #tpu.memory_space<semaphore_mem>>) src(%dma_wait3A_403 : memref<64xi32, #tpu.memory_space<hbm>>) dst(%dma_wait3A_400 : memref<64xi32, #tpu.memory_space<vmem>>)
      %dma_start3A_404 = arith.constant 0 : i32
      %dma_start3A_405 = arith.constant 0 : i32
      %dma_start3A_406 = arith.constant 0 : i32
      %dma_start3A_407 = arith.constant 0 : i32
      %dma_start3A_408 = arith.constant 0 : i32
      %dma_start3A_409 = tpu.memref_slice %arg10[%dma_start3A_404, %dma_start3A_407, %dma_start3A_408] : memref<4x64x128xf32, #tpu.memory_space<vmem>> -> memref<1x64x128xf32, #tpu.memory_space<vmem>>
      %dma_start3A_410 = tpu.memref_squeeze %dma_start3A_409 : memref<1x64x128xf32, #tpu.memory_space<vmem>> -> memref<64x128xf32, #tpu.memory_space<vmem>>
      %dma_start3A_411 = arith.constant 0 : i32
      %dma_start3A_412 = tpu.memref_slice %arg9[%dma_start3A_405, %dma_start3A_411] : memref<4x64xi32, #tpu.memory_space<vmem>> -> memref<1x64xi32, #tpu.memory_space<vmem>>
      %dma_start3A_413 = tpu.memref_squeeze %dma_start3A_412 : memref<1x64xi32, #tpu.memory_space<vmem>> -> memref<64xi32, #tpu.memory_space<vmem>>
      %dma_start3A_414 = arith.constant 0 : i32
      %dma_start3A_415 = arith.constant 0 : i32
      %dma_start3A_416 = tpu.memref_slice %arg7[%dma_start3A_414, %dma_start3A_415] : memref<10112x128xf32, #tpu.memory_space<vmem_shared>> -> memref<10112x128xf32, #tpu.memory_space<vmem_shared>>
      %dma_start3A_417 = tpu.memref_slice %arg12[%dma_start3A_406] : memref<4x!tpu.dma_semaphore, #tpu.memory_space<semaphore_mem>> -> memref<1x!tpu.dma_semaphore, #tpu.memory_space<semaphore_mem>>
      %dma_start3A_418 = tpu.memref_squeeze %dma_start3A_417 : memref<1x!tpu.dma_semaphore, #tpu.memory_space<semaphore_mem>> -> memref<!tpu.dma_semaphore, #tpu.memory_space<semaphore_mem>>
      tpu.enqueue_indirect_dma source(%dma_start3A_410 : memref<64x128xf32, #tpu.memory_space<vmem>>) target(%dma_start3A_416 : memref<10112x128xf32, #tpu.memory_space<vmem_shared>>) offsets(%dma_start3A_413 : memref<64xi32, #tpu.memory_space<vmem>>) semaphore(%dma_start3A_418 : memref<!tpu.dma_semaphore, #tpu.memory_space<semaphore_mem>>) {add = true}
      %dma_wait3A_419 = arith.constant 0 : i32
      %dma_wait3A_420 = arith.constant 0 : i32
      %dma_wait3A_421 = arith.constant 0 : i32
      %dma_wait3A_422 = arith.constant 0 : i32
      %dma_wait3A_423 = arith.constant 0 : i32
      %dma_wait3A_424 = tpu.memref_slice %arg10[%dma_wait3A_419, %dma_wait3A_422, %dma_wait3A_423] : memref<4x64x128xf32, #tpu.memory_space<vmem>> -> memref<1x64x128xf32, #tpu.memory_space<vmem>>
      %dma_wait3A_425 = tpu.memref_squeeze %dma_wait3A_424 : memref<1x64x128xf32, #tpu.memory_space<vmem>> -> memref<64x128xf32, #tpu.memory_space<vmem>>
      %dma_wait3A_426 = arith.constant 0 : i32
      %dma_wait3A_427 = tpu.memref_slice %arg9[%dma_wait3A_420, %dma_wait3A_426] : memref<4x64xi32, #tpu.memory_space<vmem>> -> memref<1x64xi32, #tpu.memory_space<vmem>>
      %dma_wait3A_428 = tpu.memref_squeeze %dma_wait3A_427 : memref<1x64xi32, #tpu.memory_space<vmem>> -> memref<64xi32, #tpu.memory_space<vmem>>
      %dma_wait3A_429 = arith.constant 0 : i32
      %dma_wait3A_430 = arith.constant 0 : i32
      %dma_wait3A_431 = tpu.memref_slice %arg7[%dma_wait3A_429, %dma_wait3A_430] : memref<10112x128xf32, #tpu.memory_space<vmem_shared>> -> memref<10112x128xf32, #tpu.memory_space<vmem_shared>>
      %dma_wait3A_432 = tpu.memref_slice %arg12[%dma_wait3A_421] : memref<4x!tpu.dma_semaphore, #tpu.memory_space<semaphore_mem>> -> memref<1x!tpu.dma_semaphore, #tpu.memory_space<semaphore_mem>>
      %dma_wait3A_433 = tpu.memref_squeeze %dma_wait3A_432 : memref<1x!tpu.dma_semaphore, #tpu.memory_space<semaphore_mem>> -> memref<!tpu.dma_semaphore, #tpu.memory_space<semaphore_mem>>
      tpu.wait_indirect_dma semaphore(%dma_wait3A_433 : memref<!tpu.dma_semaphore, #tpu.memory_space<semaphore_mem>>) src(%dma_wait3A_425 : memref<64x128xf32, #tpu.memory_space<vmem>>) dst(%dma_wait3A_431 : memref<10112x128xf32, #tpu.memory_space<vmem_shared>>)
      %add3A_434 = arith.constant 4 : i32
      %add3A_435 = arith.addi %add3A_373, %add3A_434 : i32
      %mul3A_436 = arith.constant 64 : i32
      %mul3A_437 = arith.muli %add3A_435, %mul3A_436 : i32
      %dma_start3A_438 = arith.constant 0 : i32
      %dma_start3A_439 = arith.constant 0 : i32
      %dma_start3A_440 = arith.constant 0 : i32
      %dma_start3A_441 = arith.constant 0 : i32
      %dma_start3A_442 = tpu.memref_slice %arg10[%dma_start3A_438, %dma_start3A_440, %dma_start3A_441] : memref<4x64x128xf32, #tpu.memory_space<vmem>> -> memref<1x64x128xf32, #tpu.memory_space<vmem>>
      %dma_start3A_443 = tpu.memref_squeeze %dma_start3A_442 : memref<1x64x128xf32, #tpu.memory_space<vmem>> -> memref<64x128xf32, #tpu.memory_space<vmem>>
      %dma_start3A_444 = tpu.memref_slice %arg8[%mul3A_437] : memref<10240xi32, #tpu.memory_space<vmem>> -> memref<64xi32, #tpu.memory_space<vmem>>
      %dma_start3A_445 = arith.constant 0 : i32
      %dma_start3A_446 = arith.constant 0 : i32
      %dma_start3A_447 = tpu.memref_slice %arg2[%dma_start3A_445, %dma_start3A_446] : memref<10000x128xf32, #tpu.memory_space<hbm>> -> memref<10000x128xf32, #tpu.memory_space<hbm>>
      %dma_start3A_448 = tpu.memref_slice %arg11[%dma_start3A_439] : memref<4x!tpu.dma_semaphore, #tpu.memory_space<semaphore_mem>> -> memref<1x!tpu.dma_semaphore, #tpu.memory_space<semaphore_mem>>
      %dma_start3A_449 = tpu.memref_squeeze %dma_start3A_448 : memref<1x!tpu.dma_semaphore, #tpu.memory_space<semaphore_mem>> -> memref<!tpu.dma_semaphore, #tpu.memory_space<semaphore_mem>>
      tpu.enqueue_indirect_dma source(%dma_start3A_447 : memref<10000x128xf32, #tpu.memory_space<hbm>>) target(%dma_start3A_443 : memref<64x128xf32, #tpu.memory_space<vmem>>) offsets(%dma_start3A_444 : memref<64xi32, #tpu.memory_space<vmem>>) semaphore(%dma_start3A_449 : memref<!tpu.dma_semaphore, #tpu.memory_space<semaphore_mem>>)
      %add3A_450 = arith.constant 4 : i32
      %add3A_451 = arith.addi %add3A_373, %add3A_450 : i32
      %dma_start3A_452 = arith.constant 0 : i32
      %dma_start3A_453 = arith.constant 0 : i32
      %dma_start3A_454 = arith.constant 0 : i32
      %dma_start3A_455 = tpu.memref_slice %arg9[%dma_start3A_452, %dma_start3A_454] : memref<4x64xi32, #tpu.memory_space<vmem>> -> memref<1x64xi32, #tpu.memory_space<vmem>>
      %dma_start3A_456 = tpu.memref_squeeze %dma_start3A_455 : memref<1x64xi32, #tpu.memory_space<vmem>> -> memref<64xi32, #tpu.memory_space<vmem>>
      %dma_start3A_457 = arith.constant 0 : i32
      %dma_start3A_458 = tpu.memref_slice %arg4[%add3A, %add3A_451, %dma_start3A_457] : memref<32x160x64xi32, #tpu.memory_space<hbm>> -> memref<1x1x64xi32, #tpu.memory_space<hbm>>
      %dma_start3A_459 = tpu.memref_squeeze %dma_start3A_458 : memref<1x1x64xi32, #tpu.memory_space<hbm>> -> memref<64xi32, #tpu.memory_space<hbm>>
      %dma_start3A_460 = tpu.memref_slice %arg13[%dma_start3A_453] : memref<4x!tpu.dma_semaphore, #tpu.memory_space<semaphore_mem>> -> memref<1x!tpu.dma_semaphore, #tpu.memory_space<semaphore_mem>>
      %dma_start3A_461 = tpu.memref_squeeze %dma_start3A_460 : memref<1x!tpu.dma_semaphore, #tpu.memory_space<semaphore_mem>> -> memref<!tpu.dma_semaphore, #tpu.memory_space<semaphore_mem>>
      %dma_start3A_462 = arith.constant 0 : i32
      %dma_start3A_463 = tpu.memref_slice %arg9[%dma_start3A_452, %dma_start3A_462] : memref<4x64xi32, #tpu.memory_space<vmem>> -> memref<1x64xi32, #tpu.memory_space<vmem>>
      %dma_start3A_464 = tpu.memref_squeeze %dma_start3A_463 : memref<1x64xi32, #tpu.memory_space<vmem>> -> memref<64xi32, #tpu.memory_space<vmem>>
      %dma_start3A_465 = arith.constant 0 : i32
      %dma_start3A_466 = tpu.memref_slice %arg4[%add3A, %add3A_451, %dma_start3A_465] : memref<32x160x64xi32, #tpu.memory_space<hbm>> -> memref<1x1x64xi32, #tpu.memory_space<hbm>>
      %dma_start3A_467 = tpu.memref_squeeze %dma_start3A_466 : memref<1x1x64xi32, #tpu.memory_space<hbm>> -> memref<64xi32, #tpu.memory_space<hbm>>
      tpu.enqueue_dma source(%dma_start3A_467 : memref<64xi32, #tpu.memory_space<hbm>>) target(%dma_start3A_464 : memref<64xi32, #tpu.memory_space<vmem>>) target_semaphore(%dma_start3A_461 : memref<!tpu.dma_semaphore, #tpu.memory_space<semaphore_mem>>)
      %mul3A_468 = arith.constant 4 : i32
      %mul3A_469 = arith.muli %scan3A_369, %mul3A_468 : i32
      %add3A_470 = arith.constant 1 : i32
      %add3A_471 = arith.addi %mul3A_469, %add3A_470 : i32
      %mul3A_472 = arith.constant 64 : i32
      %mul3A_473 = arith.muli %add3A_471, %mul3A_472 : i32
      %dma_wait3A_474 = arith.constant 1 : i32
      %dma_wait3A_475 = arith.constant 1 : i32
      %dma_wait3A_476 = arith.constant 0 : i32
      %dma_wait3A_477 = arith.constant 0 : i32
      %dma_wait3A_478 = tpu.memref_slice %arg10[%dma_wait3A_474, %dma_wait3A_476, %dma_wait3A_477] : memref<4x64x128xf32, #tpu.memory_space<vmem>> -> memref<1x64x128xf32, #tpu.memory_space<vmem>>
      %dma_wait3A_479 = tpu.memref_squeeze %dma_wait3A_478 : memref<1x64x128xf32, #tpu.memory_space<vmem>> -> memref<64x128xf32, #tpu.memory_space<vmem>>
      %dma_wait3A_480 = tpu.memref_slice %arg8[%mul3A_473] : memref<10240xi32, #tpu.memory_space<vmem>> -> memref<64xi32, #tpu.memory_space<vmem>>
      %dma_wait3A_481 = arith.constant 0 : i32
      %dma_wait3A_482 = arith.constant 0 : i32
      %dma_wait3A_483 = tpu.memref_slice %arg2[%dma_wait3A_481, %dma_wait3A_482] : memref<10000x128xf32, #tpu.memory_space<hbm>> -> memref<10000x128xf32, #tpu.memory_space<hbm>>
      %dma_wait3A_484 = tpu.memref_slice %arg11[%dma_wait3A_475] : memref<4x!tpu.dma_semaphore, #tpu.memory_space<semaphore_mem>> -> memref<1x!tpu.dma_semaphore, #tpu.memory_space<semaphore_mem>>
      %dma_wait3A_485 = tpu.memref_squeeze %dma_wait3A_484 : memref<1x!tpu.dma_semaphore, #tpu.memory_space<semaphore_mem>> -> memref<!tpu.dma_semaphore, #tpu.memory_space<semaphore_mem>>
      tpu.wait_indirect_dma semaphore(%dma_wait3A_485 : memref<!tpu.dma_semaphore, #tpu.memory_space<semaphore_mem>>) src(%dma_wait3A_483 : memref<10000x128xf32, #tpu.memory_space<hbm>>) dst(%dma_wait3A_479 : memref<64x128xf32, #tpu.memory_space<vmem>>)
      %dma_wait3A_486 = arith.constant 1 : i32
      %dma_wait3A_487 = arith.constant 1 : i32
      %dma_wait3A_488 = arith.constant 0 : i32
      %dma_wait3A_489 = tpu.memref_slice %arg9[%dma_wait3A_486, %dma_wait3A_488] : memref<4x64xi32, #tpu.memory_space<vmem>> -> memref<1x64xi32, #tpu.memory_space<vmem>>
      %dma_wait3A_490 = tpu.memref_squeeze %dma_wait3A_489 : memref<1x64xi32, #tpu.memory_space<vmem>> -> memref<64xi32, #tpu.memory_space<vmem>>
      %dma_wait3A_491 = arith.constant 0 : i32
      %dma_wait3A_492 = tpu.memref_slice %arg4[%add3A, %add3A_471, %dma_wait3A_491] : memref<32x160x64xi32, #tpu.memory_space<hbm>> -> memref<1x1x64xi32, #tpu.memory_space<hbm>>
      %dma_wait3A_493 = tpu.memref_squeeze %dma_wait3A_492 : memref<1x1x64xi32, #tpu.memory_space<hbm>> -> memref<64xi32, #tpu.memory_space<hbm>>
      %dma_wait3A_494 = tpu.memref_slice %arg13[%dma_wait3A_487] : memref<4x!tpu.dma_semaphore, #tpu.memory_space<semaphore_mem>> -> memref<1x!tpu.dma_semaphore, #tpu.memory_space<semaphore_mem>>
      %dma_wait3A_495 = tpu.memref_squeeze %dma_wait3A_494 : memref<1x!tpu.dma_semaphore, #tpu.memory_space<semaphore_mem>> -> memref<!tpu.dma_semaphore, #tpu.memory_space<semaphore_mem>>
      %dma_wait3A_496 = arith.constant 0 : i32
      %dma_wait3A_497 = tpu.memref_slice %arg9[%dma_wait3A_486, %dma_wait3A_496] : memref<4x64xi32, #tpu.memory_space<vmem>> -> memref<1x64xi32, #tpu.memory_space<vmem>>
      %dma_wait3A_498 = tpu.memref_squeeze %dma_wait3A_497 : memref<1x64xi32, #tpu.memory_space<vmem>> -> memref<64xi32, #tpu.memory_space<vmem>>
      %dma_wait3A_499 = arith.constant 0 : i32
      %dma_wait3A_500 = tpu.memref_slice %arg4[%add3A, %add3A_471, %dma_wait3A_499] : memref<32x160x64xi32, #tpu.memory_space<hbm>> -> memref<1x1x64xi32, #tpu.memory_space<hbm>>
      %dma_wait3A_501 = tpu.memref_squeeze %dma_wait3A_500 : memref<1x1x64xi32, #tpu.memory_space<hbm>> -> memref<64xi32, #tpu.memory_space<hbm>>
      tpu.wait_dma2 semaphore(%dma_wait3A_495 : memref<!tpu.dma_semaphore, #tpu.memory_space<semaphore_mem>>) src(%dma_wait3A_501 : memref<64xi32, #tpu.memory_space<hbm>>) dst(%dma_wait3A_498 : memref<64xi32, #tpu.memory_space<vmem>>)
      %dma_start3A_502 = arith.constant 1 : i32
      %dma_start3A_503 = arith.constant 1 : i32
      %dma_start3A_504 = arith.constant 1 : i32
      %dma_start3A_505 = arith.constant 0 : i32
      %dma_start3A_506 = arith.constant 0 : i32
      %dma_start3A_507 = tpu.memref_slice %arg10[%dma_start3A_502, %dma_start3A_505, %dma_start3A_506] : memref<4x64x128xf32, #tpu.memory_space<vmem>> -> memref<1x64x128xf32, #tpu.memory_space<vmem>>
      %dma_start3A_508 = tpu.memref_squeeze %dma_start3A_507 : memref<1x64x128xf32, #tpu.memory_space<vmem>> -> memref<64x128xf32, #tpu.memory_space<vmem>>
      %dma_start3A_509 = arith.constant 0 : i32
      %dma_start3A_510 = tpu.memref_slice %arg9[%dma_start3A_503, %dma_start3A_509] : memref<4x64xi32, #tpu.memory_space<vmem>> -> memref<1x64xi32, #tpu.memory_space<vmem>>
      %dma_start3A_511 = tpu.memref_squeeze %dma_start3A_510 : memref<1x64xi32, #tpu.memory_space<vmem>> -> memref<64xi32, #tpu.memory_space<vmem>>
      %dma_start3A_512 = arith.constant 0 : i32
      %dma_start3A_513 = arith.constant 0 : i32
      %dma_start3A_514 = tpu.memref_slice %arg7[%dma_start3A_512, %dma_start3A_513] : memref<10112x128xf32, #tpu.memory_space<vmem_shared>> -> memref<10112x128xf32, #tpu.memory_space<vmem_shared>>
      %dma_start3A_515 = tpu.memref_slice %arg12[%dma_start3A_504] : memref<4x!tpu.dma_semaphore, #tpu.memory_space<semaphore_mem>> -> memref<1x!tpu.dma_semaphore, #tpu.memory_space<semaphore_mem>>
      %dma_start3A_516 = tpu.memref_squeeze %dma_start3A_515 : memref<1x!tpu.dma_semaphore, #tpu.memory_space<semaphore_mem>> -> memref<!tpu.dma_semaphore, #tpu.memory_space<semaphore_mem>>
      tpu.enqueue_indirect_dma source(%dma_start3A_508 : memref<64x128xf32, #tpu.memory_space<vmem>>) target(%dma_start3A_514 : memref<10112x128xf32, #tpu.memory_space<vmem_shared>>) offsets(%dma_start3A_511 : memref<64xi32, #tpu.memory_space<vmem>>) semaphore(%dma_start3A_516 : memref<!tpu.dma_semaphore, #tpu.memory_space<semaphore_mem>>) {add = true}
      %dma_wait3A_517 = arith.constant 1 : i32
      %dma_wait3A_518 = arith.constant 1 : i32
      %dma_wait3A_519 = arith.constant 1 : i32
      %dma_wait3A_520 = arith.constant 0 : i32
      %dma_wait3A_521 = arith.constant 0 : i32
      %dma_wait3A_522 = tpu.memref_slice %arg10[%dma_wait3A_517, %dma_wait3A_520, %dma_wait3A_521] : memref<4x64x128xf32, #tpu.memory_space<vmem>> -> memref<1x64x128xf32, #tpu.memory_space<vmem>>
      %dma_wait3A_523 = tpu.memref_squeeze %dma_wait3A_522 : memref<1x64x128xf32, #tpu.memory_space<vmem>> -> memref<64x128xf32, #tpu.memory_space<vmem>>
      %dma_wait3A_524 = arith.constant 0 : i32
      %dma_wait3A_525 = tpu.memref_slice %arg9[%dma_wait3A_518, %dma_wait3A_524] : memref<4x64xi32, #tpu.memory_space<vmem>> -> memref<1x64xi32, #tpu.memory_space<vmem>>
      %dma_wait3A_526 = tpu.memref_squeeze %dma_wait3A_525 : memref<1x64xi32, #tpu.memory_space<vmem>> -> memref<64xi32, #tpu.memory_space<vmem>>
      %dma_wait3A_527 = arith.constant 0 : i32
      %dma_wait3A_528 = arith.constant 0 : i32
      %dma_wait3A_529 = tpu.memref_slice %arg7[%dma_wait3A_527, %dma_wait3A_528] : memref<10112x128xf32, #tpu.memory_space<vmem_shared>> -> memref<10112x128xf32, #tpu.memory_space<vmem_shared>>
      %dma_wait3A_530 = tpu.memref_slice %arg12[%dma_wait3A_519] : memref<4x!tpu.dma_semaphore, #tpu.memory_space<semaphore_mem>> -> memref<1x!tpu.dma_semaphore, #tpu.memory_space<semaphore_mem>>
      %dma_wait3A_531 = tpu.memref_squeeze %dma_wait3A_530 : memref<1x!tpu.dma_semaphore, #tpu.memory_space<semaphore_mem>> -> memref<!tpu.dma_semaphore, #tpu.memory_space<semaphore_mem>>
      tpu.wait_indirect_dma semaphore(%dma_wait3A_531 : memref<!tpu.dma_semaphore, #tpu.memory_space<semaphore_mem>>) src(%dma_wait3A_523 : memref<64x128xf32, #tpu.memory_space<vmem>>) dst(%dma_wait3A_529 : memref<10112x128xf32, #tpu.memory_space<vmem_shared>>)
      %add3A_532 = arith.constant 4 : i32
      %add3A_533 = arith.addi %add3A_471, %add3A_532 : i32
      %mul3A_534 = arith.constant 64 : i32
      %mul3A_535 = arith.muli %add3A_533, %mul3A_534 : i32
      %dma_start3A_536 = arith.constant 1 : i32
      %dma_start3A_537 = arith.constant 1 : i32
      %dma_start3A_538 = arith.constant 0 : i32
      %dma_start3A_539 = arith.constant 0 : i32
      %dma_start3A_540 = tpu.memref_slice %arg10[%dma_start3A_536, %dma_start3A_538, %dma_start3A_539] : memref<4x64x128xf32, #tpu.memory_space<vmem>> -> memref<1x64x128xf32, #tpu.memory_space<vmem>>
      %dma_start3A_541 = tpu.memref_squeeze %dma_start3A_540 : memref<1x64x128xf32, #tpu.memory_space<vmem>> -> memref<64x128xf32, #tpu.memory_space<vmem>>
      %dma_start3A_542 = tpu.memref_slice %arg8[%mul3A_535] : memref<10240xi32, #tpu.memory_space<vmem>> -> memref<64xi32, #tpu.memory_space<vmem>>
      %dma_start3A_543 = arith.constant 0 : i32
      %dma_start3A_544 = arith.constant 0 : i32
      %dma_start3A_545 = tpu.memref_slice %arg2[%dma_start3A_543, %dma_start3A_544] : memref<10000x128xf32, #tpu.memory_space<hbm>> -> memref<10000x128xf32, #tpu.memory_space<hbm>>
      %dma_start3A_546 = tpu.memref_slice %arg11[%dma_start3A_537] : memref<4x!tpu.dma_semaphore, #tpu.memory_space<semaphore_mem>> -> memref<1x!tpu.dma_semaphore, #tpu.memory_space<semaphore_mem>>
      %dma_start3A_547 = tpu.memref_squeeze %dma_start3A_546 : memref<1x!tpu.dma_semaphore, #tpu.memory_space<semaphore_mem>> -> memref<!tpu.dma_semaphore, #tpu.memory_space<semaphore_mem>>
      tpu.enqueue_indirect_dma source(%dma_start3A_545 : memref<10000x128xf32, #tpu.memory_space<hbm>>) target(%dma_start3A_541 : memref<64x128xf32, #tpu.memory_space<vmem>>) offsets(%dma_start3A_542 : memref<64xi32, #tpu.memory_space<vmem>>) semaphore(%dma_start3A_547 : memref<!tpu.dma_semaphore, #tpu.memory_space<semaphore_mem>>)
      %add3A_548 = arith.constant 4 : i32
      %add3A_549 = arith.addi %add3A_471, %add3A_548 : i32
      %dma_start3A_550 = arith.constant 1 : i32
      %dma_start3A_551 = arith.constant 1 : i32
      %dma_start3A_552 = arith.constant 0 : i32
      %dma_start3A_553 = tpu.memref_slice %arg9[%dma_start3A_550, %dma_start3A_552] : memref<4x64xi32, #tpu.memory_space<vmem>> -> memref<1x64xi32, #tpu.memory_space<vmem>>
      %dma_start3A_554 = tpu.memref_squeeze %dma_start3A_553 : memref<1x64xi32, #tpu.memory_space<vmem>> -> memref<64xi32, #tpu.memory_space<vmem>>
      %dma_start3A_555 = arith.constant 0 : i32
      %dma_start3A_556 = tpu.memref_slice %arg4[%add3A, %add3A_549, %dma_start3A_555] : memref<32x160x64xi32, #tpu.memory_space<hbm>> -> memref<1x1x64xi32, #tpu.memory_space<hbm>>
      %dma_start3A_557 = tpu.memref_squeeze %dma_start3A_556 : memref<1x1x64xi32, #tpu.memory_space<hbm>> -> memref<64xi32, #tpu.memory_space<hbm>>
      %dma_start3A_558 = tpu.memref_slice %arg13[%dma_start3A_551] : memref<4x!tpu.dma_semaphore, #tpu.memory_space<semaphore_mem>> -> memref<1x!tpu.dma_semaphore, #tpu.memory_space<semaphore_mem>>
      %dma_start3A_559 = tpu.memref_squeeze %dma_start3A_558 : memref<1x!tpu.dma_semaphore, #tpu.memory_space<semaphore_mem>> -> memref<!tpu.dma_semaphore, #tpu.memory_space<semaphore_mem>>
      %dma_start3A_560 = arith.constant 0 : i32
      %dma_start3A_561 = tpu.memref_slice %arg9[%dma_start3A_550, %dma_start3A_560] : memref<4x64xi32, #tpu.memory_space<vmem>> -> memref<1x64xi32, #tpu.memory_space<vmem>>
      %dma_start3A_562 = tpu.memref_squeeze %dma_start3A_561 : memref<1x64xi32, #tpu.memory_space<vmem>> -> memref<64xi32, #tpu.memory_space<vmem>>
      %dma_start3A_563 = arith.constant 0 : i32
      %dma_start3A_564 = tpu.memref_slice %arg4[%add3A, %add3A_549, %dma_start3A_563] : memref<32x160x64xi32, #tpu.memory_space<hbm>> -> memref<1x1x64xi32, #tpu.memory_space<hbm>>
      %dma_start3A_565 = tpu.memref_squeeze %dma_start3A_564 : memref<1x1x64xi32, #tpu.memory_space<hbm>> -> memref<64xi32, #tpu.memory_space<hbm>>
      tpu.enqueue_dma source(%dma_start3A_565 : memref<64xi32, #tpu.memory_space<hbm>>) target(%dma_start3A_562 : memref<64xi32, #tpu.memory_space<vmem>>) target_semaphore(%dma_start3A_559 : memref<!tpu.dma_semaphore, #tpu.memory_space<semaphore_mem>>)
      %mul3A_566 = arith.constant 4 : i32
      %mul3A_567 = arith.muli %scan3A_369, %mul3A_566 : i32
      %add3A_568 = arith.constant 2 : i32
      %add3A_569 = arith.addi %mul3A_567, %add3A_568 : i32
      %mul3A_570 = arith.constant 64 : i32
      %mul3A_571 = arith.muli %add3A_569, %mul3A_570 : i32
      %dma_wait3A_572 = arith.constant 2 : i32
      %dma_wait3A_573 = arith.constant 2 : i32
      %dma_wait3A_574 = arith.constant 0 : i32
      %dma_wait3A_575 = arith.constant 0 : i32
      %dma_wait3A_576 = tpu.memref_slice %arg10[%dma_wait3A_572, %dma_wait3A_574, %dma_wait3A_575] : memref<4x64x128xf32, #tpu.memory_space<vmem>> -> memref<1x64x128xf32, #tpu.memory_space<vmem>>
      %dma_wait3A_577 = tpu.memref_squeeze %dma_wait3A_576 : memref<1x64x128xf32, #tpu.memory_space<vmem>> -> memref<64x128xf32, #tpu.memory_space<vmem>>
      %dma_wait3A_578 = tpu.memref_slice %arg8[%mul3A_571] : memref<10240xi32, #tpu.memory_space<vmem>> -> memref<64xi32, #tpu.memory_space<vmem>>
      %dma_wait3A_579 = arith.constant 0 : i32
      %dma_wait3A_580 = arith.constant 0 : i32
      %dma_wait3A_581 = tpu.memref_slice %arg2[%dma_wait3A_579, %dma_wait3A_580] : memref<10000x128xf32, #tpu.memory_space<hbm>> -> memref<10000x128xf32, #tpu.memory_space<hbm>>
      %dma_wait3A_582 = tpu.memref_slice %arg11[%dma_wait3A_573] : memref<4x!tpu.dma_semaphore, #tpu.memory_space<semaphore_mem>> -> memref<1x!tpu.dma_semaphore, #tpu.memory_space<semaphore_mem>>
      %dma_wait3A_583 = tpu.memref_squeeze %dma_wait3A_582 : memref<1x!tpu.dma_semaphore, #tpu.memory_space<semaphore_mem>> -> memref<!tpu.dma_semaphore, #tpu.memory_space<semaphore_mem>>
      tpu.wait_indirect_dma semaphore(%dma_wait3A_583 : memref<!tpu.dma_semaphore, #tpu.memory_space<semaphore_mem>>) src(%dma_wait3A_581 : memref<10000x128xf32, #tpu.memory_space<hbm>>) dst(%dma_wait3A_577 : memref<64x128xf32, #tpu.memory_space<vmem>>)
      %dma_wait3A_584 = arith.constant 2 : i32
      %dma_wait3A_585 = arith.constant 2 : i32
      %dma_wait3A_586 = arith.constant 0 : i32
      %dma_wait3A_587 = tpu.memref_slice %arg9[%dma_wait3A_584, %dma_wait3A_586] : memref<4x64xi32, #tpu.memory_space<vmem>> -> memref<1x64xi32, #tpu.memory_space<vmem>>
      %dma_wait3A_588 = tpu.memref_squeeze %dma_wait3A_587 : memref<1x64xi32, #tpu.memory_space<vmem>> -> memref<64xi32, #tpu.memory_space<vmem>>
      %dma_wait3A_589 = arith.constant 0 : i32
      %dma_wait3A_590 = tpu.memref_slice %arg4[%add3A, %add3A_569, %dma_wait3A_589] : memref<32x160x64xi32, #tpu.memory_space<hbm>> -> memref<1x1x64xi32, #tpu.memory_space<hbm>>
      %dma_wait3A_591 = tpu.memref_squeeze %dma_wait3A_590 : memref<1x1x64xi32, #tpu.memory_space<hbm>> -> memref<64xi32, #tpu.memory_space<hbm>>
      %dma_wait3A_592 = tpu.memref_slice %arg13[%dma_wait3A_585] : memref<4x!tpu.dma_semaphore, #tpu.memory_space<semaphore_mem>> -> memref<1x!tpu.dma_semaphore, #tpu.memory_space<semaphore_mem>>
      %dma_wait3A_593 = tpu.memref_squeeze %dma_wait3A_592 : memref<1x!tpu.dma_semaphore, #tpu.memory_space<semaphore_mem>> -> memref<!tpu.dma_semaphore, #tpu.memory_space<semaphore_mem>>
      %dma_wait3A_594 = arith.constant 0 : i32
      %dma_wait3A_595 = tpu.memref_slice %arg9[%dma_wait3A_584, %dma_wait3A_594] : memref<4x64xi32, #tpu.memory_space<vmem>> -> memref<1x64xi32, #tpu.memory_space<vmem>>
      %dma_wait3A_596 = tpu.memref_squeeze %dma_wait3A_595 : memref<1x64xi32, #tpu.memory_space<vmem>> -> memref<64xi32, #tpu.memory_space<vmem>>
      %dma_wait3A_597 = arith.constant 0 : i32
      %dma_wait3A_598 = tpu.memref_slice %arg4[%add3A, %add3A_569, %dma_wait3A_597] : memref<32x160x64xi32, #tpu.memory_space<hbm>> -> memref<1x1x64xi32, #tpu.memory_space<hbm>>
      %dma_wait3A_599 = tpu.memref_squeeze %dma_wait3A_598 : memref<1x1x64xi32, #tpu.memory_space<hbm>> -> memref<64xi32, #tpu.memory_space<hbm>>
      tpu.wait_dma2 semaphore(%dma_wait3A_593 : memref<!tpu.dma_semaphore, #tpu.memory_space<semaphore_mem>>) src(%dma_wait3A_599 : memref<64xi32, #tpu.memory_space<hbm>>) dst(%dma_wait3A_596 : memref<64xi32, #tpu.memory_space<vmem>>)
      %dma_start3A_600 = arith.constant 2 : i32
      %dma_start3A_601 = arith.constant 2 : i32
      %dma_start3A_602 = arith.constant 2 : i32
      %dma_start3A_603 = arith.constant 0 : i32
      %dma_start3A_604 = arith.constant 0 : i32
      %dma_start3A_605 = tpu.memref_slice %arg10[%dma_start3A_600, %dma_start3A_603, %dma_start3A_604] : memref<4x64x128xf32, #tpu.memory_space<vmem>> -> memref<1x64x128xf32, #tpu.memory_space<vmem>>
      %dma_start3A_606 = tpu.memref_squeeze %dma_start3A_605 : memref<1x64x128xf32, #tpu.memory_space<vmem>> -> memref<64x128xf32, #tpu.memory_space<vmem>>
      %dma_start3A_607 = arith.constant 0 : i32
      %dma_start3A_608 = tpu.memref_slice %arg9[%dma_start3A_601, %dma_start3A_607] : memref<4x64xi32, #tpu.memory_space<vmem>> -> memref<1x64xi32, #tpu.memory_space<vmem>>
      %dma_start3A_609 = tpu.memref_squeeze %dma_start3A_608 : memref<1x64xi32, #tpu.memory_space<vmem>> -> memref<64xi32, #tpu.memory_space<vmem>>
      %dma_start3A_610 = arith.constant 0 : i32
      %dma_start3A_611 = arith.constant 0 : i32
      %dma_start3A_612 = tpu.memref_slice %arg7[%dma_start3A_610, %dma_start3A_611] : memref<10112x128xf32, #tpu.memory_space<vmem_shared>> -> memref<10112x128xf32, #tpu.memory_space<vmem_shared>>
      %dma_start3A_613 = tpu.memref_slice %arg12[%dma_start3A_602] : memref<4x!tpu.dma_semaphore, #tpu.memory_space<semaphore_mem>> -> memref<1x!tpu.dma_semaphore, #tpu.memory_space<semaphore_mem>>
      %dma_start3A_614 = tpu.memref_squeeze %dma_start3A_613 : memref<1x!tpu.dma_semaphore, #tpu.memory_space<semaphore_mem>> -> memref<!tpu.dma_semaphore, #tpu.memory_space<semaphore_mem>>
      tpu.enqueue_indirect_dma source(%dma_start3A_606 : memref<64x128xf32, #tpu.memory_space<vmem>>) target(%dma_start3A_612 : memref<10112x128xf32, #tpu.memory_space<vmem_shared>>) offsets(%dma_start3A_609 : memref<64xi32, #tpu.memory_space<vmem>>) semaphore(%dma_start3A_614 : memref<!tpu.dma_semaphore, #tpu.memory_space<semaphore_mem>>) {add = true}
      %dma_wait3A_615 = arith.constant 2 : i32
      %dma_wait3A_616 = arith.constant 2 : i32
      %dma_wait3A_617 = arith.constant 2 : i32
      %dma_wait3A_618 = arith.constant 0 : i32
      %dma_wait3A_619 = arith.constant 0 : i32
      %dma_wait3A_620 = tpu.memref_slice %arg10[%dma_wait3A_615, %dma_wait3A_618, %dma_wait3A_619] : memref<4x64x128xf32, #tpu.memory_space<vmem>> -> memref<1x64x128xf32, #tpu.memory_space<vmem>>
      %dma_wait3A_621 = tpu.memref_squeeze %dma_wait3A_620 : memref<1x64x128xf32, #tpu.memory_space<vmem>> -> memref<64x128xf32, #tpu.memory_space<vmem>>
      %dma_wait3A_622 = arith.constant 0 : i32
      %dma_wait3A_623 = tpu.memref_slice %arg9[%dma_wait3A_616, %dma_wait3A_622] : memref<4x64xi32, #tpu.memory_space<vmem>> -> memref<1x64xi32, #tpu.memory_space<vmem>>
      %dma_wait3A_624 = tpu.memref_squeeze %dma_wait3A_623 : memref<1x64xi32, #tpu.memory_space<vmem>> -> memref<64xi32, #tpu.memory_space<vmem>>
      %dma_wait3A_625 = arith.constant 0 : i32
      %dma_wait3A_626 = arith.constant 0 : i32
      %dma_wait3A_627 = tpu.memref_slice %arg7[%dma_wait3A_625, %dma_wait3A_626] : memref<10112x128xf32, #tpu.memory_space<vmem_shared>> -> memref<10112x128xf32, #tpu.memory_space<vmem_shared>>
      %dma_wait3A_628 = tpu.memref_slice %arg12[%dma_wait3A_617] : memref<4x!tpu.dma_semaphore, #tpu.memory_space<semaphore_mem>> -> memref<1x!tpu.dma_semaphore, #tpu.memory_space<semaphore_mem>>
      %dma_wait3A_629 = tpu.memref_squeeze %dma_wait3A_628 : memref<1x!tpu.dma_semaphore, #tpu.memory_space<semaphore_mem>> -> memref<!tpu.dma_semaphore, #tpu.memory_space<semaphore_mem>>
      tpu.wait_indirect_dma semaphore(%dma_wait3A_629 : memref<!tpu.dma_semaphore, #tpu.memory_space<semaphore_mem>>) src(%dma_wait3A_621 : memref<64x128xf32, #tpu.memory_space<vmem>>) dst(%dma_wait3A_627 : memref<10112x128xf32, #tpu.memory_space<vmem_shared>>)
      %add3A_630 = arith.constant 4 : i32
      %add3A_631 = arith.addi %add3A_569, %add3A_630 : i32
      %mul3A_632 = arith.constant 64 : i32
      %mul3A_633 = arith.muli %add3A_631, %mul3A_632 : i32
      %dma_start3A_634 = arith.constant 2 : i32
      %dma_start3A_635 = arith.constant 2 : i32
      %dma_start3A_636 = arith.constant 0 : i32
      %dma_start3A_637 = arith.constant 0 : i32
      %dma_start3A_638 = tpu.memref_slice %arg10[%dma_start3A_634, %dma_start3A_636, %dma_start3A_637] : memref<4x64x128xf32, #tpu.memory_space<vmem>> -> memref<1x64x128xf32, #tpu.memory_space<vmem>>
      %dma_start3A_639 = tpu.memref_squeeze %dma_start3A_638 : memref<1x64x128xf32, #tpu.memory_space<vmem>> -> memref<64x128xf32, #tpu.memory_space<vmem>>
      %dma_start3A_640 = tpu.memref_slice %arg8[%mul3A_633] : memref<10240xi32, #tpu.memory_space<vmem>> -> memref<64xi32, #tpu.memory_space<vmem>>
      %dma_start3A_641 = arith.constant 0 : i32
      %dma_start3A_642 = arith.constant 0 : i32
      %dma_start3A_643 = tpu.memref_slice %arg2[%dma_start3A_641, %dma_start3A_642] : memref<10000x128xf32, #tpu.memory_space<hbm>> -> memref<10000x128xf32, #tpu.memory_space<hbm>>
      %dma_start3A_644 = tpu.memref_slice %arg11[%dma_start3A_635] : memref<4x!tpu.dma_semaphore, #tpu.memory_space<semaphore_mem>> -> memref<1x!tpu.dma_semaphore, #tpu.memory_space<semaphore_mem>>
      %dma_start3A_645 = tpu.memref_squeeze %dma_start3A_644 : memref<1x!tpu.dma_semaphore, #tpu.memory_space<semaphore_mem>> -> memref<!tpu.dma_semaphore, #tpu.memory_space<semaphore_mem>>
      tpu.enqueue_indirect_dma source(%dma_start3A_643 : memref<10000x128xf32, #tpu.memory_space<hbm>>) target(%dma_start3A_639 : memref<64x128xf32, #tpu.memory_space<vmem>>) offsets(%dma_start3A_640 : memref<64xi32, #tpu.memory_space<vmem>>) semaphore(%dma_start3A_645 : memref<!tpu.dma_semaphore, #tpu.memory_space<semaphore_mem>>)
      %add3A_646 = arith.constant 4 : i32
      %add3A_647 = arith.addi %add3A_569, %add3A_646 : i32
      %dma_start3A_648 = arith.constant 2 : i32
      %dma_start3A_649 = arith.constant 2 : i32
      %dma_start3A_650 = arith.constant 0 : i32
      %dma_start3A_651 = tpu.memref_slice %arg9[%dma_start3A_648, %dma_start3A_650] : memref<4x64xi32, #tpu.memory_space<vmem>> -> memref<1x64xi32, #tpu.memory_space<vmem>>
      %dma_start3A_652 = tpu.memref_squeeze %dma_start3A_651 : memref<1x64xi32, #tpu.memory_space<vmem>> -> memref<64xi32, #tpu.memory_space<vmem>>
      %dma_start3A_653 = arith.constant 0 : i32
      %dma_start3A_654 = tpu.memref_slice %arg4[%add3A, %add3A_647, %dma_start3A_653] : memref<32x160x64xi32, #tpu.memory_space<hbm>> -> memref<1x1x64xi32, #tpu.memory_space<hbm>>
      %dma_start3A_655 = tpu.memref_squeeze %dma_start3A_654 : memref<1x1x64xi32, #tpu.memory_space<hbm>> -> memref<64xi32, #tpu.memory_space<hbm>>
      %dma_start3A_656 = tpu.memref_slice %arg13[%dma_start3A_649] : memref<4x!tpu.dma_semaphore, #tpu.memory_space<semaphore_mem>> -> memref<1x!tpu.dma_semaphore, #tpu.memory_space<semaphore_mem>>
      %dma_start3A_657 = tpu.memref_squeeze %dma_start3A_656 : memref<1x!tpu.dma_semaphore, #tpu.memory_space<semaphore_mem>> -> memref<!tpu.dma_semaphore, #tpu.memory_space<semaphore_mem>>
      %dma_start3A_658 = arith.constant 0 : i32
      %dma_start3A_659 = tpu.memref_slice %arg9[%dma_start3A_648, %dma_start3A_658] : memref<4x64xi32, #tpu.memory_space<vmem>> -> memref<1x64xi32, #tpu.memory_space<vmem>>
      %dma_start3A_660 = tpu.memref_squeeze %dma_start3A_659 : memref<1x64xi32, #tpu.memory_space<vmem>> -> memref<64xi32, #tpu.memory_space<vmem>>
      %dma_start3A_661 = arith.constant 0 : i32
      %dma_start3A_662 = tpu.memref_slice %arg4[%add3A, %add3A_647, %dma_start3A_661] : memref<32x160x64xi32, #tpu.memory_space<hbm>> -> memref<1x1x64xi32, #tpu.memory_space<hbm>>
      %dma_start3A_663 = tpu.memref_squeeze %dma_start3A_662 : memref<1x1x64xi32, #tpu.memory_space<hbm>> -> memref<64xi32, #tpu.memory_space<hbm>>
      tpu.enqueue_dma source(%dma_start3A_663 : memref<64xi32, #tpu.memory_space<hbm>>) target(%dma_start3A_660 : memref<64xi32, #tpu.memory_space<vmem>>) target_semaphore(%dma_start3A_657 : memref<!tpu.dma_semaphore, #tpu.memory_space<semaphore_mem>>)
      %mul3A_664 = arith.constant 4 : i32
      %mul3A_665 = arith.muli %scan3A_369, %mul3A_664 : i32
      %add3A_666 = arith.constant 3 : i32
      %add3A_667 = arith.addi %mul3A_665, %add3A_666 : i32
      %mul3A_668 = arith.constant 64 : i32
      %mul3A_669 = arith.muli %add3A_667, %mul3A_668 : i32
      %dma_wait3A_670 = arith.constant 3 : i32
      %dma_wait3A_671 = arith.constant 3 : i32
      %dma_wait3A_672 = arith.constant 0 : i32
      %dma_wait3A_673 = arith.constant 0 : i32
      %dma_wait3A_674 = tpu.memref_slice %arg10[%dma_wait3A_670, %dma_wait3A_672, %dma_wait3A_673] : memref<4x64x128xf32, #tpu.memory_space<vmem>> -> memref<1x64x128xf32, #tpu.memory_space<vmem>>
      %dma_wait3A_675 = tpu.memref_squeeze %dma_wait3A_674 : memref<1x64x128xf32, #tpu.memory_space<vmem>> -> memref<64x128xf32, #tpu.memory_space<vmem>>
      %dma_wait3A_676 = tpu.memref_slice %arg8[%mul3A_669] : memref<10240xi32, #tpu.memory_space<vmem>> -> memref<64xi32, #tpu.memory_space<vmem>>
      %dma_wait3A_677 = arith.constant 0 : i32
      %dma_wait3A_678 = arith.constant 0 : i32
      %dma_wait3A_679 = tpu.memref_slice %arg2[%dma_wait3A_677, %dma_wait3A_678] : memref<10000x128xf32, #tpu.memory_space<hbm>> -> memref<10000x128xf32, #tpu.memory_space<hbm>>
      %dma_wait3A_680 = tpu.memref_slice %arg11[%dma_wait3A_671] : memref<4x!tpu.dma_semaphore, #tpu.memory_space<semaphore_mem>> -> memref<1x!tpu.dma_semaphore, #tpu.memory_space<semaphore_mem>>
      %dma_wait3A_681 = tpu.memref_squeeze %dma_wait3A_680 : memref<1x!tpu.dma_semaphore, #tpu.memory_space<semaphore_mem>> -> memref<!tpu.dma_semaphore, #tpu.memory_space<semaphore_mem>>
      tpu.wait_indirect_dma semaphore(%dma_wait3A_681 : memref<!tpu.dma_semaphore, #tpu.memory_space<semaphore_mem>>) src(%dma_wait3A_679 : memref<10000x128xf32, #tpu.memory_space<hbm>>) dst(%dma_wait3A_675 : memref<64x128xf32, #tpu.memory_space<vmem>>)
      %dma_wait3A_682 = arith.constant 3 : i32
      %dma_wait3A_683 = arith.constant 3 : i32
      %dma_wait3A_684 = arith.constant 0 : i32
      %dma_wait3A_685 = tpu.memref_slice %arg9[%dma_wait3A_682, %dma_wait3A_684] : memref<4x64xi32, #tpu.memory_space<vmem>> -> memref<1x64xi32, #tpu.memory_space<vmem>>
      %dma_wait3A_686 = tpu.memref_squeeze %dma_wait3A_685 : memref<1x64xi32, #tpu.memory_space<vmem>> -> memref<64xi32, #tpu.memory_space<vmem>>
      %dma_wait3A_687 = arith.constant 0 : i32
      %dma_wait3A_688 = tpu.memref_slice %arg4[%add3A, %add3A_667, %dma_wait3A_687] : memref<32x160x64xi32, #tpu.memory_space<hbm>> -> memref<1x1x64xi32, #tpu.memory_space<hbm>>
      %dma_wait3A_689 = tpu.memref_squeeze %dma_wait3A_688 : memref<1x1x64xi32, #tpu.memory_space<hbm>> -> memref<64xi32, #tpu.memory_space<hbm>>
      %dma_wait3A_690 = tpu.memref_slice %arg13[%dma_wait3A_683] : memref<4x!tpu.dma_semaphore, #tpu.memory_space<semaphore_mem>> -> memref<1x!tpu.dma_semaphore, #tpu.memory_space<semaphore_mem>>
      %dma_wait3A_691 = tpu.memref_squeeze %dma_wait3A_690 : memref<1x!tpu.dma_semaphore, #tpu.memory_space<semaphore_mem>> -> memref<!tpu.dma_semaphore, #tpu.memory_space<semaphore_mem>>
      %dma_wait3A_692 = arith.constant 0 : i32
      %dma_wait3A_693 = tpu.memref_slice %arg9[%dma_wait3A_682, %dma_wait3A_692] : memref<4x64xi32, #tpu.memory_space<vmem>> -> memref<1x64xi32, #tpu.memory_space<vmem>>
      %dma_wait3A_694 = tpu.memref_squeeze %dma_wait3A_693 : memref<1x64xi32, #tpu.memory_space<vmem>> -> memref<64xi32, #tpu.memory_space<vmem>>
      %dma_wait3A_695 = arith.constant 0 : i32
      %dma_wait3A_696 = tpu.memref_slice %arg4[%add3A, %add3A_667, %dma_wait3A_695] : memref<32x160x64xi32, #tpu.memory_space<hbm>> -> memref<1x1x64xi32, #tpu.memory_space<hbm>>
      %dma_wait3A_697 = tpu.memref_squeeze %dma_wait3A_696 : memref<1x1x64xi32, #tpu.memory_space<hbm>> -> memref<64xi32, #tpu.memory_space<hbm>>
      tpu.wait_dma2 semaphore(%dma_wait3A_691 : memref<!tpu.dma_semaphore, #tpu.memory_space<semaphore_mem>>) src(%dma_wait3A_697 : memref<64xi32, #tpu.memory_space<hbm>>) dst(%dma_wait3A_694 : memref<64xi32, #tpu.memory_space<vmem>>)
      %dma_start3A_698 = arith.constant 3 : i32
      %dma_start3A_699 = arith.constant 3 : i32
      %dma_start3A_700 = arith.constant 3 : i32
      %dma_start3A_701 = arith.constant 0 : i32
      %dma_start3A_702 = arith.constant 0 : i32
      %dma_start3A_703 = tpu.memref_slice %arg10[%dma_start3A_698, %dma_start3A_701, %dma_start3A_702] : memref<4x64x128xf32, #tpu.memory_space<vmem>> -> memref<1x64x128xf32, #tpu.memory_space<vmem>>
      %dma_start3A_704 = tpu.memref_squeeze %dma_start3A_703 : memref<1x64x128xf32, #tpu.memory_space<vmem>> -> memref<64x128xf32, #tpu.memory_space<vmem>>
      %dma_start3A_705 = arith.constant 0 : i32
      %dma_start3A_706 = tpu.memref_slice %arg9[%dma_start3A_699, %dma_start3A_705] : memref<4x64xi32, #tpu.memory_space<vmem>> -> memref<1x64xi32, #tpu.memory_space<vmem>>
      %dma_start3A_707 = tpu.memref_squeeze %dma_start3A_706 : memref<1x64xi32, #tpu.memory_space<vmem>> -> memref<64xi32, #tpu.memory_space<vmem>>
      %dma_start3A_708 = arith.constant 0 : i32
      %dma_start3A_709 = arith.constant 0 : i32
      %dma_start3A_710 = tpu.memref_slice %arg7[%dma_start3A_708, %dma_start3A_709] : memref<10112x128xf32, #tpu.memory_space<vmem_shared>> -> memref<10112x128xf32, #tpu.memory_space<vmem_shared>>
      %dma_start3A_711 = tpu.memref_slice %arg12[%dma_start3A_700] : memref<4x!tpu.dma_semaphore, #tpu.memory_space<semaphore_mem>> -> memref<1x!tpu.dma_semaphore, #tpu.memory_space<semaphore_mem>>
      %dma_start3A_712 = tpu.memref_squeeze %dma_start3A_711 : memref<1x!tpu.dma_semaphore, #tpu.memory_space<semaphore_mem>> -> memref<!tpu.dma_semaphore, #tpu.memory_space<semaphore_mem>>
      tpu.enqueue_indirect_dma source(%dma_start3A_704 : memref<64x128xf32, #tpu.memory_space<vmem>>) target(%dma_start3A_710 : memref<10112x128xf32, #tpu.memory_space<vmem_shared>>) offsets(%dma_start3A_707 : memref<64xi32, #tpu.memory_space<vmem>>) semaphore(%dma_start3A_712 : memref<!tpu.dma_semaphore, #tpu.memory_space<semaphore_mem>>) {add = true}
      %dma_wait3A_713 = arith.constant 3 : i32
      %dma_wait3A_714 = arith.constant 3 : i32
      %dma_wait3A_715 = arith.constant 3 : i32
      %dma_wait3A_716 = arith.constant 0 : i32
      %dma_wait3A_717 = arith.constant 0 : i32
      %dma_wait3A_718 = tpu.memref_slice %arg10[%dma_wait3A_713, %dma_wait3A_716, %dma_wait3A_717] : memref<4x64x128xf32, #tpu.memory_space<vmem>> -> memref<1x64x128xf32, #tpu.memory_space<vmem>>
      %dma_wait3A_719 = tpu.memref_squeeze %dma_wait3A_718 : memref<1x64x128xf32, #tpu.memory_space<vmem>> -> memref<64x128xf32, #tpu.memory_space<vmem>>
      %dma_wait3A_720 = arith.constant 0 : i32
      %dma_wait3A_721 = tpu.memref_slice %arg9[%dma_wait3A_714, %dma_wait3A_720] : memref<4x64xi32, #tpu.memory_space<vmem>> -> memref<1x64xi32, #tpu.memory_space<vmem>>
      %dma_wait3A_722 = tpu.memref_squeeze %dma_wait3A_721 : memref<1x64xi32, #tpu.memory_space<vmem>> -> memref<64xi32, #tpu.memory_space<vmem>>
      %dma_wait3A_723 = arith.constant 0 : i32
      %dma_wait3A_724 = arith.constant 0 : i32
      %dma_wait3A_725 = tpu.memref_slice %arg7[%dma_wait3A_723, %dma_wait3A_724] : memref<10112x128xf32, #tpu.memory_space<vmem_shared>> -> memref<10112x128xf32, #tpu.memory_space<vmem_shared>>
      %dma_wait3A_726 = tpu.memref_slice %arg12[%dma_wait3A_715] : memref<4x!tpu.dma_semaphore, #tpu.memory_space<semaphore_mem>> -> memref<1x!tpu.dma_semaphore, #tpu.memory_space<semaphore_mem>>
      %dma_wait3A_727 = tpu.memref_squeeze %dma_wait3A_726 : memref<1x!tpu.dma_semaphore, #tpu.memory_space<semaphore_mem>> -> memref<!tpu.dma_semaphore, #tpu.memory_space<semaphore_mem>>
      tpu.wait_indirect_dma semaphore(%dma_wait3A_727 : memref<!tpu.dma_semaphore, #tpu.memory_space<semaphore_mem>>) src(%dma_wait3A_719 : memref<64x128xf32, #tpu.memory_space<vmem>>) dst(%dma_wait3A_725 : memref<10112x128xf32, #tpu.memory_space<vmem_shared>>)
      %add3A_728 = arith.constant 4 : i32
      %add3A_729 = arith.addi %add3A_667, %add3A_728 : i32
      %mul3A_730 = arith.constant 64 : i32
      %mul3A_731 = arith.muli %add3A_729, %mul3A_730 : i32
      %dma_start3A_732 = arith.constant 3 : i32
      %dma_start3A_733 = arith.constant 3 : i32
      %dma_start3A_734 = arith.constant 0 : i32
      %dma_start3A_735 = arith.constant 0 : i32
      %dma_start3A_736 = tpu.memref_slice %arg10[%dma_start3A_732, %dma_start3A_734, %dma_start3A_735] : memref<4x64x128xf32, #tpu.memory_space<vmem>> -> memref<1x64x128xf32, #tpu.memory_space<vmem>>
      %dma_start3A_737 = tpu.memref_squeeze %dma_start3A_736 : memref<1x64x128xf32, #tpu.memory_space<vmem>> -> memref<64x128xf32, #tpu.memory_space<vmem>>
      %dma_start3A_738 = tpu.memref_slice %arg8[%mul3A_731] : memref<10240xi32, #tpu.memory_space<vmem>> -> memref<64xi32, #tpu.memory_space<vmem>>
      %dma_start3A_739 = arith.constant 0 : i32
      %dma_start3A_740 = arith.constant 0 : i32
      %dma_start3A_741 = tpu.memref_slice %arg2[%dma_start3A_739, %dma_start3A_740] : memref<10000x128xf32, #tpu.memory_space<hbm>> -> memref<10000x128xf32, #tpu.memory_space<hbm>>
      %dma_start3A_742 = tpu.memref_slice %arg11[%dma_start3A_733] : memref<4x!tpu.dma_semaphore, #tpu.memory_space<semaphore_mem>> -> memref<1x!tpu.dma_semaphore, #tpu.memory_space<semaphore_mem>>
      %dma_start3A_743 = tpu.memref_squeeze %dma_start3A_742 : memref<1x!tpu.dma_semaphore, #tpu.memory_space<semaphore_mem>> -> memref<!tpu.dma_semaphore, #tpu.memory_space<semaphore_mem>>
      tpu.enqueue_indirect_dma source(%dma_start3A_741 : memref<10000x128xf32, #tpu.memory_space<hbm>>) target(%dma_start3A_737 : memref<64x128xf32, #tpu.memory_space<vmem>>) offsets(%dma_start3A_738 : memref<64xi32, #tpu.memory_space<vmem>>) semaphore(%dma_start3A_743 : memref<!tpu.dma_semaphore, #tpu.memory_space<semaphore_mem>>)
      %add3A_744 = arith.constant 4 : i32
      %add3A_745 = arith.addi %add3A_667, %add3A_744 : i32
      %dma_start3A_746 = arith.constant 3 : i32
      %dma_start3A_747 = arith.constant 3 : i32
      %dma_start3A_748 = arith.constant 0 : i32
      %dma_start3A_749 = tpu.memref_slice %arg9[%dma_start3A_746, %dma_start3A_748] : memref<4x64xi32, #tpu.memory_space<vmem>> -> memref<1x64xi32, #tpu.memory_space<vmem>>
      %dma_start3A_750 = tpu.memref_squeeze %dma_start3A_749 : memref<1x64xi32, #tpu.memory_space<vmem>> -> memref<64xi32, #tpu.memory_space<vmem>>
      %dma_start3A_751 = arith.constant 0 : i32
      %dma_start3A_752 = tpu.memref_slice %arg4[%add3A, %add3A_745, %dma_start3A_751] : memref<32x160x64xi32, #tpu.memory_space<hbm>> -> memref<1x1x64xi32, #tpu.memory_space<hbm>>
      %dma_start3A_753 = tpu.memref_squeeze %dma_start3A_752 : memref<1x1x64xi32, #tpu.memory_space<hbm>> -> memref<64xi32, #tpu.memory_space<hbm>>
      %dma_start3A_754 = tpu.memref_slice %arg13[%dma_start3A_747] : memref<4x!tpu.dma_semaphore, #tpu.memory_space<semaphore_mem>> -> memref<1x!tpu.dma_semaphore, #tpu.memory_space<semaphore_mem>>
      %dma_start3A_755 = tpu.memref_squeeze %dma_start3A_754 : memref<1x!tpu.dma_semaphore, #tpu.memory_space<semaphore_mem>> -> memref<!tpu.dma_semaphore, #tpu.memory_space<semaphore_mem>>
      %dma_start3A_756 = arith.constant 0 : i32
      %dma_start3A_757 = tpu.memref_slice %arg9[%dma_start3A_746, %dma_start3A_756] : memref<4x64xi32, #tpu.memory_space<vmem>> -> memref<1x64xi32, #tpu.memory_space<vmem>>
      %dma_start3A_758 = tpu.memref_squeeze %dma_start3A_757 : memref<1x64xi32, #tpu.memory_space<vmem>> -> memref<64xi32, #tpu.memory_space<vmem>>
      %dma_start3A_759 = arith.constant 0 : i32
      %dma_start3A_760 = tpu.memref_slice %arg4[%add3A, %add3A_745, %dma_start3A_759] : memref<32x160x64xi32, #tpu.memory_space<hbm>> -> memref<1x1x64xi32, #tpu.memory_space<hbm>>
      %dma_start3A_761 = tpu.memref_squeeze %dma_start3A_760 : memref<1x1x64xi32, #tpu.memory_space<hbm>> -> memref<64xi32, #tpu.memory_space<hbm>>
      tpu.enqueue_dma source(%dma_start3A_761 : memref<64xi32, #tpu.memory_space<hbm>>) target(%dma_start3A_758 : memref<64xi32, #tpu.memory_space<vmem>>) target_semaphore(%dma_start3A_755 : memref<!tpu.dma_semaphore, #tpu.memory_space<semaphore_mem>>)
    }
    %scan3A_126 = arith.constant 39 : i32
    %dma_wait3A = arith.constant 0 : i32
    %dma_wait3A_127 = arith.constant 0 : i32
    %dma_wait3A_128 = arith.constant 0 : i32
    %dma_wait3A_129 = arith.constant 0 : i32
    %dma_wait3A_130 = tpu.memref_slice %arg10[%dma_wait3A, %dma_wait3A_128, %dma_wait3A_129] : memref<4x64x128xf32, #tpu.memory_space<vmem>> -> memref<1x64x128xf32, #tpu.memory_space<vmem>>
    %dma_wait3A_131 = tpu.memref_squeeze %dma_wait3A_130 : memref<1x64x128xf32, #tpu.memory_space<vmem>> -> memref<64x128xf32, #tpu.memory_space<vmem>>
    %dma_wait3A_132 = arith.constant 9984 : i32
    %dma_wait3A_133 = tpu.memref_slice %arg8[%dma_wait3A_132] : memref<10240xi32, #tpu.memory_space<vmem>> -> memref<64xi32, #tpu.memory_space<vmem>>
    %dma_wait3A_134 = arith.constant 0 : i32
    %dma_wait3A_135 = arith.constant 0 : i32
    %dma_wait3A_136 = tpu.memref_slice %arg2[%dma_wait3A_134, %dma_wait3A_135] : memref<10000x128xf32, #tpu.memory_space<hbm>> -> memref<10000x128xf32, #tpu.memory_space<hbm>>
    %dma_wait3A_137 = tpu.memref_slice %arg11[%dma_wait3A_127] : memref<4x!tpu.dma_semaphore, #tpu.memory_space<semaphore_mem>> -> memref<1x!tpu.dma_semaphore, #tpu.memory_space<semaphore_mem>>
    %dma_wait3A_138 = tpu.memref_squeeze %dma_wait3A_137 : memref<1x!tpu.dma_semaphore, #tpu.memory_space<semaphore_mem>> -> memref<!tpu.dma_semaphore, #tpu.memory_space<semaphore_mem>>
    tpu.wait_indirect_dma semaphore(%dma_wait3A_138 : memref<!tpu.dma_semaphore, #tpu.memory_space<semaphore_mem>>) src(%dma_wait3A_136 : memref<10000x128xf32, #tpu.memory_space<hbm>>) dst(%dma_wait3A_131 : memref<64x128xf32, #tpu.memory_space<vmem>>)
    %dma_wait3A_139 = arith.constant 156 : i32
    %dma_wait3A_140 = arith.constant 0 : i32
    %dma_wait3A_141 = arith.constant 0 : i32
    %dma_wait3A_142 = arith.constant 0 : i32
    %dma_wait3A_143 = tpu.memref_slice %arg9[%dma_wait3A_140, %dma_wait3A_142] : memref<4x64xi32, #tpu.memory_space<vmem>> -> memref<1x64xi32, #tpu.memory_space<vmem>>
    %dma_wait3A_144 = tpu.memref_squeeze %dma_wait3A_143 : memref<1x64xi32, #tpu.memory_space<vmem>> -> memref<64xi32, #tpu.memory_space<vmem>>
    %dma_wait3A_145 = arith.constant 0 : i32
    %dma_wait3A_146 = tpu.memref_slice %arg4[%add3A, %dma_wait3A_139, %dma_wait3A_145] : memref<32x160x64xi32, #tpu.memory_space<hbm>> -> memref<1x1x64xi32, #tpu.memory_space<hbm>>
    %dma_wait3A_147 = tpu.memref_squeeze %dma_wait3A_146 : memref<1x1x64xi32, #tpu.memory_space<hbm>> -> memref<64xi32, #tpu.memory_space<hbm>>
    %dma_wait3A_148 = tpu.memref_slice %arg13[%dma_wait3A_141] : memref<4x!tpu.dma_semaphore, #tpu.memory_space<semaphore_mem>> -> memref<1x!tpu.dma_semaphore, #tpu.memory_space<semaphore_mem>>
    %dma_wait3A_149 = tpu.memref_squeeze %dma_wait3A_148 : memref<1x!tpu.dma_semaphore, #tpu.memory_space<semaphore_mem>> -> memref<!tpu.dma_semaphore, #tpu.memory_space<semaphore_mem>>
    %dma_wait3A_150 = arith.constant 0 : i32
    %dma_wait3A_151 = tpu.memref_slice %arg9[%dma_wait3A_140, %dma_wait3A_150] : memref<4x64xi32, #tpu.memory_space<vmem>> -> memref<1x64xi32, #tpu.memory_space<vmem>>
    %dma_wait3A_152 = tpu.memref_squeeze %dma_wait3A_151 : memref<1x64xi32, #tpu.memory_space<vmem>> -> memref<64xi32, #tpu.memory_space<vmem>>
    %dma_wait3A_153 = arith.constant 0 : i32
    %dma_wait3A_154 = tpu.memref_slice %arg4[%add3A, %dma_wait3A_139, %dma_wait3A_153] : memref<32x160x64xi32, #tpu.memory_space<hbm>> -> memref<1x1x64xi32, #tpu.memory_space<hbm>>
    %dma_wait3A_155 = tpu.memref_squeeze %dma_wait3A_154 : memref<1x1x64xi32, #tpu.memory_space<hbm>> -> memref<64xi32, #tpu.memory_space<hbm>>
    tpu.wait_dma2 semaphore(%dma_wait3A_149 : memref<!tpu.dma_semaphore, #tpu.memory_space<semaphore_mem>>) src(%dma_wait3A_155 : memref<64xi32, #tpu.memory_space<hbm>>) dst(%dma_wait3A_152 : memref<64xi32, #tpu.memory_space<vmem>>)
    %dma_start3A_156 = arith.constant 0 : i32
    %dma_start3A_157 = arith.constant 0 : i32
    %dma_start3A_158 = arith.constant 0 : i32
    %dma_start3A_159 = arith.constant 0 : i32
    %dma_start3A_160 = arith.constant 0 : i32
    %dma_start3A_161 = tpu.memref_slice %arg10[%dma_start3A_156, %dma_start3A_159, %dma_start3A_160] : memref<4x64x128xf32, #tpu.memory_space<vmem>> -> memref<1x64x128xf32, #tpu.memory_space<vmem>>
    %dma_start3A_162 = tpu.memref_squeeze %dma_start3A_161 : memref<1x64x128xf32, #tpu.memory_space<vmem>> -> memref<64x128xf32, #tpu.memory_space<vmem>>
    %dma_start3A_163 = arith.constant 0 : i32
    %dma_start3A_164 = tpu.memref_slice %arg9[%dma_start3A_157, %dma_start3A_163] : memref<4x64xi32, #tpu.memory_space<vmem>> -> memref<1x64xi32, #tpu.memory_space<vmem>>
    %dma_start3A_165 = tpu.memref_squeeze %dma_start3A_164 : memref<1x64xi32, #tpu.memory_space<vmem>> -> memref<64xi32, #tpu.memory_space<vmem>>
    %dma_start3A_166 = arith.constant 0 : i32
    %dma_start3A_167 = arith.constant 0 : i32
    %dma_start3A_168 = tpu.memref_slice %arg7[%dma_start3A_166, %dma_start3A_167] : memref<10112x128xf32, #tpu.memory_space<vmem_shared>> -> memref<10112x128xf32, #tpu.memory_space<vmem_shared>>
    %dma_start3A_169 = tpu.memref_slice %arg12[%dma_start3A_158] : memref<4x!tpu.dma_semaphore, #tpu.memory_space<semaphore_mem>> -> memref<1x!tpu.dma_semaphore, #tpu.memory_space<semaphore_mem>>
    %dma_start3A_170 = tpu.memref_squeeze %dma_start3A_169 : memref<1x!tpu.dma_semaphore, #tpu.memory_space<semaphore_mem>> -> memref<!tpu.dma_semaphore, #tpu.memory_space<semaphore_mem>>
    tpu.enqueue_indirect_dma source(%dma_start3A_162 : memref<64x128xf32, #tpu.memory_space<vmem>>) target(%dma_start3A_168 : memref<10112x128xf32, #tpu.memory_space<vmem_shared>>) offsets(%dma_start3A_165 : memref<64xi32, #tpu.memory_space<vmem>>) semaphore(%dma_start3A_170 : memref<!tpu.dma_semaphore, #tpu.memory_space<semaphore_mem>>) {add = true}
    %dma_wait3A_171 = arith.constant 0 : i32
    %dma_wait3A_172 = arith.constant 0 : i32
    %dma_wait3A_173 = arith.constant 0 : i32
    %dma_wait3A_174 = arith.constant 0 : i32
    %dma_wait3A_175 = arith.constant 0 : i32
    %dma_wait3A_176 = tpu.memref_slice %arg10[%dma_wait3A_171, %dma_wait3A_174, %dma_wait3A_175] : memref<4x64x128xf32, #tpu.memory_space<vmem>> -> memref<1x64x128xf32, #tpu.memory_space<vmem>>
    %dma_wait3A_177 = tpu.memref_squeeze %dma_wait3A_176 : memref<1x64x128xf32, #tpu.memory_space<vmem>> -> memref<64x128xf32, #tpu.memory_space<vmem>>
    %dma_wait3A_178 = arith.constant 0 : i32
    %dma_wait3A_179 = tpu.memref_slice %arg9[%dma_wait3A_172, %dma_wait3A_178] : memref<4x64xi32, #tpu.memory_space<vmem>> -> memref<1x64xi32, #tpu.memory_space<vmem>>
    %dma_wait3A_180 = tpu.memref_squeeze %dma_wait3A_179 : memref<1x64xi32, #tpu.memory_space<vmem>> -> memref<64xi32, #tpu.memory_space<vmem>>
    %dma_wait3A_181 = arith.constant 0 : i32
    %dma_wait3A_182 = arith.constant 0 : i32
    %dma_wait3A_183 = tpu.memref_slice %arg7[%dma_wait3A_181, %dma_wait3A_182] : memref<10112x128xf32, #tpu.memory_space<vmem_shared>> -> memref<10112x128xf32, #tpu.memory_space<vmem_shared>>
    %dma_wait3A_184 = tpu.memref_slice %arg12[%dma_wait3A_173] : memref<4x!tpu.dma_semaphore, #tpu.memory_space<semaphore_mem>> -> memref<1x!tpu.dma_semaphore, #tpu.memory_space<semaphore_mem>>
    %dma_wait3A_185 = tpu.memref_squeeze %dma_wait3A_184 : memref<1x!tpu.dma_semaphore, #tpu.memory_space<semaphore_mem>> -> memref<!tpu.dma_semaphore, #tpu.memory_space<semaphore_mem>>
    tpu.wait_indirect_dma semaphore(%dma_wait3A_185 : memref<!tpu.dma_semaphore, #tpu.memory_space<semaphore_mem>>) src(%dma_wait3A_177 : memref<64x128xf32, #tpu.memory_space<vmem>>) dst(%dma_wait3A_183 : memref<10112x128xf32, #tpu.memory_space<vmem_shared>>)
    %dma_wait3A_186 = arith.constant 1 : i32
    %dma_wait3A_187 = arith.constant 1 : i32
    %dma_wait3A_188 = arith.constant 0 : i32
    %dma_wait3A_189 = arith.constant 0 : i32
    %dma_wait3A_190 = tpu.memref_slice %arg10[%dma_wait3A_186, %dma_wait3A_188, %dma_wait3A_189] : memref<4x64x128xf32, #tpu.memory_space<vmem>> -> memref<1x64x128xf32, #tpu.memory_space<vmem>>
    %dma_wait3A_191 = tpu.memref_squeeze %dma_wait3A_190 : memref<1x64x128xf32, #tpu.memory_space<vmem>> -> memref<64x128xf32, #tpu.memory_space<vmem>>
    %dma_wait3A_192 = arith.constant 10048 : i32
    %dma_wait3A_193 = tpu.memref_slice %arg8[%dma_wait3A_192] : memref<10240xi32, #tpu.memory_space<vmem>> -> memref<64xi32, #tpu.memory_space<vmem>>
    %dma_wait3A_194 = arith.constant 0 : i32
    %dma_wait3A_195 = arith.constant 0 : i32
    %dma_wait3A_196 = tpu.memref_slice %arg2[%dma_wait3A_194, %dma_wait3A_195] : memref<10000x128xf32, #tpu.memory_space<hbm>> -> memref<10000x128xf32, #tpu.memory_space<hbm>>
    %dma_wait3A_197 = tpu.memref_slice %arg11[%dma_wait3A_187] : memref<4x!tpu.dma_semaphore, #tpu.memory_space<semaphore_mem>> -> memref<1x!tpu.dma_semaphore, #tpu.memory_space<semaphore_mem>>
    %dma_wait3A_198 = tpu.memref_squeeze %dma_wait3A_197 : memref<1x!tpu.dma_semaphore, #tpu.memory_space<semaphore_mem>> -> memref<!tpu.dma_semaphore, #tpu.memory_space<semaphore_mem>>
    tpu.wait_indirect_dma semaphore(%dma_wait3A_198 : memref<!tpu.dma_semaphore, #tpu.memory_space<semaphore_mem>>) src(%dma_wait3A_196 : memref<10000x128xf32, #tpu.memory_space<hbm>>) dst(%dma_wait3A_191 : memref<64x128xf32, #tpu.memory_space<vmem>>)
    %dma_wait3A_199 = arith.constant 157 : i32
    %dma_wait3A_200 = arith.constant 1 : i32
    %dma_wait3A_201 = arith.constant 1 : i32
    %dma_wait3A_202 = arith.constant 0 : i32
    %dma_wait3A_203 = tpu.memref_slice %arg9[%dma_wait3A_200, %dma_wait3A_202] : memref<4x64xi32, #tpu.memory_space<vmem>> -> memref<1x64xi32, #tpu.memory_space<vmem>>
    %dma_wait3A_204 = tpu.memref_squeeze %dma_wait3A_203 : memref<1x64xi32, #tpu.memory_space<vmem>> -> memref<64xi32, #tpu.memory_space<vmem>>
    %dma_wait3A_205 = arith.constant 0 : i32
    %dma_wait3A_206 = tpu.memref_slice %arg4[%add3A, %dma_wait3A_199, %dma_wait3A_205] : memref<32x160x64xi32, #tpu.memory_space<hbm>> -> memref<1x1x64xi32, #tpu.memory_space<hbm>>
    %dma_wait3A_207 = tpu.memref_squeeze %dma_wait3A_206 : memref<1x1x64xi32, #tpu.memory_space<hbm>> -> memref<64xi32, #tpu.memory_space<hbm>>
    %dma_wait3A_208 = tpu.memref_slice %arg13[%dma_wait3A_201] : memref<4x!tpu.dma_semaphore, #tpu.memory_space<semaphore_mem>> -> memref<1x!tpu.dma_semaphore, #tpu.memory_space<semaphore_mem>>
    %dma_wait3A_209 = tpu.memref_squeeze %dma_wait3A_208 : memref<1x!tpu.dma_semaphore, #tpu.memory_space<semaphore_mem>> -> memref<!tpu.dma_semaphore, #tpu.memory_space<semaphore_mem>>
    %dma_wait3A_210 = arith.constant 0 : i32
    %dma_wait3A_211 = tpu.memref_slice %arg9[%dma_wait3A_200, %dma_wait3A_210] : memref<4x64xi32, #tpu.memory_space<vmem>> -> memref<1x64xi32, #tpu.memory_space<vmem>>
    %dma_wait3A_212 = tpu.memref_squeeze %dma_wait3A_211 : memref<1x64xi32, #tpu.memory_space<vmem>> -> memref<64xi32, #tpu.memory_space<vmem>>
    %dma_wait3A_213 = arith.constant 0 : i32
    %dma_wait3A_214 = tpu.memref_slice %arg4[%add3A, %dma_wait3A_199, %dma_wait3A_213] : memref<32x160x64xi32, #tpu.memory_space<hbm>> -> memref<1x1x64xi32, #tpu.memory_space<hbm>>
    %dma_wait3A_215 = tpu.memref_squeeze %dma_wait3A_214 : memref<1x1x64xi32, #tpu.memory_space<hbm>> -> memref<64xi32, #tpu.memory_space<hbm>>
    tpu.wait_dma2 semaphore(%dma_wait3A_209 : memref<!tpu.dma_semaphore, #tpu.memory_space<semaphore_mem>>) src(%dma_wait3A_215 : memref<64xi32, #tpu.memory_space<hbm>>) dst(%dma_wait3A_212 : memref<64xi32, #tpu.memory_space<vmem>>)
    %dma_start3A_216 = arith.constant 1 : i32
    %dma_start3A_217 = arith.constant 1 : i32
    %dma_start3A_218 = arith.constant 1 : i32
    %dma_start3A_219 = arith.constant 0 : i32
    %dma_start3A_220 = arith.constant 0 : i32
    %dma_start3A_221 = tpu.memref_slice %arg10[%dma_start3A_216, %dma_start3A_219, %dma_start3A_220] : memref<4x64x128xf32, #tpu.memory_space<vmem>> -> memref<1x64x128xf32, #tpu.memory_space<vmem>>
    %dma_start3A_222 = tpu.memref_squeeze %dma_start3A_221 : memref<1x64x128xf32, #tpu.memory_space<vmem>> -> memref<64x128xf32, #tpu.memory_space<vmem>>
    %dma_start3A_223 = arith.constant 0 : i32
    %dma_start3A_224 = tpu.memref_slice %arg9[%dma_start3A_217, %dma_start3A_223] : memref<4x64xi32, #tpu.memory_space<vmem>> -> memref<1x64xi32, #tpu.memory_space<vmem>>
    %dma_start3A_225 = tpu.memref_squeeze %dma_start3A_224 : memref<1x64xi32, #tpu.memory_space<vmem>> -> memref<64xi32, #tpu.memory_space<vmem>>
    %dma_start3A_226 = arith.constant 0 : i32
    %dma_start3A_227 = arith.constant 0 : i32
    %dma_start3A_228 = tpu.memref_slice %arg7[%dma_start3A_226, %dma_start3A_227] : memref<10112x128xf32, #tpu.memory_space<vmem_shared>> -> memref<10112x128xf32, #tpu.memory_space<vmem_shared>>
    %dma_start3A_229 = tpu.memref_slice %arg12[%dma_start3A_218] : memref<4x!tpu.dma_semaphore, #tpu.memory_space<semaphore_mem>> -> memref<1x!tpu.dma_semaphore, #tpu.memory_space<semaphore_mem>>
    %dma_start3A_230 = tpu.memref_squeeze %dma_start3A_229 : memref<1x!tpu.dma_semaphore, #tpu.memory_space<semaphore_mem>> -> memref<!tpu.dma_semaphore, #tpu.memory_space<semaphore_mem>>
    tpu.enqueue_indirect_dma source(%dma_start3A_222 : memref<64x128xf32, #tpu.memory_space<vmem>>) target(%dma_start3A_228 : memref<10112x128xf32, #tpu.memory_space<vmem_shared>>) offsets(%dma_start3A_225 : memref<64xi32, #tpu.memory_space<vmem>>) semaphore(%dma_start3A_230 : memref<!tpu.dma_semaphore, #tpu.memory_space<semaphore_mem>>) {add = true}
    %dma_wait3A_231 = arith.constant 1 : i32
    %dma_wait3A_232 = arith.constant 1 : i32
    %dma_wait3A_233 = arith.constant 1 : i32
    %dma_wait3A_234 = arith.constant 0 : i32
    %dma_wait3A_235 = arith.constant 0 : i32
    %dma_wait3A_236 = tpu.memref_slice %arg10[%dma_wait3A_231, %dma_wait3A_234, %dma_wait3A_235] : memref<4x64x128xf32, #tpu.memory_space<vmem>> -> memref<1x64x128xf32, #tpu.memory_space<vmem>>
    %dma_wait3A_237 = tpu.memref_squeeze %dma_wait3A_236 : memref<1x64x128xf32, #tpu.memory_space<vmem>> -> memref<64x128xf32, #tpu.memory_space<vmem>>
    %dma_wait3A_238 = arith.constant 0 : i32
    %dma_wait3A_239 = tpu.memref_slice %arg9[%dma_wait3A_232, %dma_wait3A_238] : memref<4x64xi32, #tpu.memory_space<vmem>> -> memref<1x64xi32, #tpu.memory_space<vmem>>
    %dma_wait3A_240 = tpu.memref_squeeze %dma_wait3A_239 : memref<1x64xi32, #tpu.memory_space<vmem>> -> memref<64xi32, #tpu.memory_space<vmem>>
    %dma_wait3A_241 = arith.constant 0 : i32
    %dma_wait3A_242 = arith.constant 0 : i32
    %dma_wait3A_243 = tpu.memref_slice %arg7[%dma_wait3A_241, %dma_wait3A_242] : memref<10112x128xf32, #tpu.memory_space<vmem_shared>> -> memref<10112x128xf32, #tpu.memory_space<vmem_shared>>
    %dma_wait3A_244 = tpu.memref_slice %arg12[%dma_wait3A_233] : memref<4x!tpu.dma_semaphore, #tpu.memory_space<semaphore_mem>> -> memref<1x!tpu.dma_semaphore, #tpu.memory_space<semaphore_mem>>
    %dma_wait3A_245 = tpu.memref_squeeze %dma_wait3A_244 : memref<1x!tpu.dma_semaphore, #tpu.memory_space<semaphore_mem>> -> memref<!tpu.dma_semaphore, #tpu.memory_space<semaphore_mem>>
    tpu.wait_indirect_dma semaphore(%dma_wait3A_245 : memref<!tpu.dma_semaphore, #tpu.memory_space<semaphore_mem>>) src(%dma_wait3A_237 : memref<64x128xf32, #tpu.memory_space<vmem>>) dst(%dma_wait3A_243 : memref<10112x128xf32, #tpu.memory_space<vmem_shared>>)
    %dma_wait3A_246 = arith.constant 2 : i32
    %dma_wait3A_247 = arith.constant 2 : i32
    %dma_wait3A_248 = arith.constant 0 : i32
    %dma_wait3A_249 = arith.constant 0 : i32
    %dma_wait3A_250 = tpu.memref_slice %arg10[%dma_wait3A_246, %dma_wait3A_248, %dma_wait3A_249] : memref<4x64x128xf32, #tpu.memory_space<vmem>> -> memref<1x64x128xf32, #tpu.memory_space<vmem>>
    %dma_wait3A_251 = tpu.memref_squeeze %dma_wait3A_250 : memref<1x64x128xf32, #tpu.memory_space<vmem>> -> memref<64x128xf32, #tpu.memory_space<vmem>>
    %dma_wait3A_252 = arith.constant 10112 : i32
    %dma_wait3A_253 = tpu.memref_slice %arg8[%dma_wait3A_252] : memref<10240xi32, #tpu.memory_space<vmem>> -> memref<64xi32, #tpu.memory_space<vmem>>
    %dma_wait3A_254 = arith.constant 0 : i32
    %dma_wait3A_255 = arith.constant 0 : i32
    %dma_wait3A_256 = tpu.memref_slice %arg2[%dma_wait3A_254, %dma_wait3A_255] : memref<10000x128xf32, #tpu.memory_space<hbm>> -> memref<10000x128xf32, #tpu.memory_space<hbm>>
    %dma_wait3A_257 = tpu.memref_slice %arg11[%dma_wait3A_247] : memref<4x!tpu.dma_semaphore, #tpu.memory_space<semaphore_mem>> -> memref<1x!tpu.dma_semaphore, #tpu.memory_space<semaphore_mem>>
    %dma_wait3A_258 = tpu.memref_squeeze %dma_wait3A_257 : memref<1x!tpu.dma_semaphore, #tpu.memory_space<semaphore_mem>> -> memref<!tpu.dma_semaphore, #tpu.memory_space<semaphore_mem>>
    tpu.wait_indirect_dma semaphore(%dma_wait3A_258 : memref<!tpu.dma_semaphore, #tpu.memory_space<semaphore_mem>>) src(%dma_wait3A_256 : memref<10000x128xf32, #tpu.memory_space<hbm>>) dst(%dma_wait3A_251 : memref<64x128xf32, #tpu.memory_space<vmem>>)
    %dma_wait3A_259 = arith.constant 158 : i32
    %dma_wait3A_260 = arith.constant 2 : i32
    %dma_wait3A_261 = arith.constant 2 : i32
    %dma_wait3A_262 = arith.constant 0 : i32
    %dma_wait3A_263 = tpu.memref_slice %arg9[%dma_wait3A_260, %dma_wait3A_262] : memref<4x64xi32, #tpu.memory_space<vmem>> -> memref<1x64xi32, #tpu.memory_space<vmem>>
    %dma_wait3A_264 = tpu.memref_squeeze %dma_wait3A_263 : memref<1x64xi32, #tpu.memory_space<vmem>> -> memref<64xi32, #tpu.memory_space<vmem>>
    %dma_wait3A_265 = arith.constant 0 : i32
    %dma_wait3A_266 = tpu.memref_slice %arg4[%add3A, %dma_wait3A_259, %dma_wait3A_265] : memref<32x160x64xi32, #tpu.memory_space<hbm>> -> memref<1x1x64xi32, #tpu.memory_space<hbm>>
    %dma_wait3A_267 = tpu.memref_squeeze %dma_wait3A_266 : memref<1x1x64xi32, #tpu.memory_space<hbm>> -> memref<64xi32, #tpu.memory_space<hbm>>
    %dma_wait3A_268 = tpu.memref_slice %arg13[%dma_wait3A_261] : memref<4x!tpu.dma_semaphore, #tpu.memory_space<semaphore_mem>> -> memref<1x!tpu.dma_semaphore, #tpu.memory_space<semaphore_mem>>
    %dma_wait3A_269 = tpu.memref_squeeze %dma_wait3A_268 : memref<1x!tpu.dma_semaphore, #tpu.memory_space<semaphore_mem>> -> memref<!tpu.dma_semaphore, #tpu.memory_space<semaphore_mem>>
    %dma_wait3A_270 = arith.constant 0 : i32
    %dma_wait3A_271 = tpu.memref_slice %arg9[%dma_wait3A_260, %dma_wait3A_270] : memref<4x64xi32, #tpu.memory_space<vmem>> -> memref<1x64xi32, #tpu.memory_space<vmem>>
    %dma_wait3A_272 = tpu.memref_squeeze %dma_wait3A_271 : memref<1x64xi32, #tpu.memory_space<vmem>> -> memref<64xi32, #tpu.memory_space<vmem>>
    %dma_wait3A_273 = arith.constant 0 : i32
    %dma_wait3A_274 = tpu.memref_slice %arg4[%add3A, %dma_wait3A_259, %dma_wait3A_273] : memref<32x160x64xi32, #tpu.memory_space<hbm>> -> memref<1x1x64xi32, #tpu.memory_space<hbm>>
    %dma_wait3A_275 = tpu.memref_squeeze %dma_wait3A_274 : memref<1x1x64xi32, #tpu.memory_space<hbm>> -> memref<64xi32, #tpu.memory_space<hbm>>
    tpu.wait_dma2 semaphore(%dma_wait3A_269 : memref<!tpu.dma_semaphore, #tpu.memory_space<semaphore_mem>>) src(%dma_wait3A_275 : memref<64xi32, #tpu.memory_space<hbm>>) dst(%dma_wait3A_272 : memref<64xi32, #tpu.memory_space<vmem>>)
    %dma_start3A_276 = arith.constant 2 : i32
    %dma_start3A_277 = arith.constant 2 : i32
    %dma_start3A_278 = arith.constant 2 : i32
    %dma_start3A_279 = arith.constant 0 : i32
    %dma_start3A_280 = arith.constant 0 : i32
    %dma_start3A_281 = tpu.memref_slice %arg10[%dma_start3A_276, %dma_start3A_279, %dma_start3A_280] : memref<4x64x128xf32, #tpu.memory_space<vmem>> -> memref<1x64x128xf32, #tpu.memory_space<vmem>>
    %dma_start3A_282 = tpu.memref_squeeze %dma_start3A_281 : memref<1x64x128xf32, #tpu.memory_space<vmem>> -> memref<64x128xf32, #tpu.memory_space<vmem>>
    %dma_start3A_283 = arith.constant 0 : i32
    %dma_start3A_284 = tpu.memref_slice %arg9[%dma_start3A_277, %dma_start3A_283] : memref<4x64xi32, #tpu.memory_space<vmem>> -> memref<1x64xi32, #tpu.memory_space<vmem>>
    %dma_start3A_285 = tpu.memref_squeeze %dma_start3A_284 : memref<1x64xi32, #tpu.memory_space<vmem>> -> memref<64xi32, #tpu.memory_space<vmem>>
    %dma_start3A_286 = arith.constant 0 : i32
    %dma_start3A_287 = arith.constant 0 : i32
    %dma_start3A_288 = tpu.memref_slice %arg7[%dma_start3A_286, %dma_start3A_287] : memref<10112x128xf32, #tpu.memory_space<vmem_shared>> -> memref<10112x128xf32, #tpu.memory_space<vmem_shared>>
    %dma_start3A_289 = tpu.memref_slice %arg12[%dma_start3A_278] : memref<4x!tpu.dma_semaphore, #tpu.memory_space<semaphore_mem>> -> memref<1x!tpu.dma_semaphore, #tpu.memory_space<semaphore_mem>>
    %dma_start3A_290 = tpu.memref_squeeze %dma_start3A_289 : memref<1x!tpu.dma_semaphore, #tpu.memory_space<semaphore_mem>> -> memref<!tpu.dma_semaphore, #tpu.memory_space<semaphore_mem>>
    tpu.enqueue_indirect_dma source(%dma_start3A_282 : memref<64x128xf32, #tpu.memory_space<vmem>>) target(%dma_start3A_288 : memref<10112x128xf32, #tpu.memory_space<vmem_shared>>) offsets(%dma_start3A_285 : memref<64xi32, #tpu.memory_space<vmem>>) semaphore(%dma_start3A_290 : memref<!tpu.dma_semaphore, #tpu.memory_space<semaphore_mem>>) {add = true}
    %dma_wait3A_291 = arith.constant 2 : i32
    %dma_wait3A_292 = arith.constant 2 : i32
    %dma_wait3A_293 = arith.constant 2 : i32
    %dma_wait3A_294 = arith.constant 0 : i32
    %dma_wait3A_295 = arith.constant 0 : i32
    %dma_wait3A_296 = tpu.memref_slice %arg10[%dma_wait3A_291, %dma_wait3A_294, %dma_wait3A_295] : memref<4x64x128xf32, #tpu.memory_space<vmem>> -> memref<1x64x128xf32, #tpu.memory_space<vmem>>
    %dma_wait3A_297 = tpu.memref_squeeze %dma_wait3A_296 : memref<1x64x128xf32, #tpu.memory_space<vmem>> -> memref<64x128xf32, #tpu.memory_space<vmem>>
    %dma_wait3A_298 = arith.constant 0 : i32
    %dma_wait3A_299 = tpu.memref_slice %arg9[%dma_wait3A_292, %dma_wait3A_298] : memref<4x64xi32, #tpu.memory_space<vmem>> -> memref<1x64xi32, #tpu.memory_space<vmem>>
    %dma_wait3A_300 = tpu.memref_squeeze %dma_wait3A_299 : memref<1x64xi32, #tpu.memory_space<vmem>> -> memref<64xi32, #tpu.memory_space<vmem>>
    %dma_wait3A_301 = arith.constant 0 : i32
    %dma_wait3A_302 = arith.constant 0 : i32
    %dma_wait3A_303 = tpu.memref_slice %arg7[%dma_wait3A_301, %dma_wait3A_302] : memref<10112x128xf32, #tpu.memory_space<vmem_shared>> -> memref<10112x128xf32, #tpu.memory_space<vmem_shared>>
    %dma_wait3A_304 = tpu.memref_slice %arg12[%dma_wait3A_293] : memref<4x!tpu.dma_semaphore, #tpu.memory_space<semaphore_mem>> -> memref<1x!tpu.dma_semaphore, #tpu.memory_space<semaphore_mem>>
    %dma_wait3A_305 = tpu.memref_squeeze %dma_wait3A_304 : memref<1x!tpu.dma_semaphore, #tpu.memory_space<semaphore_mem>> -> memref<!tpu.dma_semaphore, #tpu.memory_space<semaphore_mem>>
    tpu.wait_indirect_dma semaphore(%dma_wait3A_305 : memref<!tpu.dma_semaphore, #tpu.memory_space<semaphore_mem>>) src(%dma_wait3A_297 : memref<64x128xf32, #tpu.memory_space<vmem>>) dst(%dma_wait3A_303 : memref<10112x128xf32, #tpu.memory_space<vmem_shared>>)
    %dma_wait3A_306 = arith.constant 3 : i32
    %dma_wait3A_307 = arith.constant 3 : i32
    %dma_wait3A_308 = arith.constant 0 : i32
    %dma_wait3A_309 = arith.constant 0 : i32
    %dma_wait3A_310 = tpu.memref_slice %arg10[%dma_wait3A_306, %dma_wait3A_308, %dma_wait3A_309] : memref<4x64x128xf32, #tpu.memory_space<vmem>> -> memref<1x64x128xf32, #tpu.memory_space<vmem>>
    %dma_wait3A_311 = tpu.memref_squeeze %dma_wait3A_310 : memref<1x64x128xf32, #tpu.memory_space<vmem>> -> memref<64x128xf32, #tpu.memory_space<vmem>>
    %dma_wait3A_312 = arith.constant 10176 : i32
    %dma_wait3A_313 = tpu.memref_slice %arg8[%dma_wait3A_312] : memref<10240xi32, #tpu.memory_space<vmem>> -> memref<64xi32, #tpu.memory_space<vmem>>
    %dma_wait3A_314 = arith.constant 0 : i32
    %dma_wait3A_315 = arith.constant 0 : i32
    %dma_wait3A_316 = tpu.memref_slice %arg2[%dma_wait3A_314, %dma_wait3A_315] : memref<10000x128xf32, #tpu.memory_space<hbm>> -> memref<10000x128xf32, #tpu.memory_space<hbm>>
    %dma_wait3A_317 = tpu.memref_slice %arg11[%dma_wait3A_307] : memref<4x!tpu.dma_semaphore, #tpu.memory_space<semaphore_mem>> -> memref<1x!tpu.dma_semaphore, #tpu.memory_space<semaphore_mem>>
    %dma_wait3A_318 = tpu.memref_squeeze %dma_wait3A_317 : memref<1x!tpu.dma_semaphore, #tpu.memory_space<semaphore_mem>> -> memref<!tpu.dma_semaphore, #tpu.memory_space<semaphore_mem>>
    tpu.wait_indirect_dma semaphore(%dma_wait3A_318 : memref<!tpu.dma_semaphore, #tpu.memory_space<semaphore_mem>>) src(%dma_wait3A_316 : memref<10000x128xf32, #tpu.memory_space<hbm>>) dst(%dma_wait3A_311 : memref<64x128xf32, #tpu.memory_space<vmem>>)
    %dma_wait3A_319 = arith.constant 159 : i32
    %dma_wait3A_320 = arith.constant 3 : i32
    %dma_wait3A_321 = arith.constant 3 : i32
    %dma_wait3A_322 = arith.constant 0 : i32
    %dma_wait3A_323 = tpu.memref_slice %arg9[%dma_wait3A_320, %dma_wait3A_322] : memref<4x64xi32, #tpu.memory_space<vmem>> -> memref<1x64xi32, #tpu.memory_space<vmem>>
    %dma_wait3A_324 = tpu.memref_squeeze %dma_wait3A_323 : memref<1x64xi32, #tpu.memory_space<vmem>> -> memref<64xi32, #tpu.memory_space<vmem>>
    %dma_wait3A_325 = arith.constant 0 : i32
    %dma_wait3A_326 = tpu.memref_slice %arg4[%add3A, %dma_wait3A_319, %dma_wait3A_325] : memref<32x160x64xi32, #tpu.memory_space<hbm>> -> memref<1x1x64xi32, #tpu.memory_space<hbm>>
    %dma_wait3A_327 = tpu.memref_squeeze %dma_wait3A_326 : memref<1x1x64xi32, #tpu.memory_space<hbm>> -> memref<64xi32, #tpu.memory_space<hbm>>
    %dma_wait3A_328 = tpu.memref_slice %arg13[%dma_wait3A_321] : memref<4x!tpu.dma_semaphore, #tpu.memory_space<semaphore_mem>> -> memref<1x!tpu.dma_semaphore, #tpu.memory_space<semaphore_mem>>
    %dma_wait3A_329 = tpu.memref_squeeze %dma_wait3A_328 : memref<1x!tpu.dma_semaphore, #tpu.memory_space<semaphore_mem>> -> memref<!tpu.dma_semaphore, #tpu.memory_space<semaphore_mem>>
    %dma_wait3A_330 = arith.constant 0 : i32
    %dma_wait3A_331 = tpu.memref_slice %arg9[%dma_wait3A_320, %dma_wait3A_330] : memref<4x64xi32, #tpu.memory_space<vmem>> -> memref<1x64xi32, #tpu.memory_space<vmem>>
    %dma_wait3A_332 = tpu.memref_squeeze %dma_wait3A_331 : memref<1x64xi32, #tpu.memory_space<vmem>> -> memref<64xi32, #tpu.memory_space<vmem>>
    %dma_wait3A_333 = arith.constant 0 : i32
    %dma_wait3A_334 = tpu.memref_slice %arg4[%add3A, %dma_wait3A_319, %dma_wait3A_333] : memref<32x160x64xi32, #tpu.memory_space<hbm>> -> memref<1x1x64xi32, #tpu.memory_space<hbm>>
    %dma_wait3A_335 = tpu.memref_squeeze %dma_wait3A_334 : memref<1x1x64xi32, #tpu.memory_space<hbm>> -> memref<64xi32, #tpu.memory_space<hbm>>
    tpu.wait_dma2 semaphore(%dma_wait3A_329 : memref<!tpu.dma_semaphore, #tpu.memory_space<semaphore_mem>>) src(%dma_wait3A_335 : memref<64xi32, #tpu.memory_space<hbm>>) dst(%dma_wait3A_332 : memref<64xi32, #tpu.memory_space<vmem>>)
    %dma_start3A_336 = arith.constant 3 : i32
    %dma_start3A_337 = arith.constant 3 : i32
    %dma_start3A_338 = arith.constant 3 : i32
    %dma_start3A_339 = arith.constant 0 : i32
    %dma_start3A_340 = arith.constant 0 : i32
    %dma_start3A_341 = tpu.memref_slice %arg10[%dma_start3A_336, %dma_start3A_339, %dma_start3A_340] : memref<4x64x128xf32, #tpu.memory_space<vmem>> -> memref<1x64x128xf32, #tpu.memory_space<vmem>>
    %dma_start3A_342 = tpu.memref_squeeze %dma_start3A_341 : memref<1x64x128xf32, #tpu.memory_space<vmem>> -> memref<64x128xf32, #tpu.memory_space<vmem>>
    %dma_start3A_343 = arith.constant 0 : i32
    %dma_start3A_344 = tpu.memref_slice %arg9[%dma_start3A_337, %dma_start3A_343] : memref<4x64xi32, #tpu.memory_space<vmem>> -> memref<1x64xi32, #tpu.memory_space<vmem>>
    %dma_start3A_345 = tpu.memref_squeeze %dma_start3A_344 : memref<1x64xi32, #tpu.memory_space<vmem>> -> memref<64xi32, #tpu.memory_space<vmem>>
    %dma_start3A_346 = arith.constant 0 : i32
    %dma_start3A_347 = arith.constant 0 : i32
    %dma_start3A_348 = tpu.memref_slice %arg7[%dma_start3A_346, %dma_start3A_347] : memref<10112x128xf32, #tpu.memory_space<vmem_shared>> -> memref<10112x128xf32, #tpu.memory_space<vmem_shared>>
    %dma_start3A_349 = tpu.memref_slice %arg12[%dma_start3A_338] : memref<4x!tpu.dma_semaphore, #tpu.memory_space<semaphore_mem>> -> memref<1x!tpu.dma_semaphore, #tpu.memory_space<semaphore_mem>>
    %dma_start3A_350 = tpu.memref_squeeze %dma_start3A_349 : memref<1x!tpu.dma_semaphore, #tpu.memory_space<semaphore_mem>> -> memref<!tpu.dma_semaphore, #tpu.memory_space<semaphore_mem>>
    tpu.enqueue_indirect_dma source(%dma_start3A_342 : memref<64x128xf32, #tpu.memory_space<vmem>>) target(%dma_start3A_348 : memref<10112x128xf32, #tpu.memory_space<vmem_shared>>) offsets(%dma_start3A_345 : memref<64xi32, #tpu.memory_space<vmem>>) semaphore(%dma_start3A_350 : memref<!tpu.dma_semaphore, #tpu.memory_space<semaphore_mem>>) {add = true}
    %dma_wait3A_351 = arith.constant 3 : i32
    %dma_wait3A_352 = arith.constant 3 : i32
    %dma_wait3A_353 = arith.constant 3 : i32
    %dma_wait3A_354 = arith.constant 0 : i32
    %dma_wait3A_355 = arith.constant 0 : i32
    %dma_wait3A_356 = tpu.memref_slice %arg10[%dma_wait3A_351, %dma_wait3A_354, %dma_wait3A_355] : memref<4x64x128xf32, #tpu.memory_space<vmem>> -> memref<1x64x128xf32, #tpu.memory_space<vmem>>
    %dma_wait3A_357 = tpu.memref_squeeze %dma_wait3A_356 : memref<1x64x128xf32, #tpu.memory_space<vmem>> -> memref<64x128xf32, #tpu.memory_space<vmem>>
    %dma_wait3A_358 = arith.constant 0 : i32
    %dma_wait3A_359 = tpu.memref_slice %arg9[%dma_wait3A_352, %dma_wait3A_358] : memref<4x64xi32, #tpu.memory_space<vmem>> -> memref<1x64xi32, #tpu.memory_space<vmem>>
    %dma_wait3A_360 = tpu.memref_squeeze %dma_wait3A_359 : memref<1x64xi32, #tpu.memory_space<vmem>> -> memref<64xi32, #tpu.memory_space<vmem>>
    %dma_wait3A_361 = arith.constant 0 : i32
    %dma_wait3A_362 = arith.constant 0 : i32
    %dma_wait3A_363 = tpu.memref_slice %arg7[%dma_wait3A_361, %dma_wait3A_362] : memref<10112x128xf32, #tpu.memory_space<vmem_shared>> -> memref<10112x128xf32, #tpu.memory_space<vmem_shared>>
    %dma_wait3A_364 = tpu.memref_slice %arg12[%dma_wait3A_353] : memref<4x!tpu.dma_semaphore, #tpu.memory_space<semaphore_mem>> -> memref<1x!tpu.dma_semaphore, #tpu.memory_space<semaphore_mem>>
    %dma_wait3A_365 = tpu.memref_squeeze %dma_wait3A_364 : memref<1x!tpu.dma_semaphore, #tpu.memory_space<semaphore_mem>> -> memref<!tpu.dma_semaphore, #tpu.memory_space<semaphore_mem>>
    tpu.wait_indirect_dma semaphore(%dma_wait3A_365 : memref<!tpu.dma_semaphore, #tpu.memory_space<semaphore_mem>>) src(%dma_wait3A_357 : memref<64x128xf32, #tpu.memory_space<vmem>>) dst(%dma_wait3A_363 : memref<10112x128xf32, #tpu.memory_space<vmem_shared>>)
    %barrier3A_366 = arith.constant 0 : index
    tpu.barrier barrier_id(%barrier3A_366)
    %mul3A_367 = arith.constant 632 : i32
    %mul3A_368 = arith.muli %arg1, %mul3A_367 : i32
    "tpu.region"() ({
      %run_scoped3A = tpu.sem_alloc : memref<!tpu.dma_semaphore, #tpu.memory_space<semaphore_mem>>
      %dma_start3A_369 = arith.constant 0 : i32
      %dma_start3A_370 = tpu.memref_slice %arg6[%arg0, %mul3A_368, %dma_start3A_369] : memref<2x10112x128xf32, #tpu.memory_space<hbm>> -> memref<1x632x128xf32, #tpu.memory_space<hbm>>
      %dma_start3A_371 = tpu.memref_squeeze %dma_start3A_370 : memref<1x632x128xf32, #tpu.memory_space<hbm>> -> memref<632x128xf32, #tpu.memory_space<hbm>>
      %dma_start3A_372 = arith.constant 0 : i32
      %dma_start3A_373 = tpu.memref_slice %arg7[%mul3A_368, %dma_start3A_372] : memref<10112x128xf32, #tpu.memory_space<vmem_shared>> -> memref<632x128xf32, #tpu.memory_space<vmem_shared>>
      tpu.enqueue_dma source(%dma_start3A_373 : memref<632x128xf32, #tpu.memory_space<vmem_shared>>) target(%dma_start3A_371 : memref<632x128xf32, #tpu.memory_space<hbm>>) target_semaphore(%run_scoped3A : memref<!tpu.dma_semaphore, #tpu.memory_space<semaphore_mem>>)
      %dma_wait3A_374 = arith.constant 0 : i32
      %dma_wait3A_375 = tpu.memref_slice %arg6[%arg0, %mul3A_368, %dma_wait3A_374] : memref<2x10112x128xf32, #tpu.memory_space<hbm>> -> memref<1x632x128xf32, #tpu.memory_space<hbm>>
      %dma_wait3A_376 = tpu.memref_squeeze %dma_wait3A_375 : memref<1x632x128xf32, #tpu.memory_space<hbm>> -> memref<632x128xf32, #tpu.memory_space<hbm>>
      %dma_wait3A_377 = arith.constant 0 : i32
      %dma_wait3A_378 = tpu.memref_slice %arg7[%mul3A_368, %dma_wait3A_377] : memref<10112x128xf32, #tpu.memory_space<vmem_shared>> -> memref<632x128xf32, #tpu.memory_space<vmem_shared>>
      tpu.wait_dma2 semaphore(%run_scoped3A : memref<!tpu.dma_semaphore, #tpu.memory_space<semaphore_mem>>) src(%dma_wait3A_378 : memref<632x128xf32, #tpu.memory_space<vmem_shared>>) dst(%dma_wait3A_376 : memref<632x128xf32, #tpu.memory_space<hbm>>)
      tpu.yield
    }) : () -> ()
    return
  }
}

#map = affine_map<(d0, d1) -> (0, 0)>
#map1 = affine_map<(d0, d1) -> (0, 0, 0)>
module attributes {stable_mosaic.version = 14 : i64} {
  func.func @_edge_agg_body(%arg0: i32, %arg1: i32, %arg2: memref<10000x128xf32, #tpu.memory_space<hbm>>, %arg3: memref<32x10240xi32, #tpu.memory_space<hbm>>, %arg4: memref<32x160x64xi32, #tpu.memory_space<hbm>>, %arg5: memref<632x128xf32, #tpu.memory_space<hbm>>, %arg6: memref<2x10112x128xf32, #tpu.memory_space<hbm>>, %arg7: memref<10112x128xf32, #tpu.memory_space<vmem_shared>>, %arg8: memref<10240xi32, #tpu.memory_space<vmem>>, %arg9: memref<4x64xi32, #tpu.memory_space<vmem>>, %arg10: memref<4x64x128xf32, #tpu.memory_space<vmem>>, %arg11: memref<4x!tpu.dma_semaphore, #tpu.memory_space<semaphore_mem>>, %arg12: memref<4x!tpu.dma_semaphore, #tpu.memory_space<semaphore_mem>>, %arg13: memref<4x!tpu.dma_semaphore, #tpu.memory_space<semaphore_mem>>) attributes {dimension_semantics = [#tpu.dimension_semantics<core_parallel>, #tpu.dimension_semantics<subcore_parallel>], iteration_bounds = array<i64: 2, 16>, scalar_prefetch = 0 : i64, scratch_operands = 7 : i64, tpu.core_type = #tpu.core_type<sc_vector_subcore>, window_params = [{transform_indices = #map}, {transform_indices = #map}, {transform_indices = #map1}, {transform_indices = #map}, {transform_indices = #map1}]} {
    %mul3A = arith.constant 16 : i32
    %mul3A_0 = arith.muli %arg0, %mul3A : i32
    %add3A = arith.addi %mul3A_0, %arg1 : i32
    "tpu.region"() ({
      %run_scoped3A = tpu.sem_alloc : memref<!tpu.dma_semaphore, #tpu.memory_space<semaphore_mem>>
      %dma_start3A_369 = arith.constant 0 : i32
      %dma_start3A_370 = tpu.memref_slice %arg3[%add3A, %dma_start3A_369] : memref<32x10240xi32, #tpu.memory_space<hbm>> -> memref<1x10240xi32, #tpu.memory_space<hbm>>
      %dma_start3A_371 = tpu.memref_squeeze %dma_start3A_370 : memref<1x10240xi32, #tpu.memory_space<hbm>> -> memref<10240xi32, #tpu.memory_space<hbm>>
      %dma_start3A_372 = arith.constant 0 : i32
      %dma_start3A_373 = tpu.memref_slice %arg3[%add3A, %dma_start3A_372] : memref<32x10240xi32, #tpu.memory_space<hbm>> -> memref<1x10240xi32, #tpu.memory_space<hbm>>
      %dma_start3A_374 = tpu.memref_squeeze %dma_start3A_373 : memref<1x10240xi32, #tpu.memory_space<hbm>> -> memref<10240xi32, #tpu.memory_space<hbm>>
      tpu.enqueue_dma source(%dma_start3A_374 : memref<10240xi32, #tpu.memory_space<hbm>>) target(%arg8 : memref<10240xi32, #tpu.memory_space<vmem>>) target_semaphore(%run_scoped3A : memref<!tpu.dma_semaphore, #tpu.memory_space<semaphore_mem>>)
      %dma_wait3A_375 = arith.constant 0 : i32
      %dma_wait3A_376 = tpu.memref_slice %arg3[%add3A, %dma_wait3A_375] : memref<32x10240xi32, #tpu.memory_space<hbm>> -> memref<1x10240xi32, #tpu.memory_space<hbm>>
      %dma_wait3A_377 = tpu.memref_squeeze %dma_wait3A_376 : memref<1x10240xi32, #tpu.memory_space<hbm>> -> memref<10240xi32, #tpu.memory_space<hbm>>
      %dma_wait3A_378 = arith.constant 0 : i32
      %dma_wait3A_379 = tpu.memref_slice %arg3[%add3A, %dma_wait3A_378] : memref<32x10240xi32, #tpu.memory_space<hbm>> -> memref<1x10240xi32, #tpu.memory_space<hbm>>
      %dma_wait3A_380 = tpu.memref_squeeze %dma_wait3A_379 : memref<1x10240xi32, #tpu.memory_space<hbm>> -> memref<10240xi32, #tpu.memory_space<hbm>>
      tpu.wait_dma2 semaphore(%run_scoped3A : memref<!tpu.dma_semaphore, #tpu.memory_space<semaphore_mem>>) src(%dma_wait3A_380 : memref<10240xi32, #tpu.memory_space<hbm>>) dst(%arg8 : memref<10240xi32, #tpu.memory_space<vmem>>)
      tpu.yield
    }) : () -> ()
    %mul3A_1 = arith.constant 632 : i32
    %mul3A_2 = arith.muli %arg1, %mul3A_1 : i32
    "tpu.region"() ({
      %run_scoped3A = tpu.sem_alloc : memref<!tpu.dma_semaphore, #tpu.memory_space<semaphore_mem>>
      %dma_start3A_369 = arith.constant 0 : i32
      %dma_start3A_370 = tpu.memref_slice %arg7[%mul3A_2, %dma_start3A_369] : memref<10112x128xf32, #tpu.memory_space<vmem_shared>> -> memref<632x128xf32, #tpu.memory_space<vmem_shared>>
      tpu.enqueue_dma source(%arg5 : memref<632x128xf32, #tpu.memory_space<hbm>>) target(%dma_start3A_370 : memref<632x128xf32, #tpu.memory_space<vmem_shared>>) target_semaphore(%run_scoped3A : memref<!tpu.dma_semaphore, #tpu.memory_space<semaphore_mem>>)
      %dma_wait3A_371 = arith.constant 0 : i32
      %dma_wait3A_372 = tpu.memref_slice %arg7[%mul3A_2, %dma_wait3A_371] : memref<10112x128xf32, #tpu.memory_space<vmem_shared>> -> memref<632x128xf32, #tpu.memory_space<vmem_shared>>
      tpu.wait_dma2 semaphore(%run_scoped3A : memref<!tpu.dma_semaphore, #tpu.memory_space<semaphore_mem>>) src(%arg5 : memref<632x128xf32, #tpu.memory_space<hbm>>) dst(%dma_wait3A_372 : memref<632x128xf32, #tpu.memory_space<vmem_shared>>)
      tpu.yield
    }) : () -> ()
    %barrier3A = arith.constant 0 : index
    tpu.barrier barrier_id(%barrier3A)
    %dma_start3A = arith.constant 0 : i32
    %dma_start3A_3 = arith.constant 0 : i32
    %dma_start3A_4 = arith.constant 0 : i32
    %dma_start3A_5 = arith.constant 0 : i32
    %dma_start3A_6 = tpu.memref_slice %arg10[%dma_start3A, %dma_start3A_4, %dma_start3A_5] : memref<4x64x128xf32, #tpu.memory_space<vmem>> -> memref<1x64x128xf32, #tpu.memory_space<vmem>>
    %dma_start3A_7 = tpu.memref_squeeze %dma_start3A_6 : memref<1x64x128xf32, #tpu.memory_space<vmem>> -> memref<64x128xf32, #tpu.memory_space<vmem>>
    %dma_start3A_8 = arith.constant 0 : i32
    %dma_start3A_9 = tpu.memref_slice %arg8[%dma_start3A_8] : memref<10240xi32, #tpu.memory_space<vmem>> -> memref<64xi32, #tpu.memory_space<vmem>>
    %dma_start3A_10 = arith.constant 0 : i32
    %dma_start3A_11 = arith.constant 0 : i32
    %dma_start3A_12 = tpu.memref_slice %arg2[%dma_start3A_10, %dma_start3A_11] : memref<10000x128xf32, #tpu.memory_space<hbm>> -> memref<10000x128xf32, #tpu.memory_space<hbm>>
    %dma_start3A_13 = tpu.memref_slice %arg11[%dma_start3A_3] : memref<4x!tpu.dma_semaphore, #tpu.memory_space<semaphore_mem>> -> memref<1x!tpu.dma_semaphore, #tpu.memory_space<semaphore_mem>>
    %dma_start3A_14 = tpu.memref_squeeze %dma_start3A_13 : memref<1x!tpu.dma_semaphore, #tpu.memory_space<semaphore_mem>> -> memref<!tpu.dma_semaphore, #tpu.memory_space<semaphore_mem>>
    tpu.enqueue_indirect_dma source(%dma_start3A_12 : memref<10000x128xf32, #tpu.memory_space<hbm>>) target(%dma_start3A_7 : memref<64x128xf32, #tpu.memory_space<vmem>>) offsets(%dma_start3A_9 : memref<64xi32, #tpu.memory_space<vmem>>) semaphore(%dma_start3A_14 : memref<!tpu.dma_semaphore, #tpu.memory_space<semaphore_mem>>)
    %dma_start3A_15 = arith.constant 0 : i32
    %dma_start3A_16 = arith.constant 0 : i32
    %dma_start3A_17 = arith.constant 0 : i32
    %dma_start3A_18 = arith.constant 0 : i32
    %dma_start3A_19 = tpu.memref_slice %arg9[%dma_start3A_16, %dma_start3A_18] : memref<4x64xi32, #tpu.memory_space<vmem>> -> memref<1x64xi32, #tpu.memory_space<vmem>>
    %dma_start3A_20 = tpu.memref_squeeze %dma_start3A_19 : memref<1x64xi32, #tpu.memory_space<vmem>> -> memref<64xi32, #tpu.memory_space<vmem>>
    %dma_start3A_21 = arith.constant 0 : i32
    %dma_start3A_22 = tpu.memref_slice %arg4[%add3A, %dma_start3A_15, %dma_start3A_21] : memref<32x160x64xi32, #tpu.memory_space<hbm>> -> memref<1x1x64xi32, #tpu.memory_space<hbm>>
    %dma_start3A_23 = tpu.memref_squeeze %dma_start3A_22 : memref<1x1x64xi32, #tpu.memory_space<hbm>> -> memref<64xi32, #tpu.memory_space<hbm>>
    %dma_start3A_24 = tpu.memref_slice %arg13[%dma_start3A_17] : memref<4x!tpu.dma_semaphore, #tpu.memory_space<semaphore_mem>> -> memref<1x!tpu.dma_semaphore, #tpu.memory_space<semaphore_mem>>
    %dma_start3A_25 = tpu.memref_squeeze %dma_start3A_24 : memref<1x!tpu.dma_semaphore, #tpu.memory_space<semaphore_mem>> -> memref<!tpu.dma_semaphore, #tpu.memory_space<semaphore_mem>>
    %dma_start3A_26 = arith.constant 0 : i32
    %dma_start3A_27 = tpu.memref_slice %arg9[%dma_start3A_16, %dma_start3A_26] : memref<4x64xi32, #tpu.memory_space<vmem>> -> memref<1x64xi32, #tpu.memory_space<vmem>>
    %dma_start3A_28 = tpu.memref_squeeze %dma_start3A_27 : memref<1x64xi32, #tpu.memory_space<vmem>> -> memref<64xi32, #tpu.memory_space<vmem>>
    %dma_start3A_29 = arith.constant 0 : i32
    %dma_start3A_30 = tpu.memref_slice %arg4[%add3A, %dma_start3A_15, %dma_start3A_29] : memref<32x160x64xi32, #tpu.memory_space<hbm>> -> memref<1x1x64xi32, #tpu.memory_space<hbm>>
    %dma_start3A_31 = tpu.memref_squeeze %dma_start3A_30 : memref<1x1x64xi32, #tpu.memory_space<hbm>> -> memref<64xi32, #tpu.memory_space<hbm>>
    tpu.enqueue_dma source(%dma_start3A_31 : memref<64xi32, #tpu.memory_space<hbm>>) target(%dma_start3A_28 : memref<64xi32, #tpu.memory_space<vmem>>) target_semaphore(%dma_start3A_25 : memref<!tpu.dma_semaphore, #tpu.memory_space<semaphore_mem>>)
    %dma_start3A_32 = arith.constant 1 : i32
    %dma_start3A_33 = arith.constant 1 : i32
    %dma_start3A_34 = arith.constant 0 : i32
    %dma_start3A_35 = arith.constant 0 : i32
    %dma_start3A_36 = tpu.memref_slice %arg10[%dma_start3A_32, %dma_start3A_34, %dma_start3A_35] : memref<4x64x128xf32, #tpu.memory_space<vmem>> -> memref<1x64x128xf32, #tpu.memory_space<vmem>>
    %dma_start3A_37 = tpu.memref_squeeze %dma_start3A_36 : memref<1x64x128xf32, #tpu.memory_space<vmem>> -> memref<64x128xf32, #tpu.memory_space<vmem>>
    %dma_start3A_38 = arith.constant 64 : i32
    %dma_start3A_39 = tpu.memref_slice %arg8[%dma_start3A_38] : memref<10240xi32, #tpu.memory_space<vmem>> -> memref<64xi32, #tpu.memory_space<vmem>>
    %dma_start3A_40 = arith.constant 0 : i32
    %dma_start3A_41 = arith.constant 0 : i32
    %dma_start3A_42 = tpu.memref_slice %arg2[%dma_start3A_40, %dma_start3A_41] : memref<10000x128xf32, #tpu.memory_space<hbm>> -> memref<10000x128xf32, #tpu.memory_space<hbm>>
    %dma_start3A_43 = tpu.memref_slice %arg11[%dma_start3A_33] : memref<4x!tpu.dma_semaphore, #tpu.memory_space<semaphore_mem>> -> memref<1x!tpu.dma_semaphore, #tpu.memory_space<semaphore_mem>>
    %dma_start3A_44 = tpu.memref_squeeze %dma_start3A_43 : memref<1x!tpu.dma_semaphore, #tpu.memory_space<semaphore_mem>> -> memref<!tpu.dma_semaphore, #tpu.memory_space<semaphore_mem>>
    tpu.enqueue_indirect_dma source(%dma_start3A_42 : memref<10000x128xf32, #tpu.memory_space<hbm>>) target(%dma_start3A_37 : memref<64x128xf32, #tpu.memory_space<vmem>>) offsets(%dma_start3A_39 : memref<64xi32, #tpu.memory_space<vmem>>) semaphore(%dma_start3A_44 : memref<!tpu.dma_semaphore, #tpu.memory_space<semaphore_mem>>)
    %dma_start3A_45 = arith.constant 1 : i32
    %dma_start3A_46 = arith.constant 1 : i32
    %dma_start3A_47 = arith.constant 1 : i32
    %dma_start3A_48 = arith.constant 0 : i32
    %dma_start3A_49 = tpu.memref_slice %arg9[%dma_start3A_46, %dma_start3A_48] : memref<4x64xi32, #tpu.memory_space<vmem>> -> memref<1x64xi32, #tpu.memory_space<vmem>>
    %dma_start3A_50 = tpu.memref_squeeze %dma_start3A_49 : memref<1x64xi32, #tpu.memory_space<vmem>> -> memref<64xi32, #tpu.memory_space<vmem>>
    %dma_start3A_51 = arith.constant 0 : i32
    %dma_start3A_52 = tpu.memref_slice %arg4[%add3A, %dma_start3A_45, %dma_start3A_51] : memref<32x160x64xi32, #tpu.memory_space<hbm>> -> memref<1x1x64xi32, #tpu.memory_space<hbm>>
    %dma_start3A_53 = tpu.memref_squeeze %dma_start3A_52 : memref<1x1x64xi32, #tpu.memory_space<hbm>> -> memref<64xi32, #tpu.memory_space<hbm>>
    %dma_start3A_54 = tpu.memref_slice %arg13[%dma_start3A_47] : memref<4x!tpu.dma_semaphore, #tpu.memory_space<semaphore_mem>> -> memref<1x!tpu.dma_semaphore, #tpu.memory_space<semaphore_mem>>
    %dma_start3A_55 = tpu.memref_squeeze %dma_start3A_54 : memref<1x!tpu.dma_semaphore, #tpu.memory_space<semaphore_mem>> -> memref<!tpu.dma_semaphore, #tpu.memory_space<semaphore_mem>>
    %dma_start3A_56 = arith.constant 0 : i32
    %dma_start3A_57 = tpu.memref_slice %arg9[%dma_start3A_46, %dma_start3A_56] : memref<4x64xi32, #tpu.memory_space<vmem>> -> memref<1x64xi32, #tpu.memory_space<vmem>>
    %dma_start3A_58 = tpu.memref_squeeze %dma_start3A_57 : memref<1x64xi32, #tpu.memory_space<vmem>> -> memref<64xi32, #tpu.memory_space<vmem>>
    %dma_start3A_59 = arith.constant 0 : i32
    %dma_start3A_60 = tpu.memref_slice %arg4[%add3A, %dma_start3A_45, %dma_start3A_59] : memref<32x160x64xi32, #tpu.memory_space<hbm>> -> memref<1x1x64xi32, #tpu.memory_space<hbm>>
    %dma_start3A_61 = tpu.memref_squeeze %dma_start3A_60 : memref<1x1x64xi32, #tpu.memory_space<hbm>> -> memref<64xi32, #tpu.memory_space<hbm>>
    tpu.enqueue_dma source(%dma_start3A_61 : memref<64xi32, #tpu.memory_space<hbm>>) target(%dma_start3A_58 : memref<64xi32, #tpu.memory_space<vmem>>) target_semaphore(%dma_start3A_55 : memref<!tpu.dma_semaphore, #tpu.memory_space<semaphore_mem>>)
    %dma_start3A_62 = arith.constant 2 : i32
    %dma_start3A_63 = arith.constant 2 : i32
    %dma_start3A_64 = arith.constant 0 : i32
    %dma_start3A_65 = arith.constant 0 : i32
    %dma_start3A_66 = tpu.memref_slice %arg10[%dma_start3A_62, %dma_start3A_64, %dma_start3A_65] : memref<4x64x128xf32, #tpu.memory_space<vmem>> -> memref<1x64x128xf32, #tpu.memory_space<vmem>>
    %dma_start3A_67 = tpu.memref_squeeze %dma_start3A_66 : memref<1x64x128xf32, #tpu.memory_space<vmem>> -> memref<64x128xf32, #tpu.memory_space<vmem>>
    %dma_start3A_68 = arith.constant 128 : i32
    %dma_start3A_69 = tpu.memref_slice %arg8[%dma_start3A_68] : memref<10240xi32, #tpu.memory_space<vmem>> -> memref<64xi32, #tpu.memory_space<vmem>>
    %dma_start3A_70 = arith.constant 0 : i32
    %dma_start3A_71 = arith.constant 0 : i32
    %dma_start3A_72 = tpu.memref_slice %arg2[%dma_start3A_70, %dma_start3A_71] : memref<10000x128xf32, #tpu.memory_space<hbm>> -> memref<10000x128xf32, #tpu.memory_space<hbm>>
    %dma_start3A_73 = tpu.memref_slice %arg11[%dma_start3A_63] : memref<4x!tpu.dma_semaphore, #tpu.memory_space<semaphore_mem>> -> memref<1x!tpu.dma_semaphore, #tpu.memory_space<semaphore_mem>>
    %dma_start3A_74 = tpu.memref_squeeze %dma_start3A_73 : memref<1x!tpu.dma_semaphore, #tpu.memory_space<semaphore_mem>> -> memref<!tpu.dma_semaphore, #tpu.memory_space<semaphore_mem>>
    tpu.enqueue_indirect_dma source(%dma_start3A_72 : memref<10000x128xf32, #tpu.memory_space<hbm>>) target(%dma_start3A_67 : memref<64x128xf32, #tpu.memory_space<vmem>>) offsets(%dma_start3A_69 : memref<64xi32, #tpu.memory_space<vmem>>) semaphore(%dma_start3A_74 : memref<!tpu.dma_semaphore, #tpu.memory_space<semaphore_mem>>)
    %dma_start3A_75 = arith.constant 2 : i32
    %dma_start3A_76 = arith.constant 2 : i32
    %dma_start3A_77 = arith.constant 2 : i32
    %dma_start3A_78 = arith.constant 0 : i32
    %dma_start3A_79 = tpu.memref_slice %arg9[%dma_start3A_76, %dma_start3A_78] : memref<4x64xi32, #tpu.memory_space<vmem>> -> memref<1x64xi32, #tpu.memory_space<vmem>>
    %dma_start3A_80 = tpu.memref_squeeze %dma_start3A_79 : memref<1x64xi32, #tpu.memory_space<vmem>> -> memref<64xi32, #tpu.memory_space<vmem>>
    %dma_start3A_81 = arith.constant 0 : i32
    %dma_start3A_82 = tpu.memref_slice %arg4[%add3A, %dma_start3A_75, %dma_start3A_81] : memref<32x160x64xi32, #tpu.memory_space<hbm>> -> memref<1x1x64xi32, #tpu.memory_space<hbm>>
    %dma_start3A_83 = tpu.memref_squeeze %dma_start3A_82 : memref<1x1x64xi32, #tpu.memory_space<hbm>> -> memref<64xi32, #tpu.memory_space<hbm>>
    %dma_start3A_84 = tpu.memref_slice %arg13[%dma_start3A_77] : memref<4x!tpu.dma_semaphore, #tpu.memory_space<semaphore_mem>> -> memref<1x!tpu.dma_semaphore, #tpu.memory_space<semaphore_mem>>
    %dma_start3A_85 = tpu.memref_squeeze %dma_start3A_84 : memref<1x!tpu.dma_semaphore, #tpu.memory_space<semaphore_mem>> -> memref<!tpu.dma_semaphore, #tpu.memory_space<semaphore_mem>>
    %dma_start3A_86 = arith.constant 0 : i32
    %dma_start3A_87 = tpu.memref_slice %arg9[%dma_start3A_76, %dma_start3A_86] : memref<4x64xi32, #tpu.memory_space<vmem>> -> memref<1x64xi32, #tpu.memory_space<vmem>>
    %dma_start3A_88 = tpu.memref_squeeze %dma_start3A_87 : memref<1x64xi32, #tpu.memory_space<vmem>> -> memref<64xi32, #tpu.memory_space<vmem>>
    %dma_start3A_89 = arith.constant 0 : i32
    %dma_start3A_90 = tpu.memref_slice %arg4[%add3A, %dma_start3A_75, %dma_start3A_89] : memref<32x160x64xi32, #tpu.memory_space<hbm>> -> memref<1x1x64xi32, #tpu.memory_space<hbm>>
    %dma_start3A_91 = tpu.memref_squeeze %dma_start3A_90 : memref<1x1x64xi32, #tpu.memory_space<hbm>> -> memref<64xi32, #tpu.memory_space<hbm>>
    tpu.enqueue_dma source(%dma_start3A_91 : memref<64xi32, #tpu.memory_space<hbm>>) target(%dma_start3A_88 : memref<64xi32, #tpu.memory_space<vmem>>) target_semaphore(%dma_start3A_85 : memref<!tpu.dma_semaphore, #tpu.memory_space<semaphore_mem>>)
    %dma_start3A_92 = arith.constant 3 : i32
    %dma_start3A_93 = arith.constant 3 : i32
    %dma_start3A_94 = arith.constant 0 : i32
    %dma_start3A_95 = arith.constant 0 : i32
    %dma_start3A_96 = tpu.memref_slice %arg10[%dma_start3A_92, %dma_start3A_94, %dma_start3A_95] : memref<4x64x128xf32, #tpu.memory_space<vmem>> -> memref<1x64x128xf32, #tpu.memory_space<vmem>>
    %dma_start3A_97 = tpu.memref_squeeze %dma_start3A_96 : memref<1x64x128xf32, #tpu.memory_space<vmem>> -> memref<64x128xf32, #tpu.memory_space<vmem>>
    %dma_start3A_98 = arith.constant 192 : i32
    %dma_start3A_99 = tpu.memref_slice %arg8[%dma_start3A_98] : memref<10240xi32, #tpu.memory_space<vmem>> -> memref<64xi32, #tpu.memory_space<vmem>>
    %dma_start3A_100 = arith.constant 0 : i32
    %dma_start3A_101 = arith.constant 0 : i32
    %dma_start3A_102 = tpu.memref_slice %arg2[%dma_start3A_100, %dma_start3A_101] : memref<10000x128xf32, #tpu.memory_space<hbm>> -> memref<10000x128xf32, #tpu.memory_space<hbm>>
    %dma_start3A_103 = tpu.memref_slice %arg11[%dma_start3A_93] : memref<4x!tpu.dma_semaphore, #tpu.memory_space<semaphore_mem>> -> memref<1x!tpu.dma_semaphore, #tpu.memory_space<semaphore_mem>>
    %dma_start3A_104 = tpu.memref_squeeze %dma_start3A_103 : memref<1x!tpu.dma_semaphore, #tpu.memory_space<semaphore_mem>> -> memref<!tpu.dma_semaphore, #tpu.memory_space<semaphore_mem>>
    tpu.enqueue_indirect_dma source(%dma_start3A_102 : memref<10000x128xf32, #tpu.memory_space<hbm>>) target(%dma_start3A_97 : memref<64x128xf32, #tpu.memory_space<vmem>>) offsets(%dma_start3A_99 : memref<64xi32, #tpu.memory_space<vmem>>) semaphore(%dma_start3A_104 : memref<!tpu.dma_semaphore, #tpu.memory_space<semaphore_mem>>)
    %dma_start3A_105 = arith.constant 3 : i32
    %dma_start3A_106 = arith.constant 3 : i32
    %dma_start3A_107 = arith.constant 3 : i32
    %dma_start3A_108 = arith.constant 0 : i32
    %dma_start3A_109 = tpu.memref_slice %arg9[%dma_start3A_106, %dma_start3A_108] : memref<4x64xi32, #tpu.memory_space<vmem>> -> memref<1x64xi32, #tpu.memory_space<vmem>>
    %dma_start3A_110 = tpu.memref_squeeze %dma_start3A_109 : memref<1x64xi32, #tpu.memory_space<vmem>> -> memref<64xi32, #tpu.memory_space<vmem>>
    %dma_start3A_111 = arith.constant 0 : i32
    %dma_start3A_112 = tpu.memref_slice %arg4[%add3A, %dma_start3A_105, %dma_start3A_111] : memref<32x160x64xi32, #tpu.memory_space<hbm>> -> memref<1x1x64xi32, #tpu.memory_space<hbm>>
    %dma_start3A_113 = tpu.memref_squeeze %dma_start3A_112 : memref<1x1x64xi32, #tpu.memory_space<hbm>> -> memref<64xi32, #tpu.memory_space<hbm>>
    %dma_start3A_114 = tpu.memref_slice %arg13[%dma_start3A_107] : memref<4x!tpu.dma_semaphore, #tpu.memory_space<semaphore_mem>> -> memref<1x!tpu.dma_semaphore, #tpu.memory_space<semaphore_mem>>
    %dma_start3A_115 = tpu.memref_squeeze %dma_start3A_114 : memref<1x!tpu.dma_semaphore, #tpu.memory_space<semaphore_mem>> -> memref<!tpu.dma_semaphore, #tpu.memory_space<semaphore_mem>>
    %dma_start3A_116 = arith.constant 0 : i32
    %dma_start3A_117 = tpu.memref_slice %arg9[%dma_start3A_106, %dma_start3A_116] : memref<4x64xi32, #tpu.memory_space<vmem>> -> memref<1x64xi32, #tpu.memory_space<vmem>>
    %dma_start3A_118 = tpu.memref_squeeze %dma_start3A_117 : memref<1x64xi32, #tpu.memory_space<vmem>> -> memref<64xi32, #tpu.memory_space<vmem>>
    %dma_start3A_119 = arith.constant 0 : i32
    %dma_start3A_120 = tpu.memref_slice %arg4[%add3A, %dma_start3A_105, %dma_start3A_119] : memref<32x160x64xi32, #tpu.memory_space<hbm>> -> memref<1x1x64xi32, #tpu.memory_space<hbm>>
    %dma_start3A_121 = tpu.memref_squeeze %dma_start3A_120 : memref<1x1x64xi32, #tpu.memory_space<hbm>> -> memref<64xi32, #tpu.memory_space<hbm>>
    tpu.enqueue_dma source(%dma_start3A_121 : memref<64xi32, #tpu.memory_space<hbm>>) target(%dma_start3A_118 : memref<64xi32, #tpu.memory_space<vmem>>) target_semaphore(%dma_start3A_115 : memref<!tpu.dma_semaphore, #tpu.memory_space<semaphore_mem>>)
    %scan3A = arith.constant 0 : i32
    %scan3A_122 = arith.constant 0 : i32
    %scan3A_123 = arith.constant 39 : i32
    %scan3A_124 = arith.addi %scan3A_122, %scan3A_123 : i32
    %scan3A_125 = arith.constant 1 : i32
    scf.for %scan3A_369 = %scan3A_122 to %scan3A_124 step %scan3A_125  : i32 {
      %mul3A_370 = arith.constant 4 : i32
      %mul3A_371 = arith.muli %scan3A_369, %mul3A_370 : i32
      %add3A_372 = arith.constant 0 : i32
      %add3A_373 = arith.addi %mul3A_371, %add3A_372 : i32
      %mul3A_374 = arith.constant 64 : i32
      %mul3A_375 = arith.muli %add3A_373, %mul3A_374 : i32
      %dma_wait3A_376 = arith.constant 0 : i32
      %dma_wait3A_377 = arith.constant 0 : i32
      %dma_wait3A_378 = arith.constant 0 : i32
      %dma_wait3A_379 = arith.constant 0 : i32
      %dma_wait3A_380 = tpu.memref_slice %arg10[%dma_wait3A_376, %dma_wait3A_378, %dma_wait3A_379] : memref<4x64x128xf32, #tpu.memory_space<vmem>> -> memref<1x64x128xf32, #tpu.memory_space<vmem>>
      %dma_wait3A_381 = tpu.memref_squeeze %dma_wait3A_380 : memref<1x64x128xf32, #tpu.memory_space<vmem>> -> memref<64x128xf32, #tpu.memory_space<vmem>>
      %dma_wait3A_382 = tpu.memref_slice %arg8[%mul3A_375] : memref<10240xi32, #tpu.memory_space<vmem>> -> memref<64xi32, #tpu.memory_space<vmem>>
      %dma_wait3A_383 = arith.constant 0 : i32
      %dma_wait3A_384 = arith.constant 0 : i32
      %dma_wait3A_385 = tpu.memref_slice %arg2[%dma_wait3A_383, %dma_wait3A_384] : memref<10000x128xf32, #tpu.memory_space<hbm>> -> memref<10000x128xf32, #tpu.memory_space<hbm>>
      %dma_wait3A_386 = tpu.memref_slice %arg11[%dma_wait3A_377] : memref<4x!tpu.dma_semaphore, #tpu.memory_space<semaphore_mem>> -> memref<1x!tpu.dma_semaphore, #tpu.memory_space<semaphore_mem>>
      %dma_wait3A_387 = tpu.memref_squeeze %dma_wait3A_386 : memref<1x!tpu.dma_semaphore, #tpu.memory_space<semaphore_mem>> -> memref<!tpu.dma_semaphore, #tpu.memory_space<semaphore_mem>>
      tpu.wait_indirect_dma semaphore(%dma_wait3A_387 : memref<!tpu.dma_semaphore, #tpu.memory_space<semaphore_mem>>) src(%dma_wait3A_385 : memref<10000x128xf32, #tpu.memory_space<hbm>>) dst(%dma_wait3A_381 : memref<64x128xf32, #tpu.memory_space<vmem>>)
      %dma_wait3A_388 = arith.constant 0 : i32
      %dma_wait3A_389 = arith.constant 0 : i32
      %dma_wait3A_390 = arith.constant 0 : i32
      %dma_wait3A_391 = tpu.memref_slice %arg9[%dma_wait3A_388, %dma_wait3A_390] : memref<4x64xi32, #tpu.memory_space<vmem>> -> memref<1x64xi32, #tpu.memory_space<vmem>>
      %dma_wait3A_392 = tpu.memref_squeeze %dma_wait3A_391 : memref<1x64xi32, #tpu.memory_space<vmem>> -> memref<64xi32, #tpu.memory_space<vmem>>
      %dma_wait3A_393 = arith.constant 0 : i32
      %dma_wait3A_394 = tpu.memref_slice %arg4[%add3A, %add3A_373, %dma_wait3A_393] : memref<32x160x64xi32, #tpu.memory_space<hbm>> -> memref<1x1x64xi32, #tpu.memory_space<hbm>>
      %dma_wait3A_395 = tpu.memref_squeeze %dma_wait3A_394 : memref<1x1x64xi32, #tpu.memory_space<hbm>> -> memref<64xi32, #tpu.memory_space<hbm>>
      %dma_wait3A_396 = tpu.memref_slice %arg13[%dma_wait3A_389] : memref<4x!tpu.dma_semaphore, #tpu.memory_space<semaphore_mem>> -> memref<1x!tpu.dma_semaphore, #tpu.memory_space<semaphore_mem>>
      %dma_wait3A_397 = tpu.memref_squeeze %dma_wait3A_396 : memref<1x!tpu.dma_semaphore, #tpu.memory_space<semaphore_mem>> -> memref<!tpu.dma_semaphore, #tpu.memory_space<semaphore_mem>>
      %dma_wait3A_398 = arith.constant 0 : i32
      %dma_wait3A_399 = tpu.memref_slice %arg9[%dma_wait3A_388, %dma_wait3A_398] : memref<4x64xi32, #tpu.memory_space<vmem>> -> memref<1x64xi32, #tpu.memory_space<vmem>>
      %dma_wait3A_400 = tpu.memref_squeeze %dma_wait3A_399 : memref<1x64xi32, #tpu.memory_space<vmem>> -> memref<64xi32, #tpu.memory_space<vmem>>
      %dma_wait3A_401 = arith.constant 0 : i32
      %dma_wait3A_402 = tpu.memref_slice %arg4[%add3A, %add3A_373, %dma_wait3A_401] : memref<32x160x64xi32, #tpu.memory_space<hbm>> -> memref<1x1x64xi32, #tpu.memory_space<hbm>>
      %dma_wait3A_403 = tpu.memref_squeeze %dma_wait3A_402 : memref<1x1x64xi32, #tpu.memory_space<hbm>> -> memref<64xi32, #tpu.memory_space<hbm>>
      tpu.wait_dma2 semaphore(%dma_wait3A_397 : memref<!tpu.dma_semaphore, #tpu.memory_space<semaphore_mem>>) src(%dma_wait3A_403 : memref<64xi32, #tpu.memory_space<hbm>>) dst(%dma_wait3A_400 : memref<64xi32, #tpu.memory_space<vmem>>)
      %dma_start3A_404 = arith.constant 0 : i32
      %dma_start3A_405 = arith.constant 0 : i32
      %dma_start3A_406 = arith.constant 0 : i32
      %dma_start3A_407 = arith.constant 0 : i32
      %dma_start3A_408 = arith.constant 0 : i32
      %dma_start3A_409 = tpu.memref_slice %arg10[%dma_start3A_404, %dma_start3A_407, %dma_start3A_408] : memref<4x64x128xf32, #tpu.memory_space<vmem>> -> memref<1x64x128xf32, #tpu.memory_space<vmem>>
      %dma_start3A_410 = tpu.memref_squeeze %dma_start3A_409 : memref<1x64x128xf32, #tpu.memory_space<vmem>> -> memref<64x128xf32, #tpu.memory_space<vmem>>
      %dma_start3A_411 = arith.constant 0 : i32
      %dma_start3A_412 = tpu.memref_slice %arg9[%dma_start3A_405, %dma_start3A_411] : memref<4x64xi32, #tpu.memory_space<vmem>> -> memref<1x64xi32, #tpu.memory_space<vmem>>
      %dma_start3A_413 = tpu.memref_squeeze %dma_start3A_412 : memref<1x64xi32, #tpu.memory_space<vmem>> -> memref<64xi32, #tpu.memory_space<vmem>>
      %dma_start3A_414 = arith.constant 0 : i32
      %dma_start3A_415 = arith.constant 0 : i32
      %dma_start3A_416 = tpu.memref_slice %arg7[%dma_start3A_414, %dma_start3A_415] : memref<10112x128xf32, #tpu.memory_space<vmem_shared>> -> memref<10112x128xf32, #tpu.memory_space<vmem_shared>>
      %dma_start3A_417 = tpu.memref_slice %arg12[%dma_start3A_406] : memref<4x!tpu.dma_semaphore, #tpu.memory_space<semaphore_mem>> -> memref<1x!tpu.dma_semaphore, #tpu.memory_space<semaphore_mem>>
      %dma_start3A_418 = tpu.memref_squeeze %dma_start3A_417 : memref<1x!tpu.dma_semaphore, #tpu.memory_space<semaphore_mem>> -> memref<!tpu.dma_semaphore, #tpu.memory_space<semaphore_mem>>
      tpu.enqueue_indirect_dma source(%dma_start3A_410 : memref<64x128xf32, #tpu.memory_space<vmem>>) target(%dma_start3A_416 : memref<10112x128xf32, #tpu.memory_space<vmem_shared>>) offsets(%dma_start3A_413 : memref<64xi32, #tpu.memory_space<vmem>>) semaphore(%dma_start3A_418 : memref<!tpu.dma_semaphore, #tpu.memory_space<semaphore_mem>>) {add = true}
      %dma_wait3A_419 = arith.constant 0 : i32
      %dma_wait3A_420 = arith.constant 0 : i32
      %dma_wait3A_421 = arith.constant 0 : i32
      %dma_wait3A_422 = arith.constant 0 : i32
      %dma_wait3A_423 = arith.constant 0 : i32
      %dma_wait3A_424 = tpu.memref_slice %arg10[%dma_wait3A_419, %dma_wait3A_422, %dma_wait3A_423] : memref<4x64x128xf32, #tpu.memory_space<vmem>> -> memref<1x64x128xf32, #tpu.memory_space<vmem>>
      %dma_wait3A_425 = tpu.memref_squeeze %dma_wait3A_424 : memref<1x64x128xf32, #tpu.memory_space<vmem>> -> memref<64x128xf32, #tpu.memory_space<vmem>>
      %dma_wait3A_426 = arith.constant 0 : i32
      %dma_wait3A_427 = tpu.memref_slice %arg9[%dma_wait3A_420, %dma_wait3A_426] : memref<4x64xi32, #tpu.memory_space<vmem>> -> memref<1x64xi32, #tpu.memory_space<vmem>>
      %dma_wait3A_428 = tpu.memref_squeeze %dma_wait3A_427 : memref<1x64xi32, #tpu.memory_space<vmem>> -> memref<64xi32, #tpu.memory_space<vmem>>
      %dma_wait3A_429 = arith.constant 0 : i32
      %dma_wait3A_430 = arith.constant 0 : i32
      %dma_wait3A_431 = tpu.memref_slice %arg7[%dma_wait3A_429, %dma_wait3A_430] : memref<10112x128xf32, #tpu.memory_space<vmem_shared>> -> memref<10112x128xf32, #tpu.memory_space<vmem_shared>>
      %dma_wait3A_432 = tpu.memref_slice %arg12[%dma_wait3A_421] : memref<4x!tpu.dma_semaphore, #tpu.memory_space<semaphore_mem>> -> memref<1x!tpu.dma_semaphore, #tpu.memory_space<semaphore_mem>>
      %dma_wait3A_433 = tpu.memref_squeeze %dma_wait3A_432 : memref<1x!tpu.dma_semaphore, #tpu.memory_space<semaphore_mem>> -> memref<!tpu.dma_semaphore, #tpu.memory_space<semaphore_mem>>
      tpu.wait_indirect_dma semaphore(%dma_wait3A_433 : memref<!tpu.dma_semaphore, #tpu.memory_space<semaphore_mem>>) src(%dma_wait3A_425 : memref<64x128xf32, #tpu.memory_space<vmem>>) dst(%dma_wait3A_431 : memref<10112x128xf32, #tpu.memory_space<vmem_shared>>)
      %add3A_434 = arith.constant 4 : i32
      %add3A_435 = arith.addi %add3A_373, %add3A_434 : i32
      %mul3A_436 = arith.constant 64 : i32
      %mul3A_437 = arith.muli %add3A_435, %mul3A_436 : i32
      %dma_start3A_438 = arith.constant 0 : i32
      %dma_start3A_439 = arith.constant 0 : i32
      %dma_start3A_440 = arith.constant 0 : i32
      %dma_start3A_441 = arith.constant 0 : i32
      %dma_start3A_442 = tpu.memref_slice %arg10[%dma_start3A_438, %dma_start3A_440, %dma_start3A_441] : memref<4x64x128xf32, #tpu.memory_space<vmem>> -> memref<1x64x128xf32, #tpu.memory_space<vmem>>
      %dma_start3A_443 = tpu.memref_squeeze %dma_start3A_442 : memref<1x64x128xf32, #tpu.memory_space<vmem>> -> memref<64x128xf32, #tpu.memory_space<vmem>>
      %dma_start3A_444 = tpu.memref_slice %arg8[%mul3A_437] : memref<10240xi32, #tpu.memory_space<vmem>> -> memref<64xi32, #tpu.memory_space<vmem>>
      %dma_start3A_445 = arith.constant 0 : i32
      %dma_start3A_446 = arith.constant 0 : i32
      %dma_start3A_447 = tpu.memref_slice %arg2[%dma_start3A_445, %dma_start3A_446] : memref<10000x128xf32, #tpu.memory_space<hbm>> -> memref<10000x128xf32, #tpu.memory_space<hbm>>
      %dma_start3A_448 = tpu.memref_slice %arg11[%dma_start3A_439] : memref<4x!tpu.dma_semaphore, #tpu.memory_space<semaphore_mem>> -> memref<1x!tpu.dma_semaphore, #tpu.memory_space<semaphore_mem>>
      %dma_start3A_449 = tpu.memref_squeeze %dma_start3A_448 : memref<1x!tpu.dma_semaphore, #tpu.memory_space<semaphore_mem>> -> memref<!tpu.dma_semaphore, #tpu.memory_space<semaphore_mem>>
      tpu.enqueue_indirect_dma source(%dma_start3A_447 : memref<10000x128xf32, #tpu.memory_space<hbm>>) target(%dma_start3A_443 : memref<64x128xf32, #tpu.memory_space<vmem>>) offsets(%dma_start3A_444 : memref<64xi32, #tpu.memory_space<vmem>>) semaphore(%dma_start3A_449 : memref<!tpu.dma_semaphore, #tpu.memory_space<semaphore_mem>>)
      %add3A_450 = arith.constant 4 : i32
      %add3A_451 = arith.addi %add3A_373, %add3A_450 : i32
      %dma_start3A_452 = arith.constant 0 : i32
      %dma_start3A_453 = arith.constant 0 : i32
      %dma_start3A_454 = arith.constant 0 : i32
      %dma_start3A_455 = tpu.memref_slice %arg9[%dma_start3A_452, %dma_start3A_454] : memref<4x64xi32, #tpu.memory_space<vmem>> -> memref<1x64xi32, #tpu.memory_space<vmem>>
      %dma_start3A_456 = tpu.memref_squeeze %dma_start3A_455 : memref<1x64xi32, #tpu.memory_space<vmem>> -> memref<64xi32, #tpu.memory_space<vmem>>
      %dma_start3A_457 = arith.constant 0 : i32
      %dma_start3A_458 = tpu.memref_slice %arg4[%add3A, %add3A_451, %dma_start3A_457] : memref<32x160x64xi32, #tpu.memory_space<hbm>> -> memref<1x1x64xi32, #tpu.memory_space<hbm>>
      %dma_start3A_459 = tpu.memref_squeeze %dma_start3A_458 : memref<1x1x64xi32, #tpu.memory_space<hbm>> -> memref<64xi32, #tpu.memory_space<hbm>>
      %dma_start3A_460 = tpu.memref_slice %arg13[%dma_start3A_453] : memref<4x!tpu.dma_semaphore, #tpu.memory_space<semaphore_mem>> -> memref<1x!tpu.dma_semaphore, #tpu.memory_space<semaphore_mem>>
      %dma_start3A_461 = tpu.memref_squeeze %dma_start3A_460 : memref<1x!tpu.dma_semaphore, #tpu.memory_space<semaphore_mem>> -> memref<!tpu.dma_semaphore, #tpu.memory_space<semaphore_mem>>
      %dma_start3A_462 = arith.constant 0 : i32
      %dma_start3A_463 = tpu.memref_slice %arg9[%dma_start3A_452, %dma_start3A_462] : memref<4x64xi32, #tpu.memory_space<vmem>> -> memref<1x64xi32, #tpu.memory_space<vmem>>
      %dma_start3A_464 = tpu.memref_squeeze %dma_start3A_463 : memref<1x64xi32, #tpu.memory_space<vmem>> -> memref<64xi32, #tpu.memory_space<vmem>>
      %dma_start3A_465 = arith.constant 0 : i32
      %dma_start3A_466 = tpu.memref_slice %arg4[%add3A, %add3A_451, %dma_start3A_465] : memref<32x160x64xi32, #tpu.memory_space<hbm>> -> memref<1x1x64xi32, #tpu.memory_space<hbm>>
      %dma_start3A_467 = tpu.memref_squeeze %dma_start3A_466 : memref<1x1x64xi32, #tpu.memory_space<hbm>> -> memref<64xi32, #tpu.memory_space<hbm>>
      tpu.enqueue_dma source(%dma_start3A_467 : memref<64xi32, #tpu.memory_space<hbm>>) target(%dma_start3A_464 : memref<64xi32, #tpu.memory_space<vmem>>) target_semaphore(%dma_start3A_461 : memref<!tpu.dma_semaphore, #tpu.memory_space<semaphore_mem>>)
      %mul3A_468 = arith.constant 4 : i32
      %mul3A_469 = arith.muli %scan3A_369, %mul3A_468 : i32
      %add3A_470 = arith.constant 1 : i32
      %add3A_471 = arith.addi %mul3A_469, %add3A_470 : i32
      %mul3A_472 = arith.constant 64 : i32
      %mul3A_473 = arith.muli %add3A_471, %mul3A_472 : i32
      %dma_wait3A_474 = arith.constant 1 : i32
      %dma_wait3A_475 = arith.constant 1 : i32
      %dma_wait3A_476 = arith.constant 0 : i32
      %dma_wait3A_477 = arith.constant 0 : i32
      %dma_wait3A_478 = tpu.memref_slice %arg10[%dma_wait3A_474, %dma_wait3A_476, %dma_wait3A_477] : memref<4x64x128xf32, #tpu.memory_space<vmem>> -> memref<1x64x128xf32, #tpu.memory_space<vmem>>
      %dma_wait3A_479 = tpu.memref_squeeze %dma_wait3A_478 : memref<1x64x128xf32, #tpu.memory_space<vmem>> -> memref<64x128xf32, #tpu.memory_space<vmem>>
      %dma_wait3A_480 = tpu.memref_slice %arg8[%mul3A_473] : memref<10240xi32, #tpu.memory_space<vmem>> -> memref<64xi32, #tpu.memory_space<vmem>>
      %dma_wait3A_481 = arith.constant 0 : i32
      %dma_wait3A_482 = arith.constant 0 : i32
      %dma_wait3A_483 = tpu.memref_slice %arg2[%dma_wait3A_481, %dma_wait3A_482] : memref<10000x128xf32, #tpu.memory_space<hbm>> -> memref<10000x128xf32, #tpu.memory_space<hbm>>
      %dma_wait3A_484 = tpu.memref_slice %arg11[%dma_wait3A_475] : memref<4x!tpu.dma_semaphore, #tpu.memory_space<semaphore_mem>> -> memref<1x!tpu.dma_semaphore, #tpu.memory_space<semaphore_mem>>
      %dma_wait3A_485 = tpu.memref_squeeze %dma_wait3A_484 : memref<1x!tpu.dma_semaphore, #tpu.memory_space<semaphore_mem>> -> memref<!tpu.dma_semaphore, #tpu.memory_space<semaphore_mem>>
      tpu.wait_indirect_dma semaphore(%dma_wait3A_485 : memref<!tpu.dma_semaphore, #tpu.memory_space<semaphore_mem>>) src(%dma_wait3A_483 : memref<10000x128xf32, #tpu.memory_space<hbm>>) dst(%dma_wait3A_479 : memref<64x128xf32, #tpu.memory_space<vmem>>)
      %dma_wait3A_486 = arith.constant 1 : i32
      %dma_wait3A_487 = arith.constant 1 : i32
      %dma_wait3A_488 = arith.constant 0 : i32
      %dma_wait3A_489 = tpu.memref_slice %arg9[%dma_wait3A_486, %dma_wait3A_488] : memref<4x64xi32, #tpu.memory_space<vmem>> -> memref<1x64xi32, #tpu.memory_space<vmem>>
      %dma_wait3A_490 = tpu.memref_squeeze %dma_wait3A_489 : memref<1x64xi32, #tpu.memory_space<vmem>> -> memref<64xi32, #tpu.memory_space<vmem>>
      %dma_wait3A_491 = arith.constant 0 : i32
      %dma_wait3A_492 = tpu.memref_slice %arg4[%add3A, %add3A_471, %dma_wait3A_491] : memref<32x160x64xi32, #tpu.memory_space<hbm>> -> memref<1x1x64xi32, #tpu.memory_space<hbm>>
      %dma_wait3A_493 = tpu.memref_squeeze %dma_wait3A_492 : memref<1x1x64xi32, #tpu.memory_space<hbm>> -> memref<64xi32, #tpu.memory_space<hbm>>
      %dma_wait3A_494 = tpu.memref_slice %arg13[%dma_wait3A_487] : memref<4x!tpu.dma_semaphore, #tpu.memory_space<semaphore_mem>> -> memref<1x!tpu.dma_semaphore, #tpu.memory_space<semaphore_mem>>
      %dma_wait3A_495 = tpu.memref_squeeze %dma_wait3A_494 : memref<1x!tpu.dma_semaphore, #tpu.memory_space<semaphore_mem>> -> memref<!tpu.dma_semaphore, #tpu.memory_space<semaphore_mem>>
      %dma_wait3A_496 = arith.constant 0 : i32
      %dma_wait3A_497 = tpu.memref_slice %arg9[%dma_wait3A_486, %dma_wait3A_496] : memref<4x64xi32, #tpu.memory_space<vmem>> -> memref<1x64xi32, #tpu.memory_space<vmem>>
      %dma_wait3A_498 = tpu.memref_squeeze %dma_wait3A_497 : memref<1x64xi32, #tpu.memory_space<vmem>> -> memref<64xi32, #tpu.memory_space<vmem>>
      %dma_wait3A_499 = arith.constant 0 : i32
      %dma_wait3A_500 = tpu.memref_slice %arg4[%add3A, %add3A_471, %dma_wait3A_499] : memref<32x160x64xi32, #tpu.memory_space<hbm>> -> memref<1x1x64xi32, #tpu.memory_space<hbm>>
      %dma_wait3A_501 = tpu.memref_squeeze %dma_wait3A_500 : memref<1x1x64xi32, #tpu.memory_space<hbm>> -> memref<64xi32, #tpu.memory_space<hbm>>
      tpu.wait_dma2 semaphore(%dma_wait3A_495 : memref<!tpu.dma_semaphore, #tpu.memory_space<semaphore_mem>>) src(%dma_wait3A_501 : memref<64xi32, #tpu.memory_space<hbm>>) dst(%dma_wait3A_498 : memref<64xi32, #tpu.memory_space<vmem>>)
      %dma_start3A_502 = arith.constant 1 : i32
      %dma_start3A_503 = arith.constant 1 : i32
      %dma_start3A_504 = arith.constant 1 : i32
      %dma_start3A_505 = arith.constant 0 : i32
      %dma_start3A_506 = arith.constant 0 : i32
      %dma_start3A_507 = tpu.memref_slice %arg10[%dma_start3A_502, %dma_start3A_505, %dma_start3A_506] : memref<4x64x128xf32, #tpu.memory_space<vmem>> -> memref<1x64x128xf32, #tpu.memory_space<vmem>>
      %dma_start3A_508 = tpu.memref_squeeze %dma_start3A_507 : memref<1x64x128xf32, #tpu.memory_space<vmem>> -> memref<64x128xf32, #tpu.memory_space<vmem>>
      %dma_start3A_509 = arith.constant 0 : i32
      %dma_start3A_510 = tpu.memref_slice %arg9[%dma_start3A_503, %dma_start3A_509] : memref<4x64xi32, #tpu.memory_space<vmem>> -> memref<1x64xi32, #tpu.memory_space<vmem>>
      %dma_start3A_511 = tpu.memref_squeeze %dma_start3A_510 : memref<1x64xi32, #tpu.memory_space<vmem>> -> memref<64xi32, #tpu.memory_space<vmem>>
      %dma_start3A_512 = arith.constant 0 : i32
      %dma_start3A_513 = arith.constant 0 : i32
      %dma_start3A_514 = tpu.memref_slice %arg7[%dma_start3A_512, %dma_start3A_513] : memref<10112x128xf32, #tpu.memory_space<vmem_shared>> -> memref<10112x128xf32, #tpu.memory_space<vmem_shared>>
      %dma_start3A_515 = tpu.memref_slice %arg12[%dma_start3A_504] : memref<4x!tpu.dma_semaphore, #tpu.memory_space<semaphore_mem>> -> memref<1x!tpu.dma_semaphore, #tpu.memory_space<semaphore_mem>>
      %dma_start3A_516 = tpu.memref_squeeze %dma_start3A_515 : memref<1x!tpu.dma_semaphore, #tpu.memory_space<semaphore_mem>> -> memref<!tpu.dma_semaphore, #tpu.memory_space<semaphore_mem>>
      tpu.enqueue_indirect_dma source(%dma_start3A_508 : memref<64x128xf32, #tpu.memory_space<vmem>>) target(%dma_start3A_514 : memref<10112x128xf32, #tpu.memory_space<vmem_shared>>) offsets(%dma_start3A_511 : memref<64xi32, #tpu.memory_space<vmem>>) semaphore(%dma_start3A_516 : memref<!tpu.dma_semaphore, #tpu.memory_space<semaphore_mem>>) {add = true}
      %dma_wait3A_517 = arith.constant 1 : i32
      %dma_wait3A_518 = arith.constant 1 : i32
      %dma_wait3A_519 = arith.constant 1 : i32
      %dma_wait3A_520 = arith.constant 0 : i32
      %dma_wait3A_521 = arith.constant 0 : i32
      %dma_wait3A_522 = tpu.memref_slice %arg10[%dma_wait3A_517, %dma_wait3A_520, %dma_wait3A_521] : memref<4x64x128xf32, #tpu.memory_space<vmem>> -> memref<1x64x128xf32, #tpu.memory_space<vmem>>
      %dma_wait3A_523 = tpu.memref_squeeze %dma_wait3A_522 : memref<1x64x128xf32, #tpu.memory_space<vmem>> -> memref<64x128xf32, #tpu.memory_space<vmem>>
      %dma_wait3A_524 = arith.constant 0 : i32
      %dma_wait3A_525 = tpu.memref_slice %arg9[%dma_wait3A_518, %dma_wait3A_524] : memref<4x64xi32, #tpu.memory_space<vmem>> -> memref<1x64xi32, #tpu.memory_space<vmem>>
      %dma_wait3A_526 = tpu.memref_squeeze %dma_wait3A_525 : memref<1x64xi32, #tpu.memory_space<vmem>> -> memref<64xi32, #tpu.memory_space<vmem>>
      %dma_wait3A_527 = arith.constant 0 : i32
      %dma_wait3A_528 = arith.constant 0 : i32
      %dma_wait3A_529 = tpu.memref_slice %arg7[%dma_wait3A_527, %dma_wait3A_528] : memref<10112x128xf32, #tpu.memory_space<vmem_shared>> -> memref<10112x128xf32, #tpu.memory_space<vmem_shared>>
      %dma_wait3A_530 = tpu.memref_slice %arg12[%dma_wait3A_519] : memref<4x!tpu.dma_semaphore, #tpu.memory_space<semaphore_mem>> -> memref<1x!tpu.dma_semaphore, #tpu.memory_space<semaphore_mem>>
      %dma_wait3A_531 = tpu.memref_squeeze %dma_wait3A_530 : memref<1x!tpu.dma_semaphore, #tpu.memory_space<semaphore_mem>> -> memref<!tpu.dma_semaphore, #tpu.memory_space<semaphore_mem>>
      tpu.wait_indirect_dma semaphore(%dma_wait3A_531 : memref<!tpu.dma_semaphore, #tpu.memory_space<semaphore_mem>>) src(%dma_wait3A_523 : memref<64x128xf32, #tpu.memory_space<vmem>>) dst(%dma_wait3A_529 : memref<10112x128xf32, #tpu.memory_space<vmem_shared>>)
      %add3A_532 = arith.constant 4 : i32
      %add3A_533 = arith.addi %add3A_471, %add3A_532 : i32
      %mul3A_534 = arith.constant 64 : i32
      %mul3A_535 = arith.muli %add3A_533, %mul3A_534 : i32
      %dma_start3A_536 = arith.constant 1 : i32
      %dma_start3A_537 = arith.constant 1 : i32
      %dma_start3A_538 = arith.constant 0 : i32
      %dma_start3A_539 = arith.constant 0 : i32
      %dma_start3A_540 = tpu.memref_slice %arg10[%dma_start3A_536, %dma_start3A_538, %dma_start3A_539] : memref<4x64x128xf32, #tpu.memory_space<vmem>> -> memref<1x64x128xf32, #tpu.memory_space<vmem>>
      %dma_start3A_541 = tpu.memref_squeeze %dma_start3A_540 : memref<1x64x128xf32, #tpu.memory_space<vmem>> -> memref<64x128xf32, #tpu.memory_space<vmem>>
      %dma_start3A_542 = tpu.memref_slice %arg8[%mul3A_535] : memref<10240xi32, #tpu.memory_space<vmem>> -> memref<64xi32, #tpu.memory_space<vmem>>
      %dma_start3A_543 = arith.constant 0 : i32
      %dma_start3A_544 = arith.constant 0 : i32
      %dma_start3A_545 = tpu.memref_slice %arg2[%dma_start3A_543, %dma_start3A_544] : memref<10000x128xf32, #tpu.memory_space<hbm>> -> memref<10000x128xf32, #tpu.memory_space<hbm>>
      %dma_start3A_546 = tpu.memref_slice %arg11[%dma_start3A_537] : memref<4x!tpu.dma_semaphore, #tpu.memory_space<semaphore_mem>> -> memref<1x!tpu.dma_semaphore, #tpu.memory_space<semaphore_mem>>
      %dma_start3A_547 = tpu.memref_squeeze %dma_start3A_546 : memref<1x!tpu.dma_semaphore, #tpu.memory_space<semaphore_mem>> -> memref<!tpu.dma_semaphore, #tpu.memory_space<semaphore_mem>>
      tpu.enqueue_indirect_dma source(%dma_start3A_545 : memref<10000x128xf32, #tpu.memory_space<hbm>>) target(%dma_start3A_541 : memref<64x128xf32, #tpu.memory_space<vmem>>) offsets(%dma_start3A_542 : memref<64xi32, #tpu.memory_space<vmem>>) semaphore(%dma_start3A_547 : memref<!tpu.dma_semaphore, #tpu.memory_space<semaphore_mem>>)
      %add3A_548 = arith.constant 4 : i32
      %add3A_549 = arith.addi %add3A_471, %add3A_548 : i32
      %dma_start3A_550 = arith.constant 1 : i32
      %dma_start3A_551 = arith.constant 1 : i32
      %dma_start3A_552 = arith.constant 0 : i32
      %dma_start3A_553 = tpu.memref_slice %arg9[%dma_start3A_550, %dma_start3A_552] : memref<4x64xi32, #tpu.memory_space<vmem>> -> memref<1x64xi32, #tpu.memory_space<vmem>>
      %dma_start3A_554 = tpu.memref_squeeze %dma_start3A_553 : memref<1x64xi32, #tpu.memory_space<vmem>> -> memref<64xi32, #tpu.memory_space<vmem>>
      %dma_start3A_555 = arith.constant 0 : i32
      %dma_start3A_556 = tpu.memref_slice %arg4[%add3A, %add3A_549, %dma_start3A_555] : memref<32x160x64xi32, #tpu.memory_space<hbm>> -> memref<1x1x64xi32, #tpu.memory_space<hbm>>
      %dma_start3A_557 = tpu.memref_squeeze %dma_start3A_556 : memref<1x1x64xi32, #tpu.memory_space<hbm>> -> memref<64xi32, #tpu.memory_space<hbm>>
      %dma_start3A_558 = tpu.memref_slice %arg13[%dma_start3A_551] : memref<4x!tpu.dma_semaphore, #tpu.memory_space<semaphore_mem>> -> memref<1x!tpu.dma_semaphore, #tpu.memory_space<semaphore_mem>>
      %dma_start3A_559 = tpu.memref_squeeze %dma_start3A_558 : memref<1x!tpu.dma_semaphore, #tpu.memory_space<semaphore_mem>> -> memref<!tpu.dma_semaphore, #tpu.memory_space<semaphore_mem>>
      %dma_start3A_560 = arith.constant 0 : i32
      %dma_start3A_561 = tpu.memref_slice %arg9[%dma_start3A_550, %dma_start3A_560] : memref<4x64xi32, #tpu.memory_space<vmem>> -> memref<1x64xi32, #tpu.memory_space<vmem>>
      %dma_start3A_562 = tpu.memref_squeeze %dma_start3A_561 : memref<1x64xi32, #tpu.memory_space<vmem>> -> memref<64xi32, #tpu.memory_space<vmem>>
      %dma_start3A_563 = arith.constant 0 : i32
      %dma_start3A_564 = tpu.memref_slice %arg4[%add3A, %add3A_549, %dma_start3A_563] : memref<32x160x64xi32, #tpu.memory_space<hbm>> -> memref<1x1x64xi32, #tpu.memory_space<hbm>>
      %dma_start3A_565 = tpu.memref_squeeze %dma_start3A_564 : memref<1x1x64xi32, #tpu.memory_space<hbm>> -> memref<64xi32, #tpu.memory_space<hbm>>
      tpu.enqueue_dma source(%dma_start3A_565 : memref<64xi32, #tpu.memory_space<hbm>>) target(%dma_start3A_562 : memref<64xi32, #tpu.memory_space<vmem>>) target_semaphore(%dma_start3A_559 : memref<!tpu.dma_semaphore, #tpu.memory_space<semaphore_mem>>)
      %mul3A_566 = arith.constant 4 : i32
      %mul3A_567 = arith.muli %scan3A_369, %mul3A_566 : i32
      %add3A_568 = arith.constant 2 : i32
      %add3A_569 = arith.addi %mul3A_567, %add3A_568 : i32
      %mul3A_570 = arith.constant 64 : i32
      %mul3A_571 = arith.muli %add3A_569, %mul3A_570 : i32
      %dma_wait3A_572 = arith.constant 2 : i32
      %dma_wait3A_573 = arith.constant 2 : i32
      %dma_wait3A_574 = arith.constant 0 : i32
      %dma_wait3A_575 = arith.constant 0 : i32
      %dma_wait3A_576 = tpu.memref_slice %arg10[%dma_wait3A_572, %dma_wait3A_574, %dma_wait3A_575] : memref<4x64x128xf32, #tpu.memory_space<vmem>> -> memref<1x64x128xf32, #tpu.memory_space<vmem>>
      %dma_wait3A_577 = tpu.memref_squeeze %dma_wait3A_576 : memref<1x64x128xf32, #tpu.memory_space<vmem>> -> memref<64x128xf32, #tpu.memory_space<vmem>>
      %dma_wait3A_578 = tpu.memref_slice %arg8[%mul3A_571] : memref<10240xi32, #tpu.memory_space<vmem>> -> memref<64xi32, #tpu.memory_space<vmem>>
      %dma_wait3A_579 = arith.constant 0 : i32
      %dma_wait3A_580 = arith.constant 0 : i32
      %dma_wait3A_581 = tpu.memref_slice %arg2[%dma_wait3A_579, %dma_wait3A_580] : memref<10000x128xf32, #tpu.memory_space<hbm>> -> memref<10000x128xf32, #tpu.memory_space<hbm>>
      %dma_wait3A_582 = tpu.memref_slice %arg11[%dma_wait3A_573] : memref<4x!tpu.dma_semaphore, #tpu.memory_space<semaphore_mem>> -> memref<1x!tpu.dma_semaphore, #tpu.memory_space<semaphore_mem>>
      %dma_wait3A_583 = tpu.memref_squeeze %dma_wait3A_582 : memref<1x!tpu.dma_semaphore, #tpu.memory_space<semaphore_mem>> -> memref<!tpu.dma_semaphore, #tpu.memory_space<semaphore_mem>>
      tpu.wait_indirect_dma semaphore(%dma_wait3A_583 : memref<!tpu.dma_semaphore, #tpu.memory_space<semaphore_mem>>) src(%dma_wait3A_581 : memref<10000x128xf32, #tpu.memory_space<hbm>>) dst(%dma_wait3A_577 : memref<64x128xf32, #tpu.memory_space<vmem>>)
      %dma_wait3A_584 = arith.constant 2 : i32
      %dma_wait3A_585 = arith.constant 2 : i32
      %dma_wait3A_586 = arith.constant 0 : i32
      %dma_wait3A_587 = tpu.memref_slice %arg9[%dma_wait3A_584, %dma_wait3A_586] : memref<4x64xi32, #tpu.memory_space<vmem>> -> memref<1x64xi32, #tpu.memory_space<vmem>>
      %dma_wait3A_588 = tpu.memref_squeeze %dma_wait3A_587 : memref<1x64xi32, #tpu.memory_space<vmem>> -> memref<64xi32, #tpu.memory_space<vmem>>
      %dma_wait3A_589 = arith.constant 0 : i32
      %dma_wait3A_590 = tpu.memref_slice %arg4[%add3A, %add3A_569, %dma_wait3A_589] : memref<32x160x64xi32, #tpu.memory_space<hbm>> -> memref<1x1x64xi32, #tpu.memory_space<hbm>>
      %dma_wait3A_591 = tpu.memref_squeeze %dma_wait3A_590 : memref<1x1x64xi32, #tpu.memory_space<hbm>> -> memref<64xi32, #tpu.memory_space<hbm>>
      %dma_wait3A_592 = tpu.memref_slice %arg13[%dma_wait3A_585] : memref<4x!tpu.dma_semaphore, #tpu.memory_space<semaphore_mem>> -> memref<1x!tpu.dma_semaphore, #tpu.memory_space<semaphore_mem>>
      %dma_wait3A_593 = tpu.memref_squeeze %dma_wait3A_592 : memref<1x!tpu.dma_semaphore, #tpu.memory_space<semaphore_mem>> -> memref<!tpu.dma_semaphore, #tpu.memory_space<semaphore_mem>>
      %dma_wait3A_594 = arith.constant 0 : i32
      %dma_wait3A_595 = tpu.memref_slice %arg9[%dma_wait3A_584, %dma_wait3A_594] : memref<4x64xi32, #tpu.memory_space<vmem>> -> memref<1x64xi32, #tpu.memory_space<vmem>>
      %dma_wait3A_596 = tpu.memref_squeeze %dma_wait3A_595 : memref<1x64xi32, #tpu.memory_space<vmem>> -> memref<64xi32, #tpu.memory_space<vmem>>
      %dma_wait3A_597 = arith.constant 0 : i32
      %dma_wait3A_598 = tpu.memref_slice %arg4[%add3A, %add3A_569, %dma_wait3A_597] : memref<32x160x64xi32, #tpu.memory_space<hbm>> -> memref<1x1x64xi32, #tpu.memory_space<hbm>>
      %dma_wait3A_599 = tpu.memref_squeeze %dma_wait3A_598 : memref<1x1x64xi32, #tpu.memory_space<hbm>> -> memref<64xi32, #tpu.memory_space<hbm>>
      tpu.wait_dma2 semaphore(%dma_wait3A_593 : memref<!tpu.dma_semaphore, #tpu.memory_space<semaphore_mem>>) src(%dma_wait3A_599 : memref<64xi32, #tpu.memory_space<hbm>>) dst(%dma_wait3A_596 : memref<64xi32, #tpu.memory_space<vmem>>)
      %dma_start3A_600 = arith.constant 2 : i32
      %dma_start3A_601 = arith.constant 2 : i32
      %dma_start3A_602 = arith.constant 2 : i32
      %dma_start3A_603 = arith.constant 0 : i32
      %dma_start3A_604 = arith.constant 0 : i32
      %dma_start3A_605 = tpu.memref_slice %arg10[%dma_start3A_600, %dma_start3A_603, %dma_start3A_604] : memref<4x64x128xf32, #tpu.memory_space<vmem>> -> memref<1x64x128xf32, #tpu.memory_space<vmem>>
      %dma_start3A_606 = tpu.memref_squeeze %dma_start3A_605 : memref<1x64x128xf32, #tpu.memory_space<vmem>> -> memref<64x128xf32, #tpu.memory_space<vmem>>
      %dma_start3A_607 = arith.constant 0 : i32
      %dma_start3A_608 = tpu.memref_slice %arg9[%dma_start3A_601, %dma_start3A_607] : memref<4x64xi32, #tpu.memory_space<vmem>> -> memref<1x64xi32, #tpu.memory_space<vmem>>
      %dma_start3A_609 = tpu.memref_squeeze %dma_start3A_608 : memref<1x64xi32, #tpu.memory_space<vmem>> -> memref<64xi32, #tpu.memory_space<vmem>>
      %dma_start3A_610 = arith.constant 0 : i32
      %dma_start3A_611 = arith.constant 0 : i32
      %dma_start3A_612 = tpu.memref_slice %arg7[%dma_start3A_610, %dma_start3A_611] : memref<10112x128xf32, #tpu.memory_space<vmem_shared>> -> memref<10112x128xf32, #tpu.memory_space<vmem_shared>>
      %dma_start3A_613 = tpu.memref_slice %arg12[%dma_start3A_602] : memref<4x!tpu.dma_semaphore, #tpu.memory_space<semaphore_mem>> -> memref<1x!tpu.dma_semaphore, #tpu.memory_space<semaphore_mem>>
      %dma_start3A_614 = tpu.memref_squeeze %dma_start3A_613 : memref<1x!tpu.dma_semaphore, #tpu.memory_space<semaphore_mem>> -> memref<!tpu.dma_semaphore, #tpu.memory_space<semaphore_mem>>
      tpu.enqueue_indirect_dma source(%dma_start3A_606 : memref<64x128xf32, #tpu.memory_space<vmem>>) target(%dma_start3A_612 : memref<10112x128xf32, #tpu.memory_space<vmem_shared>>) offsets(%dma_start3A_609 : memref<64xi32, #tpu.memory_space<vmem>>) semaphore(%dma_start3A_614 : memref<!tpu.dma_semaphore, #tpu.memory_space<semaphore_mem>>) {add = true}
      %dma_wait3A_615 = arith.constant 2 : i32
      %dma_wait3A_616 = arith.constant 2 : i32
      %dma_wait3A_617 = arith.constant 2 : i32
      %dma_wait3A_618 = arith.constant 0 : i32
      %dma_wait3A_619 = arith.constant 0 : i32
      %dma_wait3A_620 = tpu.memref_slice %arg10[%dma_wait3A_615, %dma_wait3A_618, %dma_wait3A_619] : memref<4x64x128xf32, #tpu.memory_space<vmem>> -> memref<1x64x128xf32, #tpu.memory_space<vmem>>
      %dma_wait3A_621 = tpu.memref_squeeze %dma_wait3A_620 : memref<1x64x128xf32, #tpu.memory_space<vmem>> -> memref<64x128xf32, #tpu.memory_space<vmem>>
      %dma_wait3A_622 = arith.constant 0 : i32
      %dma_wait3A_623 = tpu.memref_slice %arg9[%dma_wait3A_616, %dma_wait3A_622] : memref<4x64xi32, #tpu.memory_space<vmem>> -> memref<1x64xi32, #tpu.memory_space<vmem>>
      %dma_wait3A_624 = tpu.memref_squeeze %dma_wait3A_623 : memref<1x64xi32, #tpu.memory_space<vmem>> -> memref<64xi32, #tpu.memory_space<vmem>>
      %dma_wait3A_625 = arith.constant 0 : i32
      %dma_wait3A_626 = arith.constant 0 : i32
      %dma_wait3A_627 = tpu.memref_slice %arg7[%dma_wait3A_625, %dma_wait3A_626] : memref<10112x128xf32, #tpu.memory_space<vmem_shared>> -> memref<10112x128xf32, #tpu.memory_space<vmem_shared>>
      %dma_wait3A_628 = tpu.memref_slice %arg12[%dma_wait3A_617] : memref<4x!tpu.dma_semaphore, #tpu.memory_space<semaphore_mem>> -> memref<1x!tpu.dma_semaphore, #tpu.memory_space<semaphore_mem>>
      %dma_wait3A_629 = tpu.memref_squeeze %dma_wait3A_628 : memref<1x!tpu.dma_semaphore, #tpu.memory_space<semaphore_mem>> -> memref<!tpu.dma_semaphore, #tpu.memory_space<semaphore_mem>>
      tpu.wait_indirect_dma semaphore(%dma_wait3A_629 : memref<!tpu.dma_semaphore, #tpu.memory_space<semaphore_mem>>) src(%dma_wait3A_621 : memref<64x128xf32, #tpu.memory_space<vmem>>) dst(%dma_wait3A_627 : memref<10112x128xf32, #tpu.memory_space<vmem_shared>>)
      %add3A_630 = arith.constant 4 : i32
      %add3A_631 = arith.addi %add3A_569, %add3A_630 : i32
      %mul3A_632 = arith.constant 64 : i32
      %mul3A_633 = arith.muli %add3A_631, %mul3A_632 : i32
      %dma_start3A_634 = arith.constant 2 : i32
      %dma_start3A_635 = arith.constant 2 : i32
      %dma_start3A_636 = arith.constant 0 : i32
      %dma_start3A_637 = arith.constant 0 : i32
      %dma_start3A_638 = tpu.memref_slice %arg10[%dma_start3A_634, %dma_start3A_636, %dma_start3A_637] : memref<4x64x128xf32, #tpu.memory_space<vmem>> -> memref<1x64x128xf32, #tpu.memory_space<vmem>>
      %dma_start3A_639 = tpu.memref_squeeze %dma_start3A_638 : memref<1x64x128xf32, #tpu.memory_space<vmem>> -> memref<64x128xf32, #tpu.memory_space<vmem>>
      %dma_start3A_640 = tpu.memref_slice %arg8[%mul3A_633] : memref<10240xi32, #tpu.memory_space<vmem>> -> memref<64xi32, #tpu.memory_space<vmem>>
      %dma_start3A_641 = arith.constant 0 : i32
      %dma_start3A_642 = arith.constant 0 : i32
      %dma_start3A_643 = tpu.memref_slice %arg2[%dma_start3A_641, %dma_start3A_642] : memref<10000x128xf32, #tpu.memory_space<hbm>> -> memref<10000x128xf32, #tpu.memory_space<hbm>>
      %dma_start3A_644 = tpu.memref_slice %arg11[%dma_start3A_635] : memref<4x!tpu.dma_semaphore, #tpu.memory_space<semaphore_mem>> -> memref<1x!tpu.dma_semaphore, #tpu.memory_space<semaphore_mem>>
      %dma_start3A_645 = tpu.memref_squeeze %dma_start3A_644 : memref<1x!tpu.dma_semaphore, #tpu.memory_space<semaphore_mem>> -> memref<!tpu.dma_semaphore, #tpu.memory_space<semaphore_mem>>
      tpu.enqueue_indirect_dma source(%dma_start3A_643 : memref<10000x128xf32, #tpu.memory_space<hbm>>) target(%dma_start3A_639 : memref<64x128xf32, #tpu.memory_space<vmem>>) offsets(%dma_start3A_640 : memref<64xi32, #tpu.memory_space<vmem>>) semaphore(%dma_start3A_645 : memref<!tpu.dma_semaphore, #tpu.memory_space<semaphore_mem>>)
      %add3A_646 = arith.constant 4 : i32
      %add3A_647 = arith.addi %add3A_569, %add3A_646 : i32
      %dma_start3A_648 = arith.constant 2 : i32
      %dma_start3A_649 = arith.constant 2 : i32
      %dma_start3A_650 = arith.constant 0 : i32
      %dma_start3A_651 = tpu.memref_slice %arg9[%dma_start3A_648, %dma_start3A_650] : memref<4x64xi32, #tpu.memory_space<vmem>> -> memref<1x64xi32, #tpu.memory_space<vmem>>
      %dma_start3A_652 = tpu.memref_squeeze %dma_start3A_651 : memref<1x64xi32, #tpu.memory_space<vmem>> -> memref<64xi32, #tpu.memory_space<vmem>>
      %dma_start3A_653 = arith.constant 0 : i32
      %dma_start3A_654 = tpu.memref_slice %arg4[%add3A, %add3A_647, %dma_start3A_653] : memref<32x160x64xi32, #tpu.memory_space<hbm>> -> memref<1x1x64xi32, #tpu.memory_space<hbm>>
      %dma_start3A_655 = tpu.memref_squeeze %dma_start3A_654 : memref<1x1x64xi32, #tpu.memory_space<hbm>> -> memref<64xi32, #tpu.memory_space<hbm>>
      %dma_start3A_656 = tpu.memref_slice %arg13[%dma_start3A_649] : memref<4x!tpu.dma_semaphore, #tpu.memory_space<semaphore_mem>> -> memref<1x!tpu.dma_semaphore, #tpu.memory_space<semaphore_mem>>
      %dma_start3A_657 = tpu.memref_squeeze %dma_start3A_656 : memref<1x!tpu.dma_semaphore, #tpu.memory_space<semaphore_mem>> -> memref<!tpu.dma_semaphore, #tpu.memory_space<semaphore_mem>>
      %dma_start3A_658 = arith.constant 0 : i32
      %dma_start3A_659 = tpu.memref_slice %arg9[%dma_start3A_648, %dma_start3A_658] : memref<4x64xi32, #tpu.memory_space<vmem>> -> memref<1x64xi32, #tpu.memory_space<vmem>>
      %dma_start3A_660 = tpu.memref_squeeze %dma_start3A_659 : memref<1x64xi32, #tpu.memory_space<vmem>> -> memref<64xi32, #tpu.memory_space<vmem>>
      %dma_start3A_661 = arith.constant 0 : i32
      %dma_start3A_662 = tpu.memref_slice %arg4[%add3A, %add3A_647, %dma_start3A_661] : memref<32x160x64xi32, #tpu.memory_space<hbm>> -> memref<1x1x64xi32, #tpu.memory_space<hbm>>
      %dma_start3A_663 = tpu.memref_squeeze %dma_start3A_662 : memref<1x1x64xi32, #tpu.memory_space<hbm>> -> memref<64xi32, #tpu.memory_space<hbm>>
      tpu.enqueue_dma source(%dma_start3A_663 : memref<64xi32, #tpu.memory_space<hbm>>) target(%dma_start3A_660 : memref<64xi32, #tpu.memory_space<vmem>>) target_semaphore(%dma_start3A_657 : memref<!tpu.dma_semaphore, #tpu.memory_space<semaphore_mem>>)
      %mul3A_664 = arith.constant 4 : i32
      %mul3A_665 = arith.muli %scan3A_369, %mul3A_664 : i32
      %add3A_666 = arith.constant 3 : i32
      %add3A_667 = arith.addi %mul3A_665, %add3A_666 : i32
      %mul3A_668 = arith.constant 64 : i32
      %mul3A_669 = arith.muli %add3A_667, %mul3A_668 : i32
      %dma_wait3A_670 = arith.constant 3 : i32
      %dma_wait3A_671 = arith.constant 3 : i32
      %dma_wait3A_672 = arith.constant 0 : i32
      %dma_wait3A_673 = arith.constant 0 : i32
      %dma_wait3A_674 = tpu.memref_slice %arg10[%dma_wait3A_670, %dma_wait3A_672, %dma_wait3A_673] : memref<4x64x128xf32, #tpu.memory_space<vmem>> -> memref<1x64x128xf32, #tpu.memory_space<vmem>>
      %dma_wait3A_675 = tpu.memref_squeeze %dma_wait3A_674 : memref<1x64x128xf32, #tpu.memory_space<vmem>> -> memref<64x128xf32, #tpu.memory_space<vmem>>
      %dma_wait3A_676 = tpu.memref_slice %arg8[%mul3A_669] : memref<10240xi32, #tpu.memory_space<vmem>> -> memref<64xi32, #tpu.memory_space<vmem>>
      %dma_wait3A_677 = arith.constant 0 : i32
      %dma_wait3A_678 = arith.constant 0 : i32
      %dma_wait3A_679 = tpu.memref_slice %arg2[%dma_wait3A_677, %dma_wait3A_678] : memref<10000x128xf32, #tpu.memory_space<hbm>> -> memref<10000x128xf32, #tpu.memory_space<hbm>>
      %dma_wait3A_680 = tpu.memref_slice %arg11[%dma_wait3A_671] : memref<4x!tpu.dma_semaphore, #tpu.memory_space<semaphore_mem>> -> memref<1x!tpu.dma_semaphore, #tpu.memory_space<semaphore_mem>>
      %dma_wait3A_681 = tpu.memref_squeeze %dma_wait3A_680 : memref<1x!tpu.dma_semaphore, #tpu.memory_space<semaphore_mem>> -> memref<!tpu.dma_semaphore, #tpu.memory_space<semaphore_mem>>
      tpu.wait_indirect_dma semaphore(%dma_wait3A_681 : memref<!tpu.dma_semaphore, #tpu.memory_space<semaphore_mem>>) src(%dma_wait3A_679 : memref<10000x128xf32, #tpu.memory_space<hbm>>) dst(%dma_wait3A_675 : memref<64x128xf32, #tpu.memory_space<vmem>>)
      %dma_wait3A_682 = arith.constant 3 : i32
      %dma_wait3A_683 = arith.constant 3 : i32
      %dma_wait3A_684 = arith.constant 0 : i32
      %dma_wait3A_685 = tpu.memref_slice %arg9[%dma_wait3A_682, %dma_wait3A_684] : memref<4x64xi32, #tpu.memory_space<vmem>> -> memref<1x64xi32, #tpu.memory_space<vmem>>
      %dma_wait3A_686 = tpu.memref_squeeze %dma_wait3A_685 : memref<1x64xi32, #tpu.memory_space<vmem>> -> memref<64xi32, #tpu.memory_space<vmem>>
      %dma_wait3A_687 = arith.constant 0 : i32
      %dma_wait3A_688 = tpu.memref_slice %arg4[%add3A, %add3A_667, %dma_wait3A_687] : memref<32x160x64xi32, #tpu.memory_space<hbm>> -> memref<1x1x64xi32, #tpu.memory_space<hbm>>
      %dma_wait3A_689 = tpu.memref_squeeze %dma_wait3A_688 : memref<1x1x64xi32, #tpu.memory_space<hbm>> -> memref<64xi32, #tpu.memory_space<hbm>>
      %dma_wait3A_690 = tpu.memref_slice %arg13[%dma_wait3A_683] : memref<4x!tpu.dma_semaphore, #tpu.memory_space<semaphore_mem>> -> memref<1x!tpu.dma_semaphore, #tpu.memory_space<semaphore_mem>>
      %dma_wait3A_691 = tpu.memref_squeeze %dma_wait3A_690 : memref<1x!tpu.dma_semaphore, #tpu.memory_space<semaphore_mem>> -> memref<!tpu.dma_semaphore, #tpu.memory_space<semaphore_mem>>
      %dma_wait3A_692 = arith.constant 0 : i32
      %dma_wait3A_693 = tpu.memref_slice %arg9[%dma_wait3A_682, %dma_wait3A_692] : memref<4x64xi32, #tpu.memory_space<vmem>> -> memref<1x64xi32, #tpu.memory_space<vmem>>
      %dma_wait3A_694 = tpu.memref_squeeze %dma_wait3A_693 : memref<1x64xi32, #tpu.memory_space<vmem>> -> memref<64xi32, #tpu.memory_space<vmem>>
      %dma_wait3A_695 = arith.constant 0 : i32
      %dma_wait3A_696 = tpu.memref_slice %arg4[%add3A, %add3A_667, %dma_wait3A_695] : memref<32x160x64xi32, #tpu.memory_space<hbm>> -> memref<1x1x64xi32, #tpu.memory_space<hbm>>
      %dma_wait3A_697 = tpu.memref_squeeze %dma_wait3A_696 : memref<1x1x64xi32, #tpu.memory_space<hbm>> -> memref<64xi32, #tpu.memory_space<hbm>>
      tpu.wait_dma2 semaphore(%dma_wait3A_691 : memref<!tpu.dma_semaphore, #tpu.memory_space<semaphore_mem>>) src(%dma_wait3A_697 : memref<64xi32, #tpu.memory_space<hbm>>) dst(%dma_wait3A_694 : memref<64xi32, #tpu.memory_space<vmem>>)
      %dma_start3A_698 = arith.constant 3 : i32
      %dma_start3A_699 = arith.constant 3 : i32
      %dma_start3A_700 = arith.constant 3 : i32
      %dma_start3A_701 = arith.constant 0 : i32
      %dma_start3A_702 = arith.constant 0 : i32
      %dma_start3A_703 = tpu.memref_slice %arg10[%dma_start3A_698, %dma_start3A_701, %dma_start3A_702] : memref<4x64x128xf32, #tpu.memory_space<vmem>> -> memref<1x64x128xf32, #tpu.memory_space<vmem>>
      %dma_start3A_704 = tpu.memref_squeeze %dma_start3A_703 : memref<1x64x128xf32, #tpu.memory_space<vmem>> -> memref<64x128xf32, #tpu.memory_space<vmem>>
      %dma_start3A_705 = arith.constant 0 : i32
      %dma_start3A_706 = tpu.memref_slice %arg9[%dma_start3A_699, %dma_start3A_705] : memref<4x64xi32, #tpu.memory_space<vmem>> -> memref<1x64xi32, #tpu.memory_space<vmem>>
      %dma_start3A_707 = tpu.memref_squeeze %dma_start3A_706 : memref<1x64xi32, #tpu.memory_space<vmem>> -> memref<64xi32, #tpu.memory_space<vmem>>
      %dma_start3A_708 = arith.constant 0 : i32
      %dma_start3A_709 = arith.constant 0 : i32
      %dma_start3A_710 = tpu.memref_slice %arg7[%dma_start3A_708, %dma_start3A_709] : memref<10112x128xf32, #tpu.memory_space<vmem_shared>> -> memref<10112x128xf32, #tpu.memory_space<vmem_shared>>
      %dma_start3A_711 = tpu.memref_slice %arg12[%dma_start3A_700] : memref<4x!tpu.dma_semaphore, #tpu.memory_space<semaphore_mem>> -> memref<1x!tpu.dma_semaphore, #tpu.memory_space<semaphore_mem>>
      %dma_start3A_712 = tpu.memref_squeeze %dma_start3A_711 : memref<1x!tpu.dma_semaphore, #tpu.memory_space<semaphore_mem>> -> memref<!tpu.dma_semaphore, #tpu.memory_space<semaphore_mem>>
      tpu.enqueue_indirect_dma source(%dma_start3A_704 : memref<64x128xf32, #tpu.memory_space<vmem>>) target(%dma_start3A_710 : memref<10112x128xf32, #tpu.memory_space<vmem_shared>>) offsets(%dma_start3A_707 : memref<64xi32, #tpu.memory_space<vmem>>) semaphore(%dma_start3A_712 : memref<!tpu.dma_semaphore, #tpu.memory_space<semaphore_mem>>) {add = true}
      %dma_wait3A_713 = arith.constant 3 : i32
      %dma_wait3A_714 = arith.constant 3 : i32
      %dma_wait3A_715 = arith.constant 3 : i32
      %dma_wait3A_716 = arith.constant 0 : i32
      %dma_wait3A_717 = arith.constant 0 : i32
      %dma_wait3A_718 = tpu.memref_slice %arg10[%dma_wait3A_713, %dma_wait3A_716, %dma_wait3A_717] : memref<4x64x128xf32, #tpu.memory_space<vmem>> -> memref<1x64x128xf32, #tpu.memory_space<vmem>>
      %dma_wait3A_719 = tpu.memref_squeeze %dma_wait3A_718 : memref<1x64x128xf32, #tpu.memory_space<vmem>> -> memref<64x128xf32, #tpu.memory_space<vmem>>
      %dma_wait3A_720 = arith.constant 0 : i32
      %dma_wait3A_721 = tpu.memref_slice %arg9[%dma_wait3A_714, %dma_wait3A_720] : memref<4x64xi32, #tpu.memory_space<vmem>> -> memref<1x64xi32, #tpu.memory_space<vmem>>
      %dma_wait3A_722 = tpu.memref_squeeze %dma_wait3A_721 : memref<1x64xi32, #tpu.memory_space<vmem>> -> memref<64xi32, #tpu.memory_space<vmem>>
      %dma_wait3A_723 = arith.constant 0 : i32
      %dma_wait3A_724 = arith.constant 0 : i32
      %dma_wait3A_725 = tpu.memref_slice %arg7[%dma_wait3A_723, %dma_wait3A_724] : memref<10112x128xf32, #tpu.memory_space<vmem_shared>> -> memref<10112x128xf32, #tpu.memory_space<vmem_shared>>
      %dma_wait3A_726 = tpu.memref_slice %arg12[%dma_wait3A_715] : memref<4x!tpu.dma_semaphore, #tpu.memory_space<semaphore_mem>> -> memref<1x!tpu.dma_semaphore, #tpu.memory_space<semaphore_mem>>
      %dma_wait3A_727 = tpu.memref_squeeze %dma_wait3A_726 : memref<1x!tpu.dma_semaphore, #tpu.memory_space<semaphore_mem>> -> memref<!tpu.dma_semaphore, #tpu.memory_space<semaphore_mem>>
      tpu.wait_indirect_dma semaphore(%dma_wait3A_727 : memref<!tpu.dma_semaphore, #tpu.memory_space<semaphore_mem>>) src(%dma_wait3A_719 : memref<64x128xf32, #tpu.memory_space<vmem>>) dst(%dma_wait3A_725 : memref<10112x128xf32, #tpu.memory_space<vmem_shared>>)
      %add3A_728 = arith.constant 4 : i32
      %add3A_729 = arith.addi %add3A_667, %add3A_728 : i32
      %mul3A_730 = arith.constant 64 : i32
      %mul3A_731 = arith.muli %add3A_729, %mul3A_730 : i32
      %dma_start3A_732 = arith.constant 3 : i32
      %dma_start3A_733 = arith.constant 3 : i32
      %dma_start3A_734 = arith.constant 0 : i32
      %dma_start3A_735 = arith.constant 0 : i32
      %dma_start3A_736 = tpu.memref_slice %arg10[%dma_start3A_732, %dma_start3A_734, %dma_start3A_735] : memref<4x64x128xf32, #tpu.memory_space<vmem>> -> memref<1x64x128xf32, #tpu.memory_space<vmem>>
      %dma_start3A_737 = tpu.memref_squeeze %dma_start3A_736 : memref<1x64x128xf32, #tpu.memory_space<vmem>> -> memref<64x128xf32, #tpu.memory_space<vmem>>
      %dma_start3A_738 = tpu.memref_slice %arg8[%mul3A_731] : memref<10240xi32, #tpu.memory_space<vmem>> -> memref<64xi32, #tpu.memory_space<vmem>>
      %dma_start3A_739 = arith.constant 0 : i32
      %dma_start3A_740 = arith.constant 0 : i32
      %dma_start3A_741 = tpu.memref_slice %arg2[%dma_start3A_739, %dma_start3A_740] : memref<10000x128xf32, #tpu.memory_space<hbm>> -> memref<10000x128xf32, #tpu.memory_space<hbm>>
      %dma_start3A_742 = tpu.memref_slice %arg11[%dma_start3A_733] : memref<4x!tpu.dma_semaphore, #tpu.memory_space<semaphore_mem>> -> memref<1x!tpu.dma_semaphore, #tpu.memory_space<semaphore_mem>>
      %dma_start3A_743 = tpu.memref_squeeze %dma_start3A_742 : memref<1x!tpu.dma_semaphore, #tpu.memory_space<semaphore_mem>> -> memref<!tpu.dma_semaphore, #tpu.memory_space<semaphore_mem>>
      tpu.enqueue_indirect_dma source(%dma_start3A_741 : memref<10000x128xf32, #tpu.memory_space<hbm>>) target(%dma_start3A_737 : memref<64x128xf32, #tpu.memory_space<vmem>>) offsets(%dma_start3A_738 : memref<64xi32, #tpu.memory_space<vmem>>) semaphore(%dma_start3A_743 : memref<!tpu.dma_semaphore, #tpu.memory_space<semaphore_mem>>)
      %add3A_744 = arith.constant 4 : i32
      %add3A_745 = arith.addi %add3A_667, %add3A_744 : i32
      %dma_start3A_746 = arith.constant 3 : i32
      %dma_start3A_747 = arith.constant 3 : i32
      %dma_start3A_748 = arith.constant 0 : i32
      %dma_start3A_749 = tpu.memref_slice %arg9[%dma_start3A_746, %dma_start3A_748] : memref<4x64xi32, #tpu.memory_space<vmem>> -> memref<1x64xi32, #tpu.memory_space<vmem>>
      %dma_start3A_750 = tpu.memref_squeeze %dma_start3A_749 : memref<1x64xi32, #tpu.memory_space<vmem>> -> memref<64xi32, #tpu.memory_space<vmem>>
      %dma_start3A_751 = arith.constant 0 : i32
      %dma_start3A_752 = tpu.memref_slice %arg4[%add3A, %add3A_745, %dma_start3A_751] : memref<32x160x64xi32, #tpu.memory_space<hbm>> -> memref<1x1x64xi32, #tpu.memory_space<hbm>>
      %dma_start3A_753 = tpu.memref_squeeze %dma_start3A_752 : memref<1x1x64xi32, #tpu.memory_space<hbm>> -> memref<64xi32, #tpu.memory_space<hbm>>
      %dma_start3A_754 = tpu.memref_slice %arg13[%dma_start3A_747] : memref<4x!tpu.dma_semaphore, #tpu.memory_space<semaphore_mem>> -> memref<1x!tpu.dma_semaphore, #tpu.memory_space<semaphore_mem>>
      %dma_start3A_755 = tpu.memref_squeeze %dma_start3A_754 : memref<1x!tpu.dma_semaphore, #tpu.memory_space<semaphore_mem>> -> memref<!tpu.dma_semaphore, #tpu.memory_space<semaphore_mem>>
      %dma_start3A_756 = arith.constant 0 : i32
      %dma_start3A_757 = tpu.memref_slice %arg9[%dma_start3A_746, %dma_start3A_756] : memref<4x64xi32, #tpu.memory_space<vmem>> -> memref<1x64xi32, #tpu.memory_space<vmem>>
      %dma_start3A_758 = tpu.memref_squeeze %dma_start3A_757 : memref<1x64xi32, #tpu.memory_space<vmem>> -> memref<64xi32, #tpu.memory_space<vmem>>
      %dma_start3A_759 = arith.constant 0 : i32
      %dma_start3A_760 = tpu.memref_slice %arg4[%add3A, %add3A_745, %dma_start3A_759] : memref<32x160x64xi32, #tpu.memory_space<hbm>> -> memref<1x1x64xi32, #tpu.memory_space<hbm>>
      %dma_start3A_761 = tpu.memref_squeeze %dma_start3A_760 : memref<1x1x64xi32, #tpu.memory_space<hbm>> -> memref<64xi32, #tpu.memory_space<hbm>>
      tpu.enqueue_dma source(%dma_start3A_761 : memref<64xi32, #tpu.memory_space<hbm>>) target(%dma_start3A_758 : memref<64xi32, #tpu.memory_space<vmem>>) target_semaphore(%dma_start3A_755 : memref<!tpu.dma_semaphore, #tpu.memory_space<semaphore_mem>>)
    }
    %scan3A_126 = arith.constant 39 : i32
    %dma_wait3A = arith.constant 0 : i32
    %dma_wait3A_127 = arith.constant 0 : i32
    %dma_wait3A_128 = arith.constant 0 : i32
    %dma_wait3A_129 = arith.constant 0 : i32
    %dma_wait3A_130 = tpu.memref_slice %arg10[%dma_wait3A, %dma_wait3A_128, %dma_wait3A_129] : memref<4x64x128xf32, #tpu.memory_space<vmem>> -> memref<1x64x128xf32, #tpu.memory_space<vmem>>
    %dma_wait3A_131 = tpu.memref_squeeze %dma_wait3A_130 : memref<1x64x128xf32, #tpu.memory_space<vmem>> -> memref<64x128xf32, #tpu.memory_space<vmem>>
    %dma_wait3A_132 = arith.constant 9984 : i32
    %dma_wait3A_133 = tpu.memref_slice %arg8[%dma_wait3A_132] : memref<10240xi32, #tpu.memory_space<vmem>> -> memref<64xi32, #tpu.memory_space<vmem>>
    %dma_wait3A_134 = arith.constant 0 : i32
    %dma_wait3A_135 = arith.constant 0 : i32
    %dma_wait3A_136 = tpu.memref_slice %arg2[%dma_wait3A_134, %dma_wait3A_135] : memref<10000x128xf32, #tpu.memory_space<hbm>> -> memref<10000x128xf32, #tpu.memory_space<hbm>>
    %dma_wait3A_137 = tpu.memref_slice %arg11[%dma_wait3A_127] : memref<4x!tpu.dma_semaphore, #tpu.memory_space<semaphore_mem>> -> memref<1x!tpu.dma_semaphore, #tpu.memory_space<semaphore_mem>>
    %dma_wait3A_138 = tpu.memref_squeeze %dma_wait3A_137 : memref<1x!tpu.dma_semaphore, #tpu.memory_space<semaphore_mem>> -> memref<!tpu.dma_semaphore, #tpu.memory_space<semaphore_mem>>
    tpu.wait_indirect_dma semaphore(%dma_wait3A_138 : memref<!tpu.dma_semaphore, #tpu.memory_space<semaphore_mem>>) src(%dma_wait3A_136 : memref<10000x128xf32, #tpu.memory_space<hbm>>) dst(%dma_wait3A_131 : memref<64x128xf32, #tpu.memory_space<vmem>>)
    %dma_wait3A_139 = arith.constant 156 : i32
    %dma_wait3A_140 = arith.constant 0 : i32
    %dma_wait3A_141 = arith.constant 0 : i32
    %dma_wait3A_142 = arith.constant 0 : i32
    %dma_wait3A_143 = tpu.memref_slice %arg9[%dma_wait3A_140, %dma_wait3A_142] : memref<4x64xi32, #tpu.memory_space<vmem>> -> memref<1x64xi32, #tpu.memory_space<vmem>>
    %dma_wait3A_144 = tpu.memref_squeeze %dma_wait3A_143 : memref<1x64xi32, #tpu.memory_space<vmem>> -> memref<64xi32, #tpu.memory_space<vmem>>
    %dma_wait3A_145 = arith.constant 0 : i32
    %dma_wait3A_146 = tpu.memref_slice %arg4[%add3A, %dma_wait3A_139, %dma_wait3A_145] : memref<32x160x64xi32, #tpu.memory_space<hbm>> -> memref<1x1x64xi32, #tpu.memory_space<hbm>>
    %dma_wait3A_147 = tpu.memref_squeeze %dma_wait3A_146 : memref<1x1x64xi32, #tpu.memory_space<hbm>> -> memref<64xi32, #tpu.memory_space<hbm>>
    %dma_wait3A_148 = tpu.memref_slice %arg13[%dma_wait3A_141] : memref<4x!tpu.dma_semaphore, #tpu.memory_space<semaphore_mem>> -> memref<1x!tpu.dma_semaphore, #tpu.memory_space<semaphore_mem>>
    %dma_wait3A_149 = tpu.memref_squeeze %dma_wait3A_148 : memref<1x!tpu.dma_semaphore, #tpu.memory_space<semaphore_mem>> -> memref<!tpu.dma_semaphore, #tpu.memory_space<semaphore_mem>>
    %dma_wait3A_150 = arith.constant 0 : i32
    %dma_wait3A_151 = tpu.memref_slice %arg9[%dma_wait3A_140, %dma_wait3A_150] : memref<4x64xi32, #tpu.memory_space<vmem>> -> memref<1x64xi32, #tpu.memory_space<vmem>>
    %dma_wait3A_152 = tpu.memref_squeeze %dma_wait3A_151 : memref<1x64xi32, #tpu.memory_space<vmem>> -> memref<64xi32, #tpu.memory_space<vmem>>
    %dma_wait3A_153 = arith.constant 0 : i32
    %dma_wait3A_154 = tpu.memref_slice %arg4[%add3A, %dma_wait3A_139, %dma_wait3A_153] : memref<32x160x64xi32, #tpu.memory_space<hbm>> -> memref<1x1x64xi32, #tpu.memory_space<hbm>>
    %dma_wait3A_155 = tpu.memref_squeeze %dma_wait3A_154 : memref<1x1x64xi32, #tpu.memory_space<hbm>> -> memref<64xi32, #tpu.memory_space<hbm>>
    tpu.wait_dma2 semaphore(%dma_wait3A_149 : memref<!tpu.dma_semaphore, #tpu.memory_space<semaphore_mem>>) src(%dma_wait3A_155 : memref<64xi32, #tpu.memory_space<hbm>>) dst(%dma_wait3A_152 : memref<64xi32, #tpu.memory_space<vmem>>)
    %dma_start3A_156 = arith.constant 0 : i32
    %dma_start3A_157 = arith.constant 0 : i32
    %dma_start3A_158 = arith.constant 0 : i32
    %dma_start3A_159 = arith.constant 0 : i32
    %dma_start3A_160 = arith.constant 0 : i32
    %dma_start3A_161 = tpu.memref_slice %arg10[%dma_start3A_156, %dma_start3A_159, %dma_start3A_160] : memref<4x64x128xf32, #tpu.memory_space<vmem>> -> memref<1x64x128xf32, #tpu.memory_space<vmem>>
    %dma_start3A_162 = tpu.memref_squeeze %dma_start3A_161 : memref<1x64x128xf32, #tpu.memory_space<vmem>> -> memref<64x128xf32, #tpu.memory_space<vmem>>
    %dma_start3A_163 = arith.constant 0 : i32
    %dma_start3A_164 = tpu.memref_slice %arg9[%dma_start3A_157, %dma_start3A_163] : memref<4x64xi32, #tpu.memory_space<vmem>> -> memref<1x64xi32, #tpu.memory_space<vmem>>
    %dma_start3A_165 = tpu.memref_squeeze %dma_start3A_164 : memref<1x64xi32, #tpu.memory_space<vmem>> -> memref<64xi32, #tpu.memory_space<vmem>>
    %dma_start3A_166 = arith.constant 0 : i32
    %dma_start3A_167 = arith.constant 0 : i32
    %dma_start3A_168 = tpu.memref_slice %arg7[%dma_start3A_166, %dma_start3A_167] : memref<10112x128xf32, #tpu.memory_space<vmem_shared>> -> memref<10112x128xf32, #tpu.memory_space<vmem_shared>>
    %dma_start3A_169 = tpu.memref_slice %arg12[%dma_start3A_158] : memref<4x!tpu.dma_semaphore, #tpu.memory_space<semaphore_mem>> -> memref<1x!tpu.dma_semaphore, #tpu.memory_space<semaphore_mem>>
    %dma_start3A_170 = tpu.memref_squeeze %dma_start3A_169 : memref<1x!tpu.dma_semaphore, #tpu.memory_space<semaphore_mem>> -> memref<!tpu.dma_semaphore, #tpu.memory_space<semaphore_mem>>
    tpu.enqueue_indirect_dma source(%dma_start3A_162 : memref<64x128xf32, #tpu.memory_space<vmem>>) target(%dma_start3A_168 : memref<10112x128xf32, #tpu.memory_space<vmem_shared>>) offsets(%dma_start3A_165 : memref<64xi32, #tpu.memory_space<vmem>>) semaphore(%dma_start3A_170 : memref<!tpu.dma_semaphore, #tpu.memory_space<semaphore_mem>>) {add = true}
    %dma_wait3A_171 = arith.constant 0 : i32
    %dma_wait3A_172 = arith.constant 0 : i32
    %dma_wait3A_173 = arith.constant 0 : i32
    %dma_wait3A_174 = arith.constant 0 : i32
    %dma_wait3A_175 = arith.constant 0 : i32
    %dma_wait3A_176 = tpu.memref_slice %arg10[%dma_wait3A_171, %dma_wait3A_174, %dma_wait3A_175] : memref<4x64x128xf32, #tpu.memory_space<vmem>> -> memref<1x64x128xf32, #tpu.memory_space<vmem>>
    %dma_wait3A_177 = tpu.memref_squeeze %dma_wait3A_176 : memref<1x64x128xf32, #tpu.memory_space<vmem>> -> memref<64x128xf32, #tpu.memory_space<vmem>>
    %dma_wait3A_178 = arith.constant 0 : i32
    %dma_wait3A_179 = tpu.memref_slice %arg9[%dma_wait3A_172, %dma_wait3A_178] : memref<4x64xi32, #tpu.memory_space<vmem>> -> memref<1x64xi32, #tpu.memory_space<vmem>>
    %dma_wait3A_180 = tpu.memref_squeeze %dma_wait3A_179 : memref<1x64xi32, #tpu.memory_space<vmem>> -> memref<64xi32, #tpu.memory_space<vmem>>
    %dma_wait3A_181 = arith.constant 0 : i32
    %dma_wait3A_182 = arith.constant 0 : i32
    %dma_wait3A_183 = tpu.memref_slice %arg7[%dma_wait3A_181, %dma_wait3A_182] : memref<10112x128xf32, #tpu.memory_space<vmem_shared>> -> memref<10112x128xf32, #tpu.memory_space<vmem_shared>>
    %dma_wait3A_184 = tpu.memref_slice %arg12[%dma_wait3A_173] : memref<4x!tpu.dma_semaphore, #tpu.memory_space<semaphore_mem>> -> memref<1x!tpu.dma_semaphore, #tpu.memory_space<semaphore_mem>>
    %dma_wait3A_185 = tpu.memref_squeeze %dma_wait3A_184 : memref<1x!tpu.dma_semaphore, #tpu.memory_space<semaphore_mem>> -> memref<!tpu.dma_semaphore, #tpu.memory_space<semaphore_mem>>
    tpu.wait_indirect_dma semaphore(%dma_wait3A_185 : memref<!tpu.dma_semaphore, #tpu.memory_space<semaphore_mem>>) src(%dma_wait3A_177 : memref<64x128xf32, #tpu.memory_space<vmem>>) dst(%dma_wait3A_183 : memref<10112x128xf32, #tpu.memory_space<vmem_shared>>)
    %dma_wait3A_186 = arith.constant 1 : i32
    %dma_wait3A_187 = arith.constant 1 : i32
    %dma_wait3A_188 = arith.constant 0 : i32
    %dma_wait3A_189 = arith.constant 0 : i32
    %dma_wait3A_190 = tpu.memref_slice %arg10[%dma_wait3A_186, %dma_wait3A_188, %dma_wait3A_189] : memref<4x64x128xf32, #tpu.memory_space<vmem>> -> memref<1x64x128xf32, #tpu.memory_space<vmem>>
    %dma_wait3A_191 = tpu.memref_squeeze %dma_wait3A_190 : memref<1x64x128xf32, #tpu.memory_space<vmem>> -> memref<64x128xf32, #tpu.memory_space<vmem>>
    %dma_wait3A_192 = arith.constant 10048 : i32
    %dma_wait3A_193 = tpu.memref_slice %arg8[%dma_wait3A_192] : memref<10240xi32, #tpu.memory_space<vmem>> -> memref<64xi32, #tpu.memory_space<vmem>>
    %dma_wait3A_194 = arith.constant 0 : i32
    %dma_wait3A_195 = arith.constant 0 : i32
    %dma_wait3A_196 = tpu.memref_slice %arg2[%dma_wait3A_194, %dma_wait3A_195] : memref<10000x128xf32, #tpu.memory_space<hbm>> -> memref<10000x128xf32, #tpu.memory_space<hbm>>
    %dma_wait3A_197 = tpu.memref_slice %arg11[%dma_wait3A_187] : memref<4x!tpu.dma_semaphore, #tpu.memory_space<semaphore_mem>> -> memref<1x!tpu.dma_semaphore, #tpu.memory_space<semaphore_mem>>
    %dma_wait3A_198 = tpu.memref_squeeze %dma_wait3A_197 : memref<1x!tpu.dma_semaphore, #tpu.memory_space<semaphore_mem>> -> memref<!tpu.dma_semaphore, #tpu.memory_space<semaphore_mem>>
    tpu.wait_indirect_dma semaphore(%dma_wait3A_198 : memref<!tpu.dma_semaphore, #tpu.memory_space<semaphore_mem>>) src(%dma_wait3A_196 : memref<10000x128xf32, #tpu.memory_space<hbm>>) dst(%dma_wait3A_191 : memref<64x128xf32, #tpu.memory_space<vmem>>)
    %dma_wait3A_199 = arith.constant 157 : i32
    %dma_wait3A_200 = arith.constant 1 : i32
    %dma_wait3A_201 = arith.constant 1 : i32
    %dma_wait3A_202 = arith.constant 0 : i32
    %dma_wait3A_203 = tpu.memref_slice %arg9[%dma_wait3A_200, %dma_wait3A_202] : memref<4x64xi32, #tpu.memory_space<vmem>> -> memref<1x64xi32, #tpu.memory_space<vmem>>
    %dma_wait3A_204 = tpu.memref_squeeze %dma_wait3A_203 : memref<1x64xi32, #tpu.memory_space<vmem>> -> memref<64xi32, #tpu.memory_space<vmem>>
    %dma_wait3A_205 = arith.constant 0 : i32
    %dma_wait3A_206 = tpu.memref_slice %arg4[%add3A, %dma_wait3A_199, %dma_wait3A_205] : memref<32x160x64xi32, #tpu.memory_space<hbm>> -> memref<1x1x64xi32, #tpu.memory_space<hbm>>
    %dma_wait3A_207 = tpu.memref_squeeze %dma_wait3A_206 : memref<1x1x64xi32, #tpu.memory_space<hbm>> -> memref<64xi32, #tpu.memory_space<hbm>>
    %dma_wait3A_208 = tpu.memref_slice %arg13[%dma_wait3A_201] : memref<4x!tpu.dma_semaphore, #tpu.memory_space<semaphore_mem>> -> memref<1x!tpu.dma_semaphore, #tpu.memory_space<semaphore_mem>>
    %dma_wait3A_209 = tpu.memref_squeeze %dma_wait3A_208 : memref<1x!tpu.dma_semaphore, #tpu.memory_space<semaphore_mem>> -> memref<!tpu.dma_semaphore, #tpu.memory_space<semaphore_mem>>
    %dma_wait3A_210 = arith.constant 0 : i32
    %dma_wait3A_211 = tpu.memref_slice %arg9[%dma_wait3A_200, %dma_wait3A_210] : memref<4x64xi32, #tpu.memory_space<vmem>> -> memref<1x64xi32, #tpu.memory_space<vmem>>
    %dma_wait3A_212 = tpu.memref_squeeze %dma_wait3A_211 : memref<1x64xi32, #tpu.memory_space<vmem>> -> memref<64xi32, #tpu.memory_space<vmem>>
    %dma_wait3A_213 = arith.constant 0 : i32
    %dma_wait3A_214 = tpu.memref_slice %arg4[%add3A, %dma_wait3A_199, %dma_wait3A_213] : memref<32x160x64xi32, #tpu.memory_space<hbm>> -> memref<1x1x64xi32, #tpu.memory_space<hbm>>
    %dma_wait3A_215 = tpu.memref_squeeze %dma_wait3A_214 : memref<1x1x64xi32, #tpu.memory_space<hbm>> -> memref<64xi32, #tpu.memory_space<hbm>>
    tpu.wait_dma2 semaphore(%dma_wait3A_209 : memref<!tpu.dma_semaphore, #tpu.memory_space<semaphore_mem>>) src(%dma_wait3A_215 : memref<64xi32, #tpu.memory_space<hbm>>) dst(%dma_wait3A_212 : memref<64xi32, #tpu.memory_space<vmem>>)
    %dma_start3A_216 = arith.constant 1 : i32
    %dma_start3A_217 = arith.constant 1 : i32
    %dma_start3A_218 = arith.constant 1 : i32
    %dma_start3A_219 = arith.constant 0 : i32
    %dma_start3A_220 = arith.constant 0 : i32
    %dma_start3A_221 = tpu.memref_slice %arg10[%dma_start3A_216, %dma_start3A_219, %dma_start3A_220] : memref<4x64x128xf32, #tpu.memory_space<vmem>> -> memref<1x64x128xf32, #tpu.memory_space<vmem>>
    %dma_start3A_222 = tpu.memref_squeeze %dma_start3A_221 : memref<1x64x128xf32, #tpu.memory_space<vmem>> -> memref<64x128xf32, #tpu.memory_space<vmem>>
    %dma_start3A_223 = arith.constant 0 : i32
    %dma_start3A_224 = tpu.memref_slice %arg9[%dma_start3A_217, %dma_start3A_223] : memref<4x64xi32, #tpu.memory_space<vmem>> -> memref<1x64xi32, #tpu.memory_space<vmem>>
    %dma_start3A_225 = tpu.memref_squeeze %dma_start3A_224 : memref<1x64xi32, #tpu.memory_space<vmem>> -> memref<64xi32, #tpu.memory_space<vmem>>
    %dma_start3A_226 = arith.constant 0 : i32
    %dma_start3A_227 = arith.constant 0 : i32
    %dma_start3A_228 = tpu.memref_slice %arg7[%dma_start3A_226, %dma_start3A_227] : memref<10112x128xf32, #tpu.memory_space<vmem_shared>> -> memref<10112x128xf32, #tpu.memory_space<vmem_shared>>
    %dma_start3A_229 = tpu.memref_slice %arg12[%dma_start3A_218] : memref<4x!tpu.dma_semaphore, #tpu.memory_space<semaphore_mem>> -> memref<1x!tpu.dma_semaphore, #tpu.memory_space<semaphore_mem>>
    %dma_start3A_230 = tpu.memref_squeeze %dma_start3A_229 : memref<1x!tpu.dma_semaphore, #tpu.memory_space<semaphore_mem>> -> memref<!tpu.dma_semaphore, #tpu.memory_space<semaphore_mem>>
    tpu.enqueue_indirect_dma source(%dma_start3A_222 : memref<64x128xf32, #tpu.memory_space<vmem>>) target(%dma_start3A_228 : memref<10112x128xf32, #tpu.memory_space<vmem_shared>>) offsets(%dma_start3A_225 : memref<64xi32, #tpu.memory_space<vmem>>) semaphore(%dma_start3A_230 : memref<!tpu.dma_semaphore, #tpu.memory_space<semaphore_mem>>) {add = true}
    %dma_wait3A_231 = arith.constant 1 : i32
    %dma_wait3A_232 = arith.constant 1 : i32
    %dma_wait3A_233 = arith.constant 1 : i32
    %dma_wait3A_234 = arith.constant 0 : i32
    %dma_wait3A_235 = arith.constant 0 : i32
    %dma_wait3A_236 = tpu.memref_slice %arg10[%dma_wait3A_231, %dma_wait3A_234, %dma_wait3A_235] : memref<4x64x128xf32, #tpu.memory_space<vmem>> -> memref<1x64x128xf32, #tpu.memory_space<vmem>>
    %dma_wait3A_237 = tpu.memref_squeeze %dma_wait3A_236 : memref<1x64x128xf32, #tpu.memory_space<vmem>> -> memref<64x128xf32, #tpu.memory_space<vmem>>
    %dma_wait3A_238 = arith.constant 0 : i32
    %dma_wait3A_239 = tpu.memref_slice %arg9[%dma_wait3A_232, %dma_wait3A_238] : memref<4x64xi32, #tpu.memory_space<vmem>> -> memref<1x64xi32, #tpu.memory_space<vmem>>
    %dma_wait3A_240 = tpu.memref_squeeze %dma_wait3A_239 : memref<1x64xi32, #tpu.memory_space<vmem>> -> memref<64xi32, #tpu.memory_space<vmem>>
    %dma_wait3A_241 = arith.constant 0 : i32
    %dma_wait3A_242 = arith.constant 0 : i32
    %dma_wait3A_243 = tpu.memref_slice %arg7[%dma_wait3A_241, %dma_wait3A_242] : memref<10112x128xf32, #tpu.memory_space<vmem_shared>> -> memref<10112x128xf32, #tpu.memory_space<vmem_shared>>
    %dma_wait3A_244 = tpu.memref_slice %arg12[%dma_wait3A_233] : memref<4x!tpu.dma_semaphore, #tpu.memory_space<semaphore_mem>> -> memref<1x!tpu.dma_semaphore, #tpu.memory_space<semaphore_mem>>
    %dma_wait3A_245 = tpu.memref_squeeze %dma_wait3A_244 : memref<1x!tpu.dma_semaphore, #tpu.memory_space<semaphore_mem>> -> memref<!tpu.dma_semaphore, #tpu.memory_space<semaphore_mem>>
    tpu.wait_indirect_dma semaphore(%dma_wait3A_245 : memref<!tpu.dma_semaphore, #tpu.memory_space<semaphore_mem>>) src(%dma_wait3A_237 : memref<64x128xf32, #tpu.memory_space<vmem>>) dst(%dma_wait3A_243 : memref<10112x128xf32, #tpu.memory_space<vmem_shared>>)
    %dma_wait3A_246 = arith.constant 2 : i32
    %dma_wait3A_247 = arith.constant 2 : i32
    %dma_wait3A_248 = arith.constant 0 : i32
    %dma_wait3A_249 = arith.constant 0 : i32
    %dma_wait3A_250 = tpu.memref_slice %arg10[%dma_wait3A_246, %dma_wait3A_248, %dma_wait3A_249] : memref<4x64x128xf32, #tpu.memory_space<vmem>> -> memref<1x64x128xf32, #tpu.memory_space<vmem>>
    %dma_wait3A_251 = tpu.memref_squeeze %dma_wait3A_250 : memref<1x64x128xf32, #tpu.memory_space<vmem>> -> memref<64x128xf32, #tpu.memory_space<vmem>>
    %dma_wait3A_252 = arith.constant 10112 : i32
    %dma_wait3A_253 = tpu.memref_slice %arg8[%dma_wait3A_252] : memref<10240xi32, #tpu.memory_space<vmem>> -> memref<64xi32, #tpu.memory_space<vmem>>
    %dma_wait3A_254 = arith.constant 0 : i32
    %dma_wait3A_255 = arith.constant 0 : i32
    %dma_wait3A_256 = tpu.memref_slice %arg2[%dma_wait3A_254, %dma_wait3A_255] : memref<10000x128xf32, #tpu.memory_space<hbm>> -> memref<10000x128xf32, #tpu.memory_space<hbm>>
    %dma_wait3A_257 = tpu.memref_slice %arg11[%dma_wait3A_247] : memref<4x!tpu.dma_semaphore, #tpu.memory_space<semaphore_mem>> -> memref<1x!tpu.dma_semaphore, #tpu.memory_space<semaphore_mem>>
    %dma_wait3A_258 = tpu.memref_squeeze %dma_wait3A_257 : memref<1x!tpu.dma_semaphore, #tpu.memory_space<semaphore_mem>> -> memref<!tpu.dma_semaphore, #tpu.memory_space<semaphore_mem>>
    tpu.wait_indirect_dma semaphore(%dma_wait3A_258 : memref<!tpu.dma_semaphore, #tpu.memory_space<semaphore_mem>>) src(%dma_wait3A_256 : memref<10000x128xf32, #tpu.memory_space<hbm>>) dst(%dma_wait3A_251 : memref<64x128xf32, #tpu.memory_space<vmem>>)
    %dma_wait3A_259 = arith.constant 158 : i32
    %dma_wait3A_260 = arith.constant 2 : i32
    %dma_wait3A_261 = arith.constant 2 : i32
    %dma_wait3A_262 = arith.constant 0 : i32
    %dma_wait3A_263 = tpu.memref_slice %arg9[%dma_wait3A_260, %dma_wait3A_262] : memref<4x64xi32, #tpu.memory_space<vmem>> -> memref<1x64xi32, #tpu.memory_space<vmem>>
    %dma_wait3A_264 = tpu.memref_squeeze %dma_wait3A_263 : memref<1x64xi32, #tpu.memory_space<vmem>> -> memref<64xi32, #tpu.memory_space<vmem>>
    %dma_wait3A_265 = arith.constant 0 : i32
    %dma_wait3A_266 = tpu.memref_slice %arg4[%add3A, %dma_wait3A_259, %dma_wait3A_265] : memref<32x160x64xi32, #tpu.memory_space<hbm>> -> memref<1x1x64xi32, #tpu.memory_space<hbm>>
    %dma_wait3A_267 = tpu.memref_squeeze %dma_wait3A_266 : memref<1x1x64xi32, #tpu.memory_space<hbm>> -> memref<64xi32, #tpu.memory_space<hbm>>
    %dma_wait3A_268 = tpu.memref_slice %arg13[%dma_wait3A_261] : memref<4x!tpu.dma_semaphore, #tpu.memory_space<semaphore_mem>> -> memref<1x!tpu.dma_semaphore, #tpu.memory_space<semaphore_mem>>
    %dma_wait3A_269 = tpu.memref_squeeze %dma_wait3A_268 : memref<1x!tpu.dma_semaphore, #tpu.memory_space<semaphore_mem>> -> memref<!tpu.dma_semaphore, #tpu.memory_space<semaphore_mem>>
    %dma_wait3A_270 = arith.constant 0 : i32
    %dma_wait3A_271 = tpu.memref_slice %arg9[%dma_wait3A_260, %dma_wait3A_270] : memref<4x64xi32, #tpu.memory_space<vmem>> -> memref<1x64xi32, #tpu.memory_space<vmem>>
    %dma_wait3A_272 = tpu.memref_squeeze %dma_wait3A_271 : memref<1x64xi32, #tpu.memory_space<vmem>> -> memref<64xi32, #tpu.memory_space<vmem>>
    %dma_wait3A_273 = arith.constant 0 : i32
    %dma_wait3A_274 = tpu.memref_slice %arg4[%add3A, %dma_wait3A_259, %dma_wait3A_273] : memref<32x160x64xi32, #tpu.memory_space<hbm>> -> memref<1x1x64xi32, #tpu.memory_space<hbm>>
    %dma_wait3A_275 = tpu.memref_squeeze %dma_wait3A_274 : memref<1x1x64xi32, #tpu.memory_space<hbm>> -> memref<64xi32, #tpu.memory_space<hbm>>
    tpu.wait_dma2 semaphore(%dma_wait3A_269 : memref<!tpu.dma_semaphore, #tpu.memory_space<semaphore_mem>>) src(%dma_wait3A_275 : memref<64xi32, #tpu.memory_space<hbm>>) dst(%dma_wait3A_272 : memref<64xi32, #tpu.memory_space<vmem>>)
    %dma_start3A_276 = arith.constant 2 : i32
    %dma_start3A_277 = arith.constant 2 : i32
    %dma_start3A_278 = arith.constant 2 : i32
    %dma_start3A_279 = arith.constant 0 : i32
    %dma_start3A_280 = arith.constant 0 : i32
    %dma_start3A_281 = tpu.memref_slice %arg10[%dma_start3A_276, %dma_start3A_279, %dma_start3A_280] : memref<4x64x128xf32, #tpu.memory_space<vmem>> -> memref<1x64x128xf32, #tpu.memory_space<vmem>>
    %dma_start3A_282 = tpu.memref_squeeze %dma_start3A_281 : memref<1x64x128xf32, #tpu.memory_space<vmem>> -> memref<64x128xf32, #tpu.memory_space<vmem>>
    %dma_start3A_283 = arith.constant 0 : i32
    %dma_start3A_284 = tpu.memref_slice %arg9[%dma_start3A_277, %dma_start3A_283] : memref<4x64xi32, #tpu.memory_space<vmem>> -> memref<1x64xi32, #tpu.memory_space<vmem>>
    %dma_start3A_285 = tpu.memref_squeeze %dma_start3A_284 : memref<1x64xi32, #tpu.memory_space<vmem>> -> memref<64xi32, #tpu.memory_space<vmem>>
    %dma_start3A_286 = arith.constant 0 : i32
    %dma_start3A_287 = arith.constant 0 : i32
    %dma_start3A_288 = tpu.memref_slice %arg7[%dma_start3A_286, %dma_start3A_287] : memref<10112x128xf32, #tpu.memory_space<vmem_shared>> -> memref<10112x128xf32, #tpu.memory_space<vmem_shared>>
    %dma_start3A_289 = tpu.memref_slice %arg12[%dma_start3A_278] : memref<4x!tpu.dma_semaphore, #tpu.memory_space<semaphore_mem>> -> memref<1x!tpu.dma_semaphore, #tpu.memory_space<semaphore_mem>>
    %dma_start3A_290 = tpu.memref_squeeze %dma_start3A_289 : memref<1x!tpu.dma_semaphore, #tpu.memory_space<semaphore_mem>> -> memref<!tpu.dma_semaphore, #tpu.memory_space<semaphore_mem>>
    tpu.enqueue_indirect_dma source(%dma_start3A_282 : memref<64x128xf32, #tpu.memory_space<vmem>>) target(%dma_start3A_288 : memref<10112x128xf32, #tpu.memory_space<vmem_shared>>) offsets(%dma_start3A_285 : memref<64xi32, #tpu.memory_space<vmem>>) semaphore(%dma_start3A_290 : memref<!tpu.dma_semaphore, #tpu.memory_space<semaphore_mem>>) {add = true}
    %dma_wait3A_291 = arith.constant 2 : i32
    %dma_wait3A_292 = arith.constant 2 : i32
    %dma_wait3A_293 = arith.constant 2 : i32
    %dma_wait3A_294 = arith.constant 0 : i32
    %dma_wait3A_295 = arith.constant 0 : i32
    %dma_wait3A_296 = tpu.memref_slice %arg10[%dma_wait3A_291, %dma_wait3A_294, %dma_wait3A_295] : memref<4x64x128xf32, #tpu.memory_space<vmem>> -> memref<1x64x128xf32, #tpu.memory_space<vmem>>
    %dma_wait3A_297 = tpu.memref_squeeze %dma_wait3A_296 : memref<1x64x128xf32, #tpu.memory_space<vmem>> -> memref<64x128xf32, #tpu.memory_space<vmem>>
    %dma_wait3A_298 = arith.constant 0 : i32
    %dma_wait3A_299 = tpu.memref_slice %arg9[%dma_wait3A_292, %dma_wait3A_298] : memref<4x64xi32, #tpu.memory_space<vmem>> -> memref<1x64xi32, #tpu.memory_space<vmem>>
    %dma_wait3A_300 = tpu.memref_squeeze %dma_wait3A_299 : memref<1x64xi32, #tpu.memory_space<vmem>> -> memref<64xi32, #tpu.memory_space<vmem>>
    %dma_wait3A_301 = arith.constant 0 : i32
    %dma_wait3A_302 = arith.constant 0 : i32
    %dma_wait3A_303 = tpu.memref_slice %arg7[%dma_wait3A_301, %dma_wait3A_302] : memref<10112x128xf32, #tpu.memory_space<vmem_shared>> -> memref<10112x128xf32, #tpu.memory_space<vmem_shared>>
    %dma_wait3A_304 = tpu.memref_slice %arg12[%dma_wait3A_293] : memref<4x!tpu.dma_semaphore, #tpu.memory_space<semaphore_mem>> -> memref<1x!tpu.dma_semaphore, #tpu.memory_space<semaphore_mem>>
    %dma_wait3A_305 = tpu.memref_squeeze %dma_wait3A_304 : memref<1x!tpu.dma_semaphore, #tpu.memory_space<semaphore_mem>> -> memref<!tpu.dma_semaphore, #tpu.memory_space<semaphore_mem>>
    tpu.wait_indirect_dma semaphore(%dma_wait3A_305 : memref<!tpu.dma_semaphore, #tpu.memory_space<semaphore_mem>>) src(%dma_wait3A_297 : memref<64x128xf32, #tpu.memory_space<vmem>>) dst(%dma_wait3A_303 : memref<10112x128xf32, #tpu.memory_space<vmem_shared>>)
    %dma_wait3A_306 = arith.constant 3 : i32
    %dma_wait3A_307 = arith.constant 3 : i32
    %dma_wait3A_308 = arith.constant 0 : i32
    %dma_wait3A_309 = arith.constant 0 : i32
    %dma_wait3A_310 = tpu.memref_slice %arg10[%dma_wait3A_306, %dma_wait3A_308, %dma_wait3A_309] : memref<4x64x128xf32, #tpu.memory_space<vmem>> -> memref<1x64x128xf32, #tpu.memory_space<vmem>>
    %dma_wait3A_311 = tpu.memref_squeeze %dma_wait3A_310 : memref<1x64x128xf32, #tpu.memory_space<vmem>> -> memref<64x128xf32, #tpu.memory_space<vmem>>
    %dma_wait3A_312 = arith.constant 10176 : i32
    %dma_wait3A_313 = tpu.memref_slice %arg8[%dma_wait3A_312] : memref<10240xi32, #tpu.memory_space<vmem>> -> memref<64xi32, #tpu.memory_space<vmem>>
    %dma_wait3A_314 = arith.constant 0 : i32
    %dma_wait3A_315 = arith.constant 0 : i32
    %dma_wait3A_316 = tpu.memref_slice %arg2[%dma_wait3A_314, %dma_wait3A_315] : memref<10000x128xf32, #tpu.memory_space<hbm>> -> memref<10000x128xf32, #tpu.memory_space<hbm>>
    %dma_wait3A_317 = tpu.memref_slice %arg11[%dma_wait3A_307] : memref<4x!tpu.dma_semaphore, #tpu.memory_space<semaphore_mem>> -> memref<1x!tpu.dma_semaphore, #tpu.memory_space<semaphore_mem>>
    %dma_wait3A_318 = tpu.memref_squeeze %dma_wait3A_317 : memref<1x!tpu.dma_semaphore, #tpu.memory_space<semaphore_mem>> -> memref<!tpu.dma_semaphore, #tpu.memory_space<semaphore_mem>>
    tpu.wait_indirect_dma semaphore(%dma_wait3A_318 : memref<!tpu.dma_semaphore, #tpu.memory_space<semaphore_mem>>) src(%dma_wait3A_316 : memref<10000x128xf32, #tpu.memory_space<hbm>>) dst(%dma_wait3A_311 : memref<64x128xf32, #tpu.memory_space<vmem>>)
    %dma_wait3A_319 = arith.constant 159 : i32
    %dma_wait3A_320 = arith.constant 3 : i32
    %dma_wait3A_321 = arith.constant 3 : i32
    %dma_wait3A_322 = arith.constant 0 : i32
    %dma_wait3A_323 = tpu.memref_slice %arg9[%dma_wait3A_320, %dma_wait3A_322] : memref<4x64xi32, #tpu.memory_space<vmem>> -> memref<1x64xi32, #tpu.memory_space<vmem>>
    %dma_wait3A_324 = tpu.memref_squeeze %dma_wait3A_323 : memref<1x64xi32, #tpu.memory_space<vmem>> -> memref<64xi32, #tpu.memory_space<vmem>>
    %dma_wait3A_325 = arith.constant 0 : i32
    %dma_wait3A_326 = tpu.memref_slice %arg4[%add3A, %dma_wait3A_319, %dma_wait3A_325] : memref<32x160x64xi32, #tpu.memory_space<hbm>> -> memref<1x1x64xi32, #tpu.memory_space<hbm>>
    %dma_wait3A_327 = tpu.memref_squeeze %dma_wait3A_326 : memref<1x1x64xi32, #tpu.memory_space<hbm>> -> memref<64xi32, #tpu.memory_space<hbm>>
    %dma_wait3A_328 = tpu.memref_slice %arg13[%dma_wait3A_321] : memref<4x!tpu.dma_semaphore, #tpu.memory_space<semaphore_mem>> -> memref<1x!tpu.dma_semaphore, #tpu.memory_space<semaphore_mem>>
    %dma_wait3A_329 = tpu.memref_squeeze %dma_wait3A_328 : memref<1x!tpu.dma_semaphore, #tpu.memory_space<semaphore_mem>> -> memref<!tpu.dma_semaphore, #tpu.memory_space<semaphore_mem>>
    %dma_wait3A_330 = arith.constant 0 : i32
    %dma_wait3A_331 = tpu.memref_slice %arg9[%dma_wait3A_320, %dma_wait3A_330] : memref<4x64xi32, #tpu.memory_space<vmem>> -> memref<1x64xi32, #tpu.memory_space<vmem>>
    %dma_wait3A_332 = tpu.memref_squeeze %dma_wait3A_331 : memref<1x64xi32, #tpu.memory_space<vmem>> -> memref<64xi32, #tpu.memory_space<vmem>>
    %dma_wait3A_333 = arith.constant 0 : i32
    %dma_wait3A_334 = tpu.memref_slice %arg4[%add3A, %dma_wait3A_319, %dma_wait3A_333] : memref<32x160x64xi32, #tpu.memory_space<hbm>> -> memref<1x1x64xi32, #tpu.memory_space<hbm>>
    %dma_wait3A_335 = tpu.memref_squeeze %dma_wait3A_334 : memref<1x1x64xi32, #tpu.memory_space<hbm>> -> memref<64xi32, #tpu.memory_space<hbm>>
    tpu.wait_dma2 semaphore(%dma_wait3A_329 : memref<!tpu.dma_semaphore, #tpu.memory_space<semaphore_mem>>) src(%dma_wait3A_335 : memref<64xi32, #tpu.memory_space<hbm>>) dst(%dma_wait3A_332 : memref<64xi32, #tpu.memory_space<vmem>>)
    %dma_start3A_336 = arith.constant 3 : i32
    %dma_start3A_337 = arith.constant 3 : i32
    %dma_start3A_338 = arith.constant 3 : i32
    %dma_start3A_339 = arith.constant 0 : i32
    %dma_start3A_340 = arith.constant 0 : i32
    %dma_start3A_341 = tpu.memref_slice %arg10[%dma_start3A_336, %dma_start3A_339, %dma_start3A_340] : memref<4x64x128xf32, #tpu.memory_space<vmem>> -> memref<1x64x128xf32, #tpu.memory_space<vmem>>
    %dma_start3A_342 = tpu.memref_squeeze %dma_start3A_341 : memref<1x64x128xf32, #tpu.memory_space<vmem>> -> memref<64x128xf32, #tpu.memory_space<vmem>>
    %dma_start3A_343 = arith.constant 0 : i32
    %dma_start3A_344 = tpu.memref_slice %arg9[%dma_start3A_337, %dma_start3A_343] : memref<4x64xi32, #tpu.memory_space<vmem>> -> memref<1x64xi32, #tpu.memory_space<vmem>>
    %dma_start3A_345 = tpu.memref_squeeze %dma_start3A_344 : memref<1x64xi32, #tpu.memory_space<vmem>> -> memref<64xi32, #tpu.memory_space<vmem>>
    %dma_start3A_346 = arith.constant 0 : i32
    %dma_start3A_347 = arith.constant 0 : i32
    %dma_start3A_348 = tpu.memref_slice %arg7[%dma_start3A_346, %dma_start3A_347] : memref<10112x128xf32, #tpu.memory_space<vmem_shared>> -> memref<10112x128xf32, #tpu.memory_space<vmem_shared>>
    %dma_start3A_349 = tpu.memref_slice %arg12[%dma_start3A_338] : memref<4x!tpu.dma_semaphore, #tpu.memory_space<semaphore_mem>> -> memref<1x!tpu.dma_semaphore, #tpu.memory_space<semaphore_mem>>
    %dma_start3A_350 = tpu.memref_squeeze %dma_start3A_349 : memref<1x!tpu.dma_semaphore, #tpu.memory_space<semaphore_mem>> -> memref<!tpu.dma_semaphore, #tpu.memory_space<semaphore_mem>>
    tpu.enqueue_indirect_dma source(%dma_start3A_342 : memref<64x128xf32, #tpu.memory_space<vmem>>) target(%dma_start3A_348 : memref<10112x128xf32, #tpu.memory_space<vmem_shared>>) offsets(%dma_start3A_345 : memref<64xi32, #tpu.memory_space<vmem>>) semaphore(%dma_start3A_350 : memref<!tpu.dma_semaphore, #tpu.memory_space<semaphore_mem>>) {add = true}
    %dma_wait3A_351 = arith.constant 3 : i32
    %dma_wait3A_352 = arith.constant 3 : i32
    %dma_wait3A_353 = arith.constant 3 : i32
    %dma_wait3A_354 = arith.constant 0 : i32
    %dma_wait3A_355 = arith.constant 0 : i32
    %dma_wait3A_356 = tpu.memref_slice %arg10[%dma_wait3A_351, %dma_wait3A_354, %dma_wait3A_355] : memref<4x64x128xf32, #tpu.memory_space<vmem>> -> memref<1x64x128xf32, #tpu.memory_space<vmem>>
    %dma_wait3A_357 = tpu.memref_squeeze %dma_wait3A_356 : memref<1x64x128xf32, #tpu.memory_space<vmem>> -> memref<64x128xf32, #tpu.memory_space<vmem>>
    %dma_wait3A_358 = arith.constant 0 : i32
    %dma_wait3A_359 = tpu.memref_slice %arg9[%dma_wait3A_352, %dma_wait3A_358] : memref<4x64xi32, #tpu.memory_space<vmem>> -> memref<1x64xi32, #tpu.memory_space<vmem>>
    %dma_wait3A_360 = tpu.memref_squeeze %dma_wait3A_359 : memref<1x64xi32, #tpu.memory_space<vmem>> -> memref<64xi32, #tpu.memory_space<vmem>>
    %dma_wait3A_361 = arith.constant 0 : i32
    %dma_wait3A_362 = arith.constant 0 : i32
    %dma_wait3A_363 = tpu.memref_slice %arg7[%dma_wait3A_361, %dma_wait3A_362] : memref<10112x128xf32, #tpu.memory_space<vmem_shared>> -> memref<10112x128xf32, #tpu.memory_space<vmem_shared>>
    %dma_wait3A_364 = tpu.memref_slice %arg12[%dma_wait3A_353] : memref<4x!tpu.dma_semaphore, #tpu.memory_space<semaphore_mem>> -> memref<1x!tpu.dma_semaphore, #tpu.memory_space<semaphore_mem>>
    %dma_wait3A_365 = tpu.memref_squeeze %dma_wait3A_364 : memref<1x!tpu.dma_semaphore, #tpu.memory_space<semaphore_mem>> -> memref<!tpu.dma_semaphore, #tpu.memory_space<semaphore_mem>>
    tpu.wait_indirect_dma semaphore(%dma_wait3A_365 : memref<!tpu.dma_semaphore, #tpu.memory_space<semaphore_mem>>) src(%dma_wait3A_357 : memref<64x128xf32, #tpu.memory_space<vmem>>) dst(%dma_wait3A_363 : memref<10112x128xf32, #tpu.memory_space<vmem_shared>>)
    %barrier3A_366 = arith.constant 0 : index
    tpu.barrier barrier_id(%barrier3A_366)
    %mul3A_367 = arith.constant 632 : i32
    %mul3A_368 = arith.muli %arg1, %mul3A_367 : i32
    "tpu.region"() ({
      %run_scoped3A = tpu.sem_alloc : memref<!tpu.dma_semaphore, #tpu.memory_space<semaphore_mem>>
      %dma_start3A_369 = arith.constant 0 : i32
      %dma_start3A_370 = tpu.memref_slice %arg6[%arg0, %mul3A_368, %dma_start3A_369] : memref<2x10112x128xf32, #tpu.memory_space<hbm>> -> memref<1x632x128xf32, #tpu.memory_space<hbm>>
      %dma_start3A_371 = tpu.memref_squeeze %dma_start3A_370 : memref<1x632x128xf32, #tpu.memory_space<hbm>> -> memref<632x128xf32, #tpu.memory_space<hbm>>
      %dma_start3A_372 = arith.constant 0 : i32
      %dma_start3A_373 = tpu.memref_slice %arg7[%mul3A_368, %dma_start3A_372] : memref<10112x128xf32, #tpu.memory_space<vmem_shared>> -> memref<632x128xf32, #tpu.memory_space<vmem_shared>>
      tpu.enqueue_dma source(%dma_start3A_373 : memref<632x128xf32, #tpu.memory_space<vmem_shared>>) target(%dma_start3A_371 : memref<632x128xf32, #tpu.memory_space<hbm>>) target_semaphore(%run_scoped3A : memref<!tpu.dma_semaphore, #tpu.memory_space<semaphore_mem>>)
      %dma_wait3A_374 = arith.constant 0 : i32
      %dma_wait3A_375 = tpu.memref_slice %arg6[%arg0, %mul3A_368, %dma_wait3A_374] : memref<2x10112x128xf32, #tpu.memory_space<hbm>> -> memref<1x632x128xf32, #tpu.memory_space<hbm>>
      %dma_wait3A_376 = tpu.memref_squeeze %dma_wait3A_375 : memref<1x632x128xf32, #tpu.memory_space<hbm>> -> memref<632x128xf32, #tpu.memory_space<hbm>>
      %dma_wait3A_377 = arith.constant 0 : i32
      %dma_wait3A_378 = tpu.memref_slice %arg7[%mul3A_368, %dma_wait3A_377] : memref<10112x128xf32, #tpu.memory_space<vmem_shared>> -> memref<632x128xf32, #tpu.memory_space<vmem_shared>>
      tpu.wait_dma2 semaphore(%run_scoped3A : memref<!tpu.dma_semaphore, #tpu.memory_space<semaphore_mem>>) src(%dma_wait3A_378 : memref<632x128xf32, #tpu.memory_space<vmem_shared>>) dst(%dma_wait3A_376 : memref<632x128xf32, #tpu.memory_space<hbm>>)
      tpu.yield
    }) : () -> ()
    return
  }
}

module attributes {stable_mosaic.version = 14 : i64} {
  func.func @_x1_body(%arg0: memref<10000x128xf32, #tpu.memory_space<vmem>>, %arg1: memref<2x10112x128xf32, #tpu.memory_space<vmem>>, %arg2: memref<128x128xf32, #tpu.memory_space<vmem>>, %arg3: memref<1x128xf32, #tpu.memory_space<vmem>>, %arg4: memref<10000x128xf32, #tpu.memory_space<vmem>>) attributes {dimension_semantics = [], scalar_prefetch = 0 : i64, scratch_operands = 0 : i64, tpu.core_type = #tpu.core_type<tc>} {
    %get3A = arith.constant 0 : index
    %get3A_0 = arith.constant 0 : index
    %get3A_1 = vector.load %arg0[%get3A, %get3A_0] : memref<10000x128xf32, #tpu.memory_space<vmem>>, vector<10000x128xf32>
    %get3A_2 = arith.constant 0 : index
    %get3A_3 = arith.constant 0 : index
    %get3A_4 = arith.constant 0 : index
    %get3A_5 = vector.load %arg1[%get3A_2, %get3A_3, %get3A_4] : memref<2x10112x128xf32, #tpu.memory_space<vmem>>, vector<1x10000x128xf32>
    %get3A_6 = vector.shape_cast %get3A_5 : vector<1x10000x128xf32> to vector<10000x128xf32>
    %get3A_7 = arith.constant 1 : index
    %get3A_8 = arith.constant 0 : index
    %get3A_9 = arith.constant 0 : index
    %get3A_10 = vector.load %arg1[%get3A_7, %get3A_8, %get3A_9] : memref<2x10112x128xf32, #tpu.memory_space<vmem>>, vector<1x10000x128xf32>
    %get3A_11 = vector.shape_cast %get3A_10 : vector<1x10000x128xf32> to vector<10000x128xf32>
    %add3A = arith.addf %get3A_6, %get3A_11 : vector<10000x128xf32>
    %add3A_12 = arith.addf %get3A_1, %add3A : vector<10000x128xf32>
    %get3A_13 = arith.constant 0 : index
    %get3A_14 = arith.constant 0 : index
    %get3A_15 = vector.load %arg2[%get3A_13, %get3A_14] : memref<128x128xf32, #tpu.memory_space<vmem>>, vector<128x128xf32>
    %dot_general3A = arith.constant dense<0.000000e+00> : vector<10000x128xf32>
    %dot_general3A_16 = tpu.matmul %add3A_12, %get3A_15, %dot_general3A {dimension_numbers = #tpu.dot_dimension_numbers<[1], [0], [0], [1], [0, 0, 1, 1], [], []>, transpose_lhs_hint = false} : vector<10000x128xf32>, vector<128x128xf32>, vector<10000x128xf32> -> vector<10000x128xf32>
    %get3A_17 = arith.constant 0 : index
    %get3A_18 = arith.constant 0 : index
    %get3A_19 = vector.load %arg3[%get3A_17, %get3A_18] : memref<1x128xf32, #tpu.memory_space<vmem>>, vector<1x128xf32>
    %add3A_20 = vector.broadcast %get3A_19 : vector<1x128xf32> to vector<10000x128xf32>
    %add3A_21 = arith.addf %dot_general3A_16, %add3A_20 : vector<10000x128xf32>
    %max3A = arith.constant 0.000000e+00 : f32
    %max3A_22 = vector.broadcast %max3A : f32 to vector<10000x128xf32>
    %max3A_23 = arith.maximumf %add3A_21, %max3A_22 : vector<10000x128xf32>
    %swap3A = arith.constant 0 : index
    %swap3A_24 = arith.constant 0 : index
    %swap3A_25 = vector.load %arg4[%swap3A, %swap3A_24] : memref<10000x128xf32, #tpu.memory_space<vmem>>, vector<10000x128xf32>
    tpu.vector_store %arg4[%swap3A, %swap3A_24], %max3A_23 {strides = array<i32>} : memref<10000x128xf32, #tpu.memory_space<vmem>>, vector<10000x128xf32>,
    return
  }
}

module attributes {stable_mosaic.version = 14 : i64} {
  func.func @_mask_body(%arg0: memref<10000x128xf32, #tpu.memory_space<vmem>>, %arg1: memref<10000x1xf32, #tpu.memory_space<vmem>>, %arg2: memref<10000x128xf32, #tpu.memory_space<vmem>>) attributes {dimension_semantics = [], scalar_prefetch = 0 : i64, scratch_operands = 0 : i64, tpu.core_type = #tpu.core_type<tc>} {
    %get3A = arith.constant 0 : index
    %get3A_0 = arith.constant 0 : index
    %get3A_1 = vector.load %arg0[%get3A, %get3A_0] : memref<10000x128xf32, #tpu.memory_space<vmem>>, vector<10000x128xf32>
    %get3A_2 = arith.constant 0 : index
    %get3A_3 = arith.constant 0 : index
    %get3A_4 = vector.load %arg1[%get3A_2, %get3A_3] : memref<10000x1xf32, #tpu.memory_space<vmem>>, vector<10000x1xf32>
    %mul3A = vector.broadcast %get3A_4 : vector<10000x1xf32> to vector<10000x128xf32>
    %mul3A_5 = arith.mulf %get3A_1, %mul3A : vector<10000x128xf32>
    %swap3A = arith.constant 0 : index
    %swap3A_6 = arith.constant 0 : index
    %swap3A_7 = vector.load %arg2[%swap3A, %swap3A_6] : memref<10000x128xf32, #tpu.memory_space<vmem>>, vector<10000x128xf32>
    tpu.vector_store %arg2[%swap3A, %swap3A_6], %mul3A_5 {strides = array<i32>} : memref<10000x128xf32, #tpu.memory_space<vmem>>, vector<10000x128xf32>,
    return
  }
}

module attributes {stable_mosaic.version = 14 : i64} {
  func.func @_fin_body(%arg0: memref<10000x128xf32, #tpu.memory_space<vmem>>, %arg1: memref<2x10112x128xf32, #tpu.memory_space<vmem>>, %arg2: memref<128x128xf32, #tpu.memory_space<vmem>>, %arg3: memref<1x128xf32, #tpu.memory_space<vmem>>, %arg4: memref<128x1xf32, #tpu.memory_space<vmem>>, %arg5: memref<1x1xf32, #tpu.memory_space<vmem>>, %arg6: memref<1x10000xi32, #tpu.memory_space<vmem>>, %arg7: memref<128x1xf32, #tpu.memory_space<vmem>>) attributes {dimension_semantics = [], scalar_prefetch = 0 : i64, scratch_operands = 0 : i64, tpu.core_type = #tpu.core_type<tc>} {
    %get3A = arith.constant 0 : index
    %get3A_0 = arith.constant 0 : index
    %get3A_1 = vector.load %arg0[%get3A, %get3A_0] : memref<10000x128xf32, #tpu.memory_space<vmem>>, vector<10000x128xf32>
    %get3A_2 = arith.constant 0 : index
    %get3A_3 = arith.constant 0 : index
    %get3A_4 = arith.constant 0 : index
    %get3A_5 = vector.load %arg1[%get3A_2, %get3A_3, %get3A_4] : memref<2x10112x128xf32, #tpu.memory_space<vmem>>, vector<1x10000x128xf32>
    %get3A_6 = vector.shape_cast %get3A_5 : vector<1x10000x128xf32> to vector<10000x128xf32>
    %get3A_7 = arith.constant 1 : index
    %get3A_8 = arith.constant 0 : index
    %get3A_9 = arith.constant 0 : index
    %get3A_10 = vector.load %arg1[%get3A_7, %get3A_8, %get3A_9] : memref<2x10112x128xf32, #tpu.memory_space<vmem>>, vector<1x10000x128xf32>
    %get3A_11 = vector.shape_cast %get3A_10 : vector<1x10000x128xf32> to vector<10000x128xf32>
    %add3A = arith.addf %get3A_6, %get3A_11 : vector<10000x128xf32>
    %add3A_12 = arith.addf %get3A_1, %add3A : vector<10000x128xf32>
    %get3A_13 = arith.constant 0 : index
    %get3A_14 = arith.constant 0 : index
    %get3A_15 = vector.load %arg2[%get3A_13, %get3A_14] : memref<128x128xf32, #tpu.memory_space<vmem>>, vector<128x128xf32>
    %dot_general3A = arith.constant dense<0.000000e+00> : vector<10000x128xf32>
    %dot_general3A_16 = tpu.matmul %add3A_12, %get3A_15, %dot_general3A {dimension_numbers = #tpu.dot_dimension_numbers<[1], [0], [0], [1], [0, 0, 1, 1], [], []>, transpose_lhs_hint = false} : vector<10000x128xf32>, vector<128x128xf32>, vector<10000x128xf32> -> vector<10000x128xf32>
    %get3A_17 = arith.constant 0 : index
    %get3A_18 = arith.constant 0 : index
    %get3A_19 = vector.load %arg3[%get3A_17, %get3A_18] : memref<1x128xf32, #tpu.memory_space<vmem>>, vector<1x128xf32>
    %add3A_20 = vector.broadcast %get3A_19 : vector<1x128xf32> to vector<10000x128xf32>
    %add3A_21 = arith.addf %dot_general3A_16, %add3A_20 : vector<10000x128xf32>
    %iota3A = tpu.iota {dimensions = array<i32: 0>} : vector<128x10000xi32>
    %get3A_22 = arith.constant 0 : index
    %get3A_23 = arith.constant 0 : index
    %get3A_24 = vector.load %arg6[%get3A_22, %get3A_23] : memref<1x10000xi32, #tpu.memory_space<vmem>>, vector<1x10000xi32>
    %eq3A = vector.broadcast %get3A_24 : vector<1x10000xi32> to vector<128x10000xi32>
    %eq3A_25 = arith.cmpi eq, %eq3A, %iota3A : vector<128x10000xi32>
    %convert_element_type3A = arith.extui %eq3A_25 : vector<128x10000xi1> to vector<128x10000xi32>
    %convert_element_type3A_26 = arith.sitofp %convert_element_type3A : vector<128x10000xi32> to vector<128x10000xf32>
    %dot_general3A_27 = arith.constant dense<0.000000e+00> : vector<128x128xf32>
    %dot_general3A_28 = tpu.matmul %convert_element_type3A_26, %add3A_21, %dot_general3A_27 {dimension_numbers = #tpu.dot_dimension_numbers<[1], [0], [0], [1], [0, 0, 1, 1], [], []>, precision = #tpu.contract_precision<fp32>, transpose_lhs_hint = false} : vector<128x10000xf32>, vector<10000x128xf32>, vector<128x128xf32> -> vector<128x128xf32>
    %reduce_sum3A = arith.constant dense<0.000000e+00> : vector<128xf32>
    %reduce_sum3A_29 = vector.multi_reduction <add>, %convert_element_type3A_26, %reduce_sum3A [1] : vector<128x10000xf32> to vector<128xf32>
    %broadcast_in_dim3A = vector.shape_cast %reduce_sum3A_29 : vector<128xf32> to vector<128x1xf32>
    %max3A = arith.constant 1.000000e+00 : f32
    %max3A_30 = vector.broadcast %max3A : f32 to vector<128x1xf32>
    %max3A_31 = arith.maximumf %broadcast_in_dim3A, %max3A_30 : vector<128x1xf32>
    %div3A = vector.broadcast %max3A_31 : vector<128x1xf32> to vector<128x128xf32>
    %div3A_32 = arith.divf %dot_general3A_28, %div3A : vector<128x128xf32>
    %get3A_33 = arith.constant 0 : index
    %get3A_34 = arith.constant 0 : index
    %get3A_35 = vector.load %arg4[%get3A_33, %get3A_34] : memref<128x1xf32, #tpu.memory_space<vmem>>, vector<128x1xf32>
    %dot_general3A_36 = arith.constant dense<0.000000e+00> : vector<128x1xf32>
    %dot_general3A_37 = tpu.matmul %div3A_32, %get3A_35, %dot_general3A_36 {dimension_numbers = #tpu.dot_dimension_numbers<[1], [0], [0], [1], [0, 0, 1, 1], [], []>, transpose_lhs_hint = false} : vector<128x128xf32>, vector<128x1xf32>, vector<128x1xf32> -> vector<128x1xf32>
    %get3A_38 = arith.constant 0 : index
    %get3A_39 = arith.constant 0 : index
    %get3A_40 = vector.load %arg5[%get3A_38, %get3A_39] : memref<1x1xf32, #tpu.memory_space<vmem>>, vector<1x1xf32>
    %add3A_41 = vector.broadcast %get3A_40 : vector<1x1xf32> to vector<128x1xf32>
    %add3A_42 = arith.addf %dot_general3A_37, %add3A_41 : vector<128x1xf32>
    %swap3A = arith.constant 0 : index
    %swap3A_43 = arith.constant 0 : index
    %swap3A_44 = vector.load %arg7[%swap3A, %swap3A_43] : memref<128x1xf32, #tpu.memory_space<vmem>>, vector<128x1xf32>
    tpu.vector_store %arg7[%swap3A, %swap3A_43], %add3A_42 {strides = array<i32>} : memref<128x1xf32, #tpu.memory_space<vmem>>, vector<128x1xf32>,
    return
  }
}

</mosaic_0001>

<sc_bundles>
// kernel: kernel.10.cloned.1.call-start
scs
__scs_entry_jumppad:
0x0: {  	(pc) =	sbr.rel $0x88, $3  }
0x1: {  	(tag) =	ssettag $0x0;
	lr =	simm.s32 $0x1  }
0x2: {  	[smem:$0x3F97] =	sst lr;
	_ =	strace $0xD0000000  }
0x3: {  	_ = 	snop  }
0x4: {  	_ = 	snop  }
0x5: {  	_ = 	snop  }
0x6: {  	_ = 	snop  }
0x7: {  	_ = 	snop  }
__scs_overlays_trampoline_lowered:
0x8: {  	[smem:$0x3FA6] =	sst s0  }
0x9: {  	[smem:$0x3FA7] =	sst s1  }
0xa: {  	[smem:$0x3FA8] =	sst s2  }
0xb: {  	[smem:$0x3FA9] =	sst s3  }
0xc: {  	[smem:$0x3FAA] =	sst s4  }
0xd: {  	[smem:$0x3FAB] =	sst s5  }
0xe: {  	[smem:$0x3FAC] =	sst s6  }
0xf: {  	[smem:$0x3FAD] =	sst s7  }
0x10: {  	[smem:$0x3FAE] =	sst s8  }
0x11: {  	[smem:$0x3FAF] =	sst s9;
	s0 =	simm.s32 @!p0 $0x0  }
0x12: {  	s1 =	sld [smem:$0x3F95];
	s0 =	simm.s32 @p0 $0x1  }
0x13: {  	[smem:$0x3FB0] =	sst s0;
	s0 =	simm.s32 @!p1 $0x0  }
0x14: {  	s2 =	sld [smem:$0x3F94];
	s0 =	simm.s32 @p1 $0x1  }
0x15: {  	[smem:$0x3FB1] =	sst s0;
	s0 =	simm.s32 @!p2 $0x0  }
0x16: {  	s3 =	sld [smem:$0x3FDB];
	s0 =	simm.s32 @p2 $0x1  }
0x17: {  	s4 =	simm.s32 $0x1BF5;
	[smem:$0x3FB3] =	sst s0  }
0x18: {  	s0 =	sld [smem:$0x3F96];
	_ =	swait.ge [sflag:s4], $0x0  }
0x19: {  	s7 =	sld [smem:$0x3F97]  }
0x1a: {  	s8 =	sadd.s32 $0xFFFFE003, lr  }
0x1b: {  	s9 =	sadd.s32 $0xFFFFFEF7, lr;
	s5 =	simm.s32 $0xFFFFFFFF;
	p2 =	slt.u32 s8, $0xFFFFF086  }
0x1c: {  	p1 =	slt.u32 s9, $0xF7A;
	s5 =	simm.s32 @!p2 $0x0  }
0x1d: {  	s5 =	simm.s32 @p1 $0x1;
	p0 =	seq.s32 s7, s2  }
0x1e: {  	s7 =	smul.u32 @!p0 $0xF7A, s2;
	p2 =	seq.s32 @!p0 s5, $0x0  }
0x1f: {  	s9 =	smul.u32 $0xF7A, s1;
	s8 =	simm.s32 @!p0 $0x1BF5;
	p2 =	por !p2, p0  }
0x20: {  	[sflag:s8] =	ssyncset.s32 @!p0 $0xFFFFF086;
	s6 =	sadd.s32 @!p0 s3, s7;
	s7 =	simm.s32 @!p0 $0x108  }
0x21: {  	s3 =	sadd.s32 s3, s9;
	s6 =	sadd.s32 @!p0 $0x88, s6;
	s7 =	simm.s32 @p2 $0x1082  }
0x22: {  	[simem:s7], [sflag:s8] =	dma.local @!p0 [hbm:s6], $0xF7A  }
0x23: {  	s9 =	sor.u32 $0xD0000000, s2;
	s6 =	simm.s32 $0x108;
	_ =	swait.ge @!p0 [sflag:s8], $0x0  }
0x24: {  	s3 =	sadd.s32 $0x88, s3;
	s6 =	simm.s32 @!p1 $0x1082;
	[sflag:s4] =	ssyncset.s32 $0xFFFFF086  }
0x25: {  	[simem:s6], [sflag:s4] =	dma.local [hbm:s3], $0xF7A  }
0x26: {  	[smem:$0x3F97] =	sst s1;
	(tag) =	ssettag s2;
	_ =	strace s9  }
0x27: {  	s1 =	sld [smem:$0x3FA7]  }
0x28: {  	s2 =	sld [smem:$0x3FA8]  }
0x29: {  	s4 =	sld [smem:$0x3FAA]  }
0x2a: {  	p0 =	seq.s32 s5, $0x0;
	s5 =	sld [smem:$0x3FAB]  }
0x2b: {  	s6 =	sld [smem:$0x3FAC]  }
0x2c: {  	s7 =	sld [smem:$0x3FAD]  }
0x2d: {  	s3 =	simm.s32 $0x108;
	s8 =	sld [smem:$0x3FAE]  }
0x2e: {  	s3 =	simm.s32 @!p0 $0x1082;
	s9 =	sld [smem:$0x3FAF]  }
0x2f: {  	lr =	sadd.s32 s0, s3;
	s0 =	sld [smem:$0x3FA6]  }
0x30: {  	s3 =	sld [smem:$0x3FA9]  }
0x31: {  	[smem:$0x3FB2] =	sst s10  }
0x32: {  	s10 =	sld [smem:$0x3FB0];
	_ =	sdelay $0x3  }
0x33: {  	p0 =	seq.s32 s10, $0x1;
	s10 =	sld [smem:$0x3FB2];
	_ =	sdelay $0x3  }
0x34: {  	[smem:$0x3FB2] =	sst s10  }
0x35: {  	s10 =	sld [smem:$0x3FB1];
	_ =	sdelay $0x3  }
0x36: {  	p1 =	seq.s32 s10, $0x1;
	s10 =	sld [smem:$0x3FB2];
	_ =	sdelay $0x3  }
0x37: {  	[smem:$0x3FB2] =	sst s10  }
0x38: {  	s10 =	sld [smem:$0x3FB3]  }
0x39: {  	_ = 	snop;
	(pc) =	sbr.ind lr, $3  }
0x3a: {  	_ = 	snop  }
0x3b: {  	_ = 	snop  }
0x3c: {  	p2 =	seq.s32 s10, $0x1;
	s10 =	sld [smem:$0x3FB2]  }
0x3d: {  	_ =	shalt  }
0x3e: {  	_ =	shalt  }
0x3f: {  	_ =	shalt  }
0x40: {  	_ =	shalt  }
0x41: {  	_ =	shalt  }
0x42: {  	_ =	shalt  }
0x43: {  	_ =	shalt  }
0x44: {  	_ =	shalt  }
0x45: {  	_ =	shalt  }
0x46: {  	_ =	shalt  }
0x47: {  	_ =	shalt  }
0x48: {  	_ =	shalt  }
0x49: {  	_ =	shalt  }
0x4a: {  	_ =	shalt  }
0x4b: {  	_ =	shalt  }
0x4c: {  	_ =	shalt  }
0x4d: {  	_ =	shalt  }
0x4e: {  	_ =	shalt  }
0x4f: {  	_ =	shalt  }
0x50: {  	_ =	shalt  }
0x51: {  	_ =	shalt  }
0x52: {  	_ =	shalt  }
0x53: {  	_ =	shalt  }
0x54: {  	_ =	shalt  }
0x55: {  	_ =	shalt  }
0x56: {  	_ =	shalt  }
0x57: {  	_ =	shalt  }
0x58: {  	_ =	shalt  }
0x59: {  	_ =	shalt  }
0x5a: {  	_ =	shalt  }
0x5b: {  	_ =	shalt  }
0x5c: {  	_ =	shalt  }
0x5d: {  	_ =	shalt  }
0x5e: {  	_ =	shalt  }
0x5f: {  	_ =	shalt  }
0x60: {  	_ =	shalt  }
0x61: {  	_ =	shalt  }
0x62: {  	_ =	shalt  }
0x63: {  	_ =	shalt  }
0x64: {  	_ =	shalt  }
0x65: {  	_ =	shalt  }
0x66: {  	_ =	shalt  }
0x67: {  	_ =	shalt  }
0x68: {  	_ =	shalt  }
0x69: {  	_ =	shalt  }
0x6a: {  	_ =	shalt  }
0x6b: {  	_ =	shalt  }
0x6c: {  	_ =	shalt  }
0x6d: {  	_ =	shalt  }
0x6e: {  	_ =	shalt  }
0x6f: {  	_ =	shalt  }
0x70: {  	_ =	shalt  }
0x71: {  	_ =	shalt  }
0x72: {  	_ =	shalt  }
0x73: {  	_ =	shalt  }
0x74: {  	_ =	shalt  }
0x75: {  	_ =	shalt  }
0x76: {  	_ =	shalt  }
0x77: {  	_ =	shalt  }
0x78: {  	_ =	shalt  }
0x79: {  	_ =	shalt  }
0x7a: {  	_ =	shalt  }
0x7b: {  	_ =	shalt  }
0x7c: {  	_ =	shalt  }
0x7d: {  	_ =	shalt  }
0x7e: {  	_ =	shalt  }
0x7f: {  	_ =	shalt  }
0x80: {  	_ =	shalt  }
0x81: {  	_ =	shalt  }
0x82: {  	_ =	shalt  }
0x83: {  	_ =	shalt  }
0x84: {  	_ =	shalt  }
0x85: {  	_ =	shalt  }
0x86: {  	_ =	shalt  }
0x87: {  	_ =	shalt  }
.Lfunc_end0:
.L_simem_size_0:
called_computation.1_lowered:
.L_overlay_start_0:
0x88: {  	s2 =	sld [smem:$0x3FD9]  }
0x89: {  	s3 =	sld [smem:$0x3FFE];
	_ =	sdelay $0x1  }
0x8a: {  	s1 =	srdreg.scid  }
0x8b: {  	s0 =	sand.u32 $0x1, s1  }
0x8c: {  	s16 =	sshll.u32 s0, $0xA;
	s2 =	sadd.s32 s3, s2  }
0x8d: {  	s2 =	sadd.s32 s2, s16  }
0x8e: {  	[smem:$0x3FBE] =	sst s2  }
0x8f: {  	_ = 	snop  }
0x90: {  	(tm) =	ssettm $0x1  }
0x91: {  	s17 =	sld [smem:$0x3FFB];
	_ =	sdelay $0x3  }
0x92: {  	_ =	strace s17  }
0x93: {  	s2 =	sld [smem:$0x3FFC];
	_ =	sdelay $0x3  }
0x94: {  	_ =	strace s2  }
0x95: {  	s2 =	sld [smem:$0x3FFD];
	_ =	sdelay $0x3  }
0x96: {  	_ =	strace s2  }
0x97: {  	_ =	strace $0x8FFFFFFF  }
0x98: {  	s18 =	sld [smem:$0x3FDB];
	_ =	sdelay $0x1  }
0x99: {  	s19 =	simm.s32 $_scs_section_size  }
0x9a: {  	s4 =	simm.s32 $_size__tile_overlayer_lowered;
	s5 =	simm.s32 $_tile_overlayer_lowered  }
0x9b: {  	s22 =	simm.s32 $0x1BFF;
	s21 =	sshll.u32 s5, $0x1;
	s2 =	sadd.s32 s19, s18  }
0x9c: {  	s6 =	simm.s32 $0x0;
	s20 =	sshll.u32 s4, $0x1;
	s4 =	sadd.s32 s21, s2  }
0x9d: {  	[timem:s6], [sflag:s22] =	dma.local [hbm:s4], s20  }
0x9e: {  	_ =	swait.ge [sflag:s22], s20  }
0x9f: {  	s3 =	ssub.s32 $0x0, s20;
	[sflag:s22] =	ssyncset.done $0x0  }
0xa0: {  	[sflag:s22] =	ssyncadd.s32 s3;
	_ =	sdelay $0x1  }
0xa1: {  	s23 =	simm.s32 $0x1B8B  }
0xa2: {  	_ =	swait.ge [sflag:s23], $0x1  }
0xa3: {  	[sflag:s23] =	ssyncset.done $0x0  }
0xa4: {  	s25 =	simm.s32 $0x1B8E;
	s24 =	sld [smem:$0x3FFE];
	[sflag:s23] =	ssyncadd.s32 $0xFFFFFFFF  }
0xa5: {  	s26 =	simm.s32 $execute0_lowered;
	[smem:$0x3FD2] =	sst s25  }
0xa6: {  	s4 =	sshll.u32 s26, $0x1;
	_ =	strace $0x80000049;
	[dreg:$0x1] =	wrdreg $0xFFFFFFFF  }
0xa7: {  	s28 =	simm.s32 $_size_execute0_lowered;
	s2 =	sadd.s32 s2, s4;
	[dreg:$0x0] =	wrdreg $0x0  }
0xa8: {  	s4 =	sshll.u32 s28, $0x1;
	[dreg:$0x2] =	wrdreg s2  }
0xa9: {  	[dreg:$0x3] =	wrdreg s4  }
0xaa: {  	[dreg:$0x4] =	wrdreg $0xC0  }
0xab: {  	_ =	task [dreg:s6], $0x5FFFF  }
0xac: {  	[dreg:$0x1] =	wrdreg $0xFFFFFFFF  }
0xad: {  	[dreg:$0x0] =	wrdreg $0x60  }
0xae: {  	[dreg:$0x2] =	wrdreg s24  }
0xaf: {  	[dreg:$0x3] =	wrdreg $0x0  }
0xb0: {  	[dreg:$0x4] =	wrdreg $0x9  }
0xb1: {  	_ =	task.clear_ibuf [dreg:s6], $0x5FFFF;
	_ =	strace $0x90000049  }
0xb2: {  	s29 =	simm.s32 $0x9;
	_ =	strace $0x8000004B  }
0xb3: {  	_ =	swait.ge [sflag:s29], $0x1  }
0xb4: {  	[sflag:s29] =	ssyncadd.s32 $0xFFFFFFFF  }
0xb5: {  	_ =	strace $0x9000004B  }
0xb6: {  	_ =	sfence  }
0xb7: {  	s30 =	sld [smem:$0x0];
	_ =	sdelay $0x2  }
0xb8: {  	s31 =	sshll.u32 s1, $0xD;
	s1 =	sshrl.u32 s1, $0x2  }
0xb9: {  	s3 =	sand.u32 $0x4000, s31;
	s1 =	sadd.s32 s1, s30  }
0xba: {  	s0 =	sor.u32 s3, s0;
	s1 =	sshll.u32 s1, $0x11  }
0xbb: {  	s0 =	sor.u32 s1, s0  }
0xbc: {  	s0 =	sadd.s32 $0x8F2B, s0  }
0xbd: {  	[sflag:s0] =	ssyncadd.remote.s32 $0x1  }
0xbe: {  	_ =	sfence.sel $0xFFFF  }
0xbf: {  	[dreg:$0x0] =	wrdreg $0xFFFFFFFF;
	(pc) =	sbr.abs _section_cstart, $3  }
0xc0: {  	[dreg:$0x1] =	wrdreg $0xFFFFFFFF  }
0xc1: {  	_ =	task.clear_ibuf [dreg:s6], $0x2FFFF;
	_ =	strace $0x9FFFFFFF  }
0xc2: {  	(tm) =	ssettm $0x7FFFFFFF  }
0xc3: {  	_ =	shalt  }
tec
execute0_lowered:
.L_overlay_start_1:
0x0: {  	(tag) =	ssettag $0x1  }
0x1: {  	s0 =	srdreg.scid;
	s6 =	rddreg [dreg:$0x0]  }
0x2: {  	s11 =	stileid.u32;
	s2 =	rddreg [dreg:$0x1];
	s28 =	simm.s32 $0x2  }
0x3: {  	s31 =	simm.s32 $0xA;
	s17 =	simm.s32 $0x4;
	s12 =	simm.s32 $0xC  }
0x4: {  	s13 =	simm.s32 $0x8;
	s0 =	sand.u32 $0x1, s0;
	s8 =	smul.u32 $0x13C00, s11  }
0x5: {  	s5 =	sshll.u32 s11, $0x7;
	s10 =	sadd.s32 $0x47A00, s6;
	s21 =	smul.u32 $0x4F000, s11  }
0x6: {  	s30 =	sshll.u32 s11, $0x6;
	s1 =	sshll.u32 s0, $0x4;
	s5 =	sand.u32 $0x380, s5  }
0x7: {  	s7 =	smul.u32 $0x13C000, s0;
	s0 =	ssub.s32 $0x2, s0;
	s1 =	sor.u32 s11, s1  }
0x8: {  	s22 =	sshrl.u32 s0, $0x1;
	s24 =	sshrl.u32 s21, $0x2;
	s21 =	simm.s32 $0x40  }
0x9: {  	s11 =	simm.s32 $0x7;
	s3 =	sshrl.u32 s1, $0x3;
	s8 =	sadd.s32 s8, s7  }
0xa: {  	s7 =	smul.u32 $0x5000, s1;
	s0 =	ssub.s32 s0, s22;
	s22 =	sor.u32 $0x1C0D, s30  }
0xb: {  	s4 =	smul.u32 $0x14000, s3;
	s3 =	simm.s32 $0x0;
	s20 =	sshrl.u32 s8, $0x3  }
0xc: {  	s0 =	smax.u32 s0, $0x1;
	[smem:$0x7FF] =	sst s3;
	s1 =	sadd.s32 s20, s6  }
0xd: {  	s23 =	sshrl.u32 s7, $0x3;
	s20 =	simm.s32 $0xD;
	s4 =	sor.u32 s5, s4  }
0xe: {  	_ =	strace $0x8000004A;
	[dreg:$0x3] =	wrdreg s10;
	s1 =	sadd.s32 $0x4A200, s1  }
0xf: {  	[dreg:$0xa] =	wrdreg s0;
	s10 =	simm.s32 $0xB;
	s5 =	sshrl.u32 s4, $0x3  }
0x10: {  	[dreg:$0xb] =	wrdreg s22;
	s4 =	sadd.s32 $0x20800, s6;
	s9 =	sadd.s32 s5, s6  }
0x11: {  	[dreg:$0x9] =	wrdreg s1;
	s5 =	sadd.s32 $0x2800, s6;
	s9 =	sadd.s32 $0x16800, s9  }
0x12: {  	s6 =	sadd.s32 s24, s2;
	s25 =	sadd.s32 s5, s23;
	[dreg:$0x5] =	wrdreg s9  }
0x13: {  	s0 =	simm.s32 $0x0;
	s23 =	sshrl.u32 s6, $0x3;
	[dreg:$0x4] =	wrdreg s25  }
0x14: {  	s24 =	simm.s32 $0x16580;
	s26 =	sadd.s32 $0x10, s25;
	[dreg:$0xc] =	wrdreg s23  }
0x15: {  	s6 =	simm.s32 $0x6;
	s29 =	sadd.s32 $0x20, s25;
	[dreg:$0x6] =	wrdreg s26  }
0x16: {  	s8 =	sadd.s32 $0x30, s25;
	s9 =	simm.s32 $0x3;
	[dreg:$0x7] =	wrdreg s29  }
0x17: {  	s25 =	simm.s32 $0x16600;
	[dreg:$0x8] =	wrdreg s8;
	s26 =	simm.s32 $0x16400  }
.LBB2_1:
0x18: {  	[dreg:$0xd] =	wrdreg s0  }
0x19: {  	s8 =	rddreg [dreg:$0x5]  }
0x1a: {  	s14 =	simm.s32 $0x80;
	s18 =	simm.s32 $0x400;
	s19 =	simm.s32 $0x13C00  }
0x1b: {  	[tilespmem:s19], [sflag:$0xD] =	stream.strided.gather [hbm4b:s8+s14], $0x2800, s18, s14, $0x38;
	[tilespmem:$0x1E600] =	vst v63  }
0x1c: {  	_ =	swait.ge [sflag:s20], $0x2800  }
0x1d: {  	[sflag:s20] =	ssyncset.done $0x0  }
0x1e: {  	s29 =	rddreg [dreg:$0x3];
	[sflag:s20] =	ssyncadd.s32 $0xFFFFD800  }
0x1f: {  	[spmem:s23], [sflag:s22] =	dma.local [hbm:s29], $0x2780  }
0x20: {  	_ =	swait.ge [sflag:s20], $0x2780  }
0x21: {  	[sflag:s20] =	ssyncset.done $0x0  }
0x22: {  	[sflag:s20] =	ssyncadd.s32 $0xFFFFD880  }
0x23: {  	s14 =	simm.s32 $0x16600;
	[bflag:$0x0] =	sbarrier.arrive $0xFFFF  }
0x24: {  	[tilespmem:s14], [sflag:$0x1] =	stream.indirect.gather [hbm4b:s4+s21], $0x80, s19, s21, $0xb8;
	[tilespmem:$0x1E600] =	vst v63  }
0x25: {  	s30 =	rddreg [dreg:$0x4];
	s19 =	simm.s32 $0x16400  }
0x26: {  	[tilespmem:s19], [sflag:$0x9] =	stream.linear.gather [hbm4b:s30+s3], $0x80, $0x38;
	[tilespmem:$0x1E600] =	vst v63  }
0x27: {  	s0 =	simm.s32 $0x13C40;
	s20 =	simm.s32 $0x18600  }
0x28: {  	[tilespmem:s20], [sflag:$0x2] =	stream.indirect.gather [hbm4b:s4+s21], $0x80, s0, s21, $0xb8;
	[tilespmem:$0x1E600] =	vst v63  }
0x29: {  	s22 =	simm.s32 $0x16480;
	s1 =	rddreg [dreg:$0x6]  }
0x2a: {  	[tilespmem:s22], [sflag:$0xA] =	stream.linear.gather [hbm4b:s1+s3], $0x80, $0x38;
	[tilespmem:$0x1E600] =	vst v63  }
0x2b: {  	s23 =	simm.s32 $0x1A600;
	s1 =	simm.s32 $0x13C80  }
0x2c: {  	[tilespmem:s23], [sflag:$0x3] =	stream.indirect.gather [hbm4b:s4+s21], $0x80, s1, s21, $0xb8;
	[tilespmem:$0x1E600] =	vst v63  }
0x2d: {  	s15 =	rddreg [dreg:$0x7];
	s0 =	simm.s32 $0x16500  }
0x2e: {  	[tilespmem:s0], [sflag:$0xB] =	stream.linear.gather [hbm4b:s15+s3], $0x80, $0x38;
	[tilespmem:$0x1E600] =	vst v63  }
0x2f: {  	s16 =	simm.s32 $0x13CC0;
	s15 =	simm.s32 $0x1C600  }
0x30: {  	[tilespmem:s15], [sflag:$0x4] =	stream.indirect.gather [hbm4b:s4+s21], $0x80, s16, s21, $0xb8;
	[tilespmem:$0x1E600] =	vst v63  }
0x31: {  	s29 =	simm.s32 $0x1;
	s18 =	rddreg [dreg:$0x8];
	s1 =	simm.s32 $0x16580  }
0x32: {  	[tilespmem:s1], [sflag:$0xC] =	stream.linear.gather [hbm4b:s18+s3], $0x80, $0x38;
	[tilespmem:$0x1E600] =	vst v63  }
0x33: {  	_ =	swait.ge [sflag:s29], $0x2000  }
0x34: {  	[sflag:s29] =	ssyncset.done $0x0  }
0x35: {  	s16 =	simm.s32 $0x9;
	[sflag:s29] =	ssyncadd.s32 $0xFFFFE000  }
0x36: {  	s30 =	simm.s32 $0x200;
	_ =	swait.ge [sflag:s16], $0x80  }
0x37: {  	s8 =	sand.u32 $0x200, s30;
	[sflag:s16] =	ssyncset.done $0x0  }
0x38: {  	s29 =	sand.u32 $0xFC00, s30;
	s30 =	simm.s32 $0x5;
	[sflag:s16] =	ssyncadd.s32 $0xFFFFFF80  }
0x39: {  	[spmem:s2] =	stream.indirect.scatter.add.f32 [tilespmem:s14], [sflag:$0x5], $0x80, s19, s21, $0xb8;
	[tilespmem:$0x1E600] =	vst v63  }
0x3a: {  	s18 =	sadd.s32 s7, s29;
	_ =	swait.ge [sflag:s30], $0x2000  }
0x3b: {  	s8 =	sor.u32 s8, s18;
	[sflag:s30] =	ssyncset.done $0x0  }
0x3c: {  	s29 =	simm.s32 $0x13D00;
	s8 =	sshrl.u32 s8, $0x3;
	[sflag:s30] =	ssyncadd.s32 $0xFFFFE000  }
0x3d: {  	[tilespmem:s14], [sflag:$0x1] =	stream.indirect.gather [hbm4b:s4+s21], $0x80, s29, s21, $0xb8;
	[tilespmem:$0x1E600] =	vst v63  }
0x3e: {  	s8 =	sadd.s32 s5, s8  }
0x3f: {  	[tilespmem:s19], [sflag:$0x9] =	stream.linear.gather [hbm4b:s8+s3], $0x80, $0x38;
	[tilespmem:$0x1E600] =	vst v63  }
0x40: {  	_ =	swait.ge [sflag:s28], $0x2000  }
0x41: {  	[sflag:s28] =	ssyncset.done $0x0  }
0x42: {  	[sflag:s28] =	ssyncadd.s32 $0xFFFFE000  }
0x43: {  	_ =	swait.ge [sflag:s31], $0x80  }
0x44: {  	s30 =	simm.s32 $0x280;
	[sflag:s31] =	ssyncset.done $0x0  }
0x45: {  	s14 =	sand.u32 $0xFC00, s30;
	[sflag:s31] =	ssyncadd.s32 $0xFFFFFF80  }
0x46: {  	[spmem:s2] =	stream.indirect.scatter.add.f32 [tilespmem:s20], [sflag:$0x6], $0x80, s22, s21, $0xb8;
	[tilespmem:$0x1E600] =	vst v63  }
0x47: {  	s18 =	sadd.s32 s7, s14;
	s8 =	sand.u32 $0x280, s30;
	_ =	swait.ge [sflag:s6], $0x2000  }
0x48: {  	s8 =	sor.u32 s8, s18;
	[sflag:s6] =	ssyncset.done $0x0  }
0x49: {  	s16 =	simm.s32 $0x13D40;
	s8 =	sshrl.u32 s8, $0x3;
	[sflag:s6] =	ssyncadd.s32 $0xFFFFE000  }
0x4a: {  	[tilespmem:s20], [sflag:$0x2] =	stream.indirect.gather [hbm4b:s4+s21], $0x80, s16, s21, $0xb8;
	[tilespmem:$0x1E600] =	vst v63  }
0x4b: {  	s8 =	sadd.s32 s5, s8  }
0x4c: {  	[tilespmem:s22], [sflag:$0xA] =	stream.linear.gather [hbm4b:s8+s3], $0x80, $0x38;
	[tilespmem:$0x1E600] =	vst v63  }
0x4d: {  	_ =	swait.ge [sflag:s9], $0x2000  }
0x4e: {  	[sflag:s9] =	ssyncset.done $0x0  }
0x4f: {  	[sflag:s9] =	ssyncadd.s32 $0xFFFFE000  }
0x50: {  	_ =	swait.ge [sflag:s10], $0x80  }
0x51: {  	s19 =	simm.s32 $0x300;
	[sflag:s10] =	ssyncset.done $0x0  }
0x52: {  	s20 =	sand.u32 $0xFC00, s19;
	[sflag:s10] =	ssyncadd.s32 $0xFFFFFF80  }
0x53: {  	[spmem:s2] =	stream.indirect.scatter.add.f32 [tilespmem:s23], [sflag:$0x7], $0x80, s0, s21, $0xb8;
	[tilespmem:$0x1E600] =	vst v63  }
0x54: {  	s18 =	sadd.s32 s7, s20;
	s8 =	sand.u32 $0x300, s19;
	_ =	swait.ge [sflag:s11], $0x2000  }
0x55: {  	s8 =	sor.u32 s8, s18;
	[sflag:s11] =	ssyncset.done $0x0  }
0x56: {  	s22 =	simm.s32 $0x13D80;
	s8 =	sshrl.u32 s8, $0x3;
	[sflag:s11] =	ssyncadd.s32 $0xFFFFE000  }
0x57: {  	[tilespmem:s23], [sflag:$0x3] =	stream.indirect.gather [hbm4b:s4+s21], $0x80, s22, s21, $0xb8;
	[tilespmem:$0x1E600] =	vst v63  }
0x58: {  	s8 =	sadd.s32 s5, s8  }
0x59: {  	[tilespmem:s0], [sflag:$0xB] =	stream.linear.gather [hbm4b:s8+s3], $0x80, $0x38;
	[tilespmem:$0x1E600] =	vst v63  }
0x5a: {  	_ =	swait.ge [sflag:s17], $0x2000  }
0x5b: {  	[sflag:s17] =	ssyncset.done $0x0  }
0x5c: {  	[sflag:s17] =	ssyncadd.s32 $0xFFFFE000  }
0x5d: {  	s29 =	simm.s32 $0x380;
	_ =	swait.ge [sflag:s12], $0x80  }
0x5e: {  	s30 =	sand.u32 $0xFC00, s29;
	[sflag:s12] =	ssyncset.done $0x0  }
0x5f: {  	s20 =	sadd.s32 s7, s30;
	s18 =	sand.u32 $0x380, s29;
	[sflag:s12] =	ssyncadd.s32 $0xFFFFFF80  }
0x60: {  	[spmem:s2] =	stream.indirect.scatter.add.f32 [tilespmem:s15], [sflag:$0x8], $0x80, s1, s21, $0xb8;
	[tilespmem:$0x1E600] =	vst v63  }
0x61: {  	s19 =	simm.s32 $0x13DC0;
	s18 =	sor.u32 s18, s20;
	_ =	swait.ge [sflag:s13], $0x2000  }
0x62: {  	s20 =	simm.s32 $0x13E00;
	s8 =	simm.s32 $0x580;
	[sflag:s13] =	ssyncset.done $0x0  }
.LBB2_2:
0x63: {  	s14 =	sadd.s32 $0xC0, s20;
	[sflag:s13] =	ssyncadd.s32 $0xFFFFE000;
	s22 =	sshrl.u32 s18, $0x3  }
0x64: {  	s18 =	smov.u32 s8;
	s16 =	simm.s32 $0x1C600;
	p0 =	sne.s32 s8, $0x4F80  }
0x65: {  	[tilespmem:s16], [sflag:$0x4] =	stream.indirect.gather [hbm4b:s4+s21], $0x80, s19, s21, $0xb8;
	[tilespmem:$0x1E600] =	vst v63  }
0x66: {  	s8 =	sadd.s32 $0x200, s8;
	s0 =	simm.s32 $0x1;
	s19 =	sadd.s32 s5, s22  }
0x67: {  	[tilespmem:s24], [sflag:$0xC] =	stream.linear.gather [hbm4b:s19+s3], $0x80, $0x38;
	[tilespmem:$0x1E600] =	vst v63  }
0x68: {  	s19 =	smov.u32 s14;
	_ =	swait.ge [sflag:s0], $0x2000  }
0x69: {  	[sflag:s0] =	ssyncset.done $0x0  }
0x6a: {  	s23 =	simm.s32 $0x16600;
	[sflag:s0] =	ssyncadd.s32 $0xFFFFE000;
	s0 =	simm.s32 $0x9  }
0x6b: {  	s29 =	simm.s32 $0x16400;
	s14 =	sadd.s32 $0xFFFFFE80, s18;
	_ =	swait.ge [sflag:s0], $0x80  }
0x6c: {  	s22 =	sand.u32 $0xFC00, s14;
	s14 =	sand.u32 $0x200, s14;
	[sflag:s0] =	ssyncset.done $0x0  }
0x6d: {  	s22 =	sadd.s32 s7, s22;
	[sflag:s0] =	ssyncadd.s32 $0xFFFFFF80;
	s0 =	simm.s32 $0x5  }
0x6e: {  	[spmem:s2] =	stream.indirect.scatter.add.f32 [tilespmem:s23], [sflag:$0x5], $0x80, s29, s21, $0xb8;
	[tilespmem:$0x1E600] =	vst v63  }
0x6f: {  	s14 =	sor.u32 s14, s22;
	_ =	swait.ge [sflag:s0], $0x2000  }
0x70: {  	s14 =	sshrl.u32 s14, $0x3;
	[sflag:s0] =	ssyncset.done $0x0  }
0x71: {  	[sflag:s0] =	ssyncadd.s32 $0xFFFFE000  }
0x72: {  	[tilespmem:s23], [sflag:$0x1] =	stream.indirect.gather [hbm4b:s4+s21], $0x80, s20, s21, $0xb8;
	[tilespmem:$0x1E600] =	vst v63  }
0x73: {  	s14 =	sadd.s32 s5, s14  }
0x74: {  	[tilespmem:s29], [sflag:$0x9] =	stream.linear.gather [hbm4b:s14+s3], $0x80, $0x38;
	[tilespmem:$0x1E600] =	vst v63  }
0x75: {  	_ =	swait.ge [sflag:s28], $0x2000  }
0x76: {  	[sflag:s28] =	ssyncset.done $0x0  }
0x77: {  	[sflag:s28] =	ssyncadd.s32 $0xFFFFE000  }
0x78: {  	_ =	swait.ge [sflag:s31], $0x80  }
0x79: {  	s30 =	simm.s32 $0x18600;
	s14 =	sadd.s32 $0xFFFFFF00, s18;
	[sflag:s31] =	ssyncset.done $0x0  }
0x7a: {  	s1 =	simm.s32 $0x16480;
	s22 =	sand.u32 $0xFC00, s14;
	[sflag:s31] =	ssyncadd.s32 $0xFFFFFF80  }
0x7b: {  	[spmem:s2] =	stream.indirect.scatter.add.f32 [tilespmem:s30], [sflag:$0x6], $0x80, s1, s21, $0xb8;
	[tilespmem:$0x1E600] =	vst v63  }
0x7c: {  	s14 =	sand.u32 $0x280, s14;
	s22 =	sadd.s32 s7, s22;
	_ =	swait.ge [sflag:s6], $0x2000  }
0x7d: {  	s23 =	sadd.s32 $0x40, s20;
	s14 =	sor.u32 s14, s22;
	[sflag:s6] =	ssyncset.done $0x0  }
0x7e: {  	s29 =	simm.s32 $0x18600;
	s14 =	sshrl.u32 s14, $0x3;
	[sflag:s6] =	ssyncadd.s32 $0xFFFFE000  }
0x7f: {  	[tilespmem:s30], [sflag:$0x2] =	stream.indirect.gather [hbm4b:s4+s21], $0x80, s23, s21, $0xb8;
	[tilespmem:$0x1E600] =	vst v63  }
0x80: {  	s14 =	sadd.s32 s5, s14;
	s30 =	simm.s32 $0x16480  }
0x81: {  	[tilespmem:s1], [sflag:$0xA] =	stream.linear.gather [hbm4b:s14+s3], $0x80, $0x38;
	[tilespmem:$0x1E600] =	vst v63  }
0x82: {  	_ =	swait.ge [sflag:s9], $0x2000  }
0x83: {  	[sflag:s9] =	ssyncset.done $0x0  }
0x84: {  	[sflag:s9] =	ssyncadd.s32 $0xFFFFE000  }
0x85: {  	_ =	swait.ge [sflag:s10], $0x80  }
0x86: {  	s15 =	simm.s32 $0x16500;
	[sflag:s10] =	ssyncset.done $0x0  }
0x87: {  	s0 =	simm.s32 $0x1A600;
	s14 =	sadd.s32 $0xFFFFFF80, s18;
	[sflag:s10] =	ssyncadd.s32 $0xFFFFFF80  }
0x88: {  	[spmem:s2] =	stream.indirect.scatter.add.f32 [tilespmem:s0], [sflag:$0x7], $0x80, s15, s21, $0xb8;
	[tilespmem:$0x1E600] =	vst v63  }
0x89: {  	s22 =	sand.u32 $0xFC00, s14;
	s14 =	sand.u32 $0x300, s14;
	_ =	swait.ge [sflag:s11], $0x2000  }
0x8a: {  	s23 =	sadd.s32 $0x80, s20;
	s22 =	sadd.s32 s7, s22;
	[sflag:s11] =	ssyncset.done $0x0  }
0x8b: {  	s1 =	simm.s32 $0x1A600;
	s14 =	sor.u32 s14, s22;
	[sflag:s11] =	ssyncadd.s32 $0xFFFFE000  }
0x8c: {  	[tilespmem:s0], [sflag:$0x3] =	stream.indirect.gather [hbm4b:s4+s21], $0x80, s23, s21, $0xb8;
	[tilespmem:$0x1E600] =	vst v63  }
0x8d: {  	s14 =	sshrl.u32 s14, $0x3  }
0x8e: {  	s14 =	sadd.s32 s5, s14;
	s0 =	simm.s32 $0x16500  }
0x8f: {  	[tilespmem:s15], [sflag:$0xB] =	stream.linear.gather [hbm4b:s14+s3], $0x80, $0x38;
	[tilespmem:$0x1E600] =	vst v63  }
0x90: {  	_ =	swait.ge [sflag:s17], $0x2000  }
0x91: {  	[sflag:s17] =	ssyncset.done $0x0  }
0x92: {  	[sflag:s17] =	ssyncadd.s32 $0xFFFFE000  }
0x93: {  	_ =	swait.ge [sflag:s12], $0x80  }
.Ltmp0:
0x94: {  	[sflag:s12] =	ssyncset.done $0x0;
	(pc) =	sbr.rel @p0 .LBB2_2-.Ltmp0, $4  }
0x95: {  	s14 =	sand.u32 $0xFC00, s18;
	[sflag:s12] =	ssyncadd.s32 $0xFFFFFF80  }
0x96: {  	[spmem:s2] =	stream.indirect.scatter.add.f32 [tilespmem:s16], [sflag:$0x8], $0x80, s24, s21, $0xb8;
	[tilespmem:$0x1E600] =	vst v63  }
0x97: {  	s18 =	sand.u32 $0x380, s18;
	s14 =	sadd.s32 s7, s14;
	_ =	swait.ge [sflag:s13], $0x2000  }
0x98: {  	s20 =	sadd.s32 $0x100, s20;
	s18 =	sor.u32 s18, s14;
	[sflag:s13] =	ssyncset.done $0x0  }
0x99: {  	[sflag:s13] =	ssyncadd.s32 $0xFFFFE000;
	s14 =	simm.s32 $0x1C600;
	s8 =	sshrl.u32 s18, $0x3  }
0x9a: {  	[tilespmem:s14], [sflag:$0x4] =	stream.indirect.gather [hbm4b:s4+s21], $0x80, s19, s21, $0xb8;
	[tilespmem:$0x1E600] =	vst v63  }
0x9b: {  	s15 =	simm.s32 $0x16580;
	s16 =	simm.s32 $0x1;
	s8 =	sadd.s32 s5, s8  }
0x9c: {  	[tilespmem:s15], [sflag:$0xC] =	stream.linear.gather [hbm4b:s8+s3], $0x80, $0x38;
	[tilespmem:$0x1E600] =	vst v63  }
0x9d: {  	_ =	swait.ge [sflag:s16], $0x2000  }
0x9e: {  	[sflag:s16] =	ssyncset.done $0x0  }
0x9f: {  	s18 =	simm.s32 $0x9;
	[sflag:s16] =	ssyncadd.s32 $0xFFFFE000  }
0xa0: {  	_ =	swait.ge [sflag:s18], $0x80  }
0xa1: {  	[sflag:s18] =	ssyncset.done $0x0  }
0xa2: {  	s19 =	simm.s32 $0x5;
	[sflag:s18] =	ssyncadd.s32 $0xFFFFFF80  }
0xa3: {  	[spmem:s2] =	stream.indirect.scatter.add.f32 [tilespmem:s25], [sflag:$0x5], $0x80, s26, s21, $0xb8;
	[tilespmem:$0x1E600] =	vst v63  }
0xa4: {  	_ =	swait.ge [sflag:s19], $0x2000  }
0xa5: {  	[sflag:s19] =	ssyncset.done $0x0  }
0xa6: {  	[sflag:s19] =	ssyncadd.s32 $0xFFFFE000  }
0xa7: {  	_ =	swait.ge [sflag:s28], $0x2000  }
0xa8: {  	[sflag:s28] =	ssyncset.done $0x0  }
0xa9: {  	[sflag:s28] =	ssyncadd.s32 $0xFFFFE000  }
0xaa: {  	_ =	swait.ge [sflag:s31], $0x80  }
0xab: {  	[sflag:s31] =	ssyncset.done $0x0  }
0xac: {  	[sflag:s31] =	ssyncadd.s32 $0xFFFFFF80  }
0xad: {  	[spmem:s2] =	stream.indirect.scatter.add.f32 [tilespmem:s29], [sflag:$0x6], $0x80, s30, s21, $0xb8;
	[tilespmem:$0x1E600] =	vst v63  }
0xae: {  	_ =	swait.ge [sflag:s6], $0x2000  }
0xaf: {  	[sflag:s6] =	ssyncset.done $0x0  }
0xb0: {  	[sflag:s6] =	ssyncadd.s32 $0xFFFFE000  }
0xb1: {  	_ =	swait.ge [sflag:s9], $0x2000  }
0xb2: {  	[sflag:s9] =	ssyncset.done $0x0  }
0xb3: {  	[sflag:s9] =	ssyncadd.s32 $0xFFFFE000  }
0xb4: {  	_ =	swait.ge [sflag:s10], $0x80  }
0xb5: {  	[sflag:s10] =	ssyncset.done $0x0  }
0xb6: {  	[sflag:s10] =	ssyncadd.s32 $0xFFFFFF80  }
0xb7: {  	[spmem:s2] =	stream.indirect.scatter.add.f32 [tilespmem:s1], [sflag:$0x7], $0x80, s0, s21, $0xb8;
	[tilespmem:$0x1E600] =	vst v63  }
0xb8: {  	_ =	swait.ge [sflag:s11], $0x2000  }
0xb9: {  	[sflag:s11] =	ssyncset.done $0x0  }
0xba: {  	[sflag:s11] =	ssyncadd.s32 $0xFFFFE000  }
0xbb: {  	_ =	swait.ge [sflag:s17], $0x2000  }
0xbc: {  	[sflag:s17] =	ssyncset.done $0x0  }
0xbd: {  	[sflag:s17] =	ssyncadd.s32 $0xFFFFE000  }
0xbe: {  	_ =	swait.ge [sflag:s12], $0x80  }
0xbf: {  	[sflag:s12] =	ssyncset.done $0x0  }
0xc0: {  	[sflag:s12] =	ssyncadd.s32 $0xFFFFFF80  }
0xc1: {  	[spmem:s2] =	stream.indirect.scatter.add.f32 [tilespmem:s14], [sflag:$0x8], $0x80, s15, s21, $0xb8;
	[tilespmem:$0x1E600] =	vst v63  }
0xc2: {  	_ =	swait.ge [sflag:s13], $0x2000  }
0xc3: {  	[sflag:s13] =	ssyncset.done $0x0  }
0xc4: {  	[sflag:s13] =	ssyncadd.s32 $0xFFFFE000  }
0xc5: {  	[bflag:$0x0] =	sbarrier.arrive $0xFFFF  }
0xc6: {  	s20 =	rddreg [dreg:$0x9]  }
0xc7: {  	s22 =	rddreg [dreg:$0xb]  }
0xc8: {  	s23 =	rddreg [dreg:$0xc]  }
0xc9: {  	[hbm:s20], [sflag:s22] =	dma.local [spmem:s23], $0x2780  }
0xca: {  	s20 =	simm.s32 $0xD  }
0xcb: {  	_ =	swait.ge [sflag:s20], $0x2780  }
0xcc: {  	s29 =	rddreg [dreg:$0xd]  }
0xcd: {  	s30 =	rddreg [dreg:$0xa];
	s0 =	sadd.s32 $0x1, s29  }
0xce: {  	p0 =	sne.s32 s0, s30  }
.Ltmp1:
0xcf: {  	_ = 	snop;
	(pc) =	sbr.rel @p0 .LBB2_1-.Ltmp1, $3  }
0xd0: {  	_ =	sdelay $0x1  }
0xd1: {  	[sflag:s20] =	ssyncset.done $0x0  }
0xd2: {  	[sflag:s20] =	ssyncadd.s32 $0xFFFFD880  }
0xd3: {  	_ =	sfence.sel $0x180000  }
0xd4: {  	[bflag:$0x0] =	sbarrier.arrive $0xFFFF  }
0xd5: {  	_ =	strace $0x9000004A  }
0xd6: {  	s0 =	stileid.u32;
	[bflag:$0x2] =	sbarrier.arrive $0xFFFF  }
0xd7: {  	p0 =	sne.s32 s0, $0x0;
	s0 =	rddreg [dreg:$0x2]  }
0xd8: {  	s0 =	sadd.s32 @!p0 $0x100000, s0  }
0xd9: {  	[sflag:s0] =	ssyncadd.tile.s32 @!p0 $0x1;
	_ =	shalt  }
.Lfunc_end2:
_tile_overlayer_lowered:
.L_overlay_start_2:
0xda: {  	(tag) =	ssettag $0x2  }
0xdb: {  	s0 =	rddreg [dreg:$0x0];
	s2 =	stileid.u32  }
0xdc: {  	s1 =	rddreg [dreg:$0x1];
	p0 =	sne.s32 s2, $0x0  }
0xdd: {  	s3 =	rddreg [dreg:$0x2];
	[bflag:$0x3] =	sbarrier.arrive $0xFFFF;
	s2 =	simm.s32 @!p0 $0x1C0D  }
0xde: {  	[timem:s3], [sflag:s2] =	dma.local @!p0 [hbm:s0], s1  }
0xdf: {  	s0 =	simm.s32 @!p0 $0xD  }
0xe0: {  	_ =	swait.ge @!p0 [sflag:s0], s1  }
0xe1: {  	s1 =	ssub.s32 @!p0 $0x0, s1;
	[sflag:s0] =	ssyncset.done @!p0 $0x0  }
0xe2: {  	[sflag:s0] =	ssyncadd.s32 @!p0 s1  }
0xe3: {  	[bflag:$0x3] =	sbarrier.arrive $0xFFFF  }
0xe4: {  	_ =	shalt  }

// kernel: kernel.7.cloned.1.call-start
scs
__scs_entry_jumppad:
0x0: {  	(pc) =	sbr.rel $0x88, $3  }
0x1: {  	(tag) =	ssettag $0x0;
	lr =	simm.s32 $0x1  }
0x2: {  	[smem:$0x3F97] =	sst lr;
	_ =	strace $0xD0000000  }
0x3: {  	_ = 	snop  }
0x4: {  	_ = 	snop  }
0x5: {  	_ = 	snop  }
0x6: {  	_ = 	snop  }
0x7: {  	_ = 	snop  }
__scs_overlays_trampoline_lowered:
0x8: {  	[smem:$0x3FA6] =	sst s0  }
0x9: {  	[smem:$0x3FA7] =	sst s1  }
0xa: {  	[smem:$0x3FA8] =	sst s2  }
0xb: {  	[smem:$0x3FA9] =	sst s3  }
0xc: {  	[smem:$0x3FAA] =	sst s4  }
0xd: {  	[smem:$0x3FAB] =	sst s5  }
0xe: {  	[smem:$0x3FAC] =	sst s6  }
0xf: {  	[smem:$0x3FAD] =	sst s7  }
0x10: {  	[smem:$0x3FAE] =	sst s8  }
0x11: {  	[smem:$0x3FAF] =	sst s9;
	s0 =	simm.s32 @!p0 $0x0  }
0x12: {  	s1 =	sld [smem:$0x3F95];
	s0 =	simm.s32 @p0 $0x1  }
0x13: {  	[smem:$0x3FB0] =	sst s0;
	s0 =	simm.s32 @!p1 $0x0  }
0x14: {  	s2 =	sld [smem:$0x3F94];
	s0 =	simm.s32 @p1 $0x1  }
0x15: {  	[smem:$0x3FB1] =	sst s0;
	s0 =	simm.s32 @!p2 $0x0  }
0x16: {  	s3 =	sld [smem:$0x3FDB];
	s0 =	simm.s32 @p2 $0x1  }
0x17: {  	s4 =	simm.s32 $0x1BF5;
	[smem:$0x3FB3] =	sst s0  }
0x18: {  	s0 =	sld [smem:$0x3F96];
	_ =	swait.ge [sflag:s4], $0x0  }
0x19: {  	s7 =	sld [smem:$0x3F97]  }
0x1a: {  	s8 =	sadd.s32 $0xFFFFE003, lr  }
0x1b: {  	s9 =	sadd.s32 $0xFFFFFEF7, lr;
	s5 =	simm.s32 $0xFFFFFFFF;
	p2 =	slt.u32 s8, $0xFFFFF086  }
0x1c: {  	p1 =	slt.u32 s9, $0xF7A;
	s5 =	simm.s32 @!p2 $0x0  }
0x1d: {  	s5 =	simm.s32 @p1 $0x1;
	p0 =	seq.s32 s7, s2  }
0x1e: {  	s7 =	smul.u32 @!p0 $0xF7A, s2;
	p2 =	seq.s32 @!p0 s5, $0x0  }
0x1f: {  	s9 =	smul.u32 $0xF7A, s1;
	s8 =	simm.s32 @!p0 $0x1BF5;
	p2 =	por !p2, p0  }
0x20: {  	[sflag:s8] =	ssyncset.s32 @!p0 $0xFFFFF086;
	s6 =	sadd.s32 @!p0 s3, s7;
	s7 =	simm.s32 @!p0 $0x108  }
0x21: {  	s3 =	sadd.s32 s3, s9;
	s6 =	sadd.s32 @!p0 $0x88, s6;
	s7 =	simm.s32 @p2 $0x1082  }
0x22: {  	[simem:s7], [sflag:s8] =	dma.local @!p0 [hbm:s6], $0xF7A  }
0x23: {  	s9 =	sor.u32 $0xD0000000, s2;
	s6 =	simm.s32 $0x108;
	_ =	swait.ge @!p0 [sflag:s8], $0x0  }
0x24: {  	s3 =	sadd.s32 $0x88, s3;
	s6 =	simm.s32 @!p1 $0x1082;
	[sflag:s4] =	ssyncset.s32 $0xFFFFF086  }
0x25: {  	[simem:s6], [sflag:s4] =	dma.local [hbm:s3], $0xF7A  }
0x26: {  	[smem:$0x3F97] =	sst s1;
	(tag) =	ssettag s2;
	_ =	strace s9  }
0x27: {  	s1 =	sld [smem:$0x3FA7]  }
0x28: {  	s2 =	sld [smem:$0x3FA8]  }
0x29: {  	s4 =	sld [smem:$0x3FAA]  }
0x2a: {  	p0 =	seq.s32 s5, $0x0;
	s5 =	sld [smem:$0x3FAB]  }
0x2b: {  	s6 =	sld [smem:$0x3FAC]  }
0x2c: {  	s7 =	sld [smem:$0x3FAD]  }
0x2d: {  	s3 =	simm.s32 $0x108;
	s8 =	sld [smem:$0x3FAE]  }
0x2e: {  	s3 =	simm.s32 @!p0 $0x1082;
	s9 =	sld [smem:$0x3FAF]  }
0x2f: {  	lr =	sadd.s32 s0, s3;
	s0 =	sld [smem:$0x3FA6]  }
0x30: {  	s3 =	sld [smem:$0x3FA9]  }
0x31: {  	[smem:$0x3FB2] =	sst s10  }
0x32: {  	s10 =	sld [smem:$0x3FB0];
	_ =	sdelay $0x3  }
0x33: {  	p0 =	seq.s32 s10, $0x1;
	s10 =	sld [smem:$0x3FB2];
	_ =	sdelay $0x3  }
0x34: {  	[smem:$0x3FB2] =	sst s10  }
0x35: {  	s10 =	sld [smem:$0x3FB1];
	_ =	sdelay $0x3  }
0x36: {  	p1 =	seq.s32 s10, $0x1;
	s10 =	sld [smem:$0x3FB2];
	_ =	sdelay $0x3  }
0x37: {  	[smem:$0x3FB2] =	sst s10  }
0x38: {  	s10 =	sld [smem:$0x3FB3]  }
0x39: {  	_ = 	snop;
	(pc) =	sbr.ind lr, $3  }
0x3a: {  	_ = 	snop  }
0x3b: {  	_ = 	snop  }
0x3c: {  	p2 =	seq.s32 s10, $0x1;
	s10 =	sld [smem:$0x3FB2]  }
0x3d: {  	_ =	shalt  }
0x3e: {  	_ =	shalt  }
0x3f: {  	_ =	shalt  }
0x40: {  	_ =	shalt  }
0x41: {  	_ =	shalt  }
0x42: {  	_ =	shalt  }
0x43: {  	_ =	shalt  }
0x44: {  	_ =	shalt  }
0x45: {  	_ =	shalt  }
0x46: {  	_ =	shalt  }
0x47: {  	_ =	shalt  }
0x48: {  	_ =	shalt  }
0x49: {  	_ =	shalt  }
0x4a: {  	_ =	shalt  }
0x4b: {  	_ =	shalt  }
0x4c: {  	_ =	shalt  }
0x4d: {  	_ =	shalt  }
0x4e: {  	_ =	shalt  }
0x4f: {  	_ =	shalt  }
0x50: {  	_ =	shalt  }
0x51: {  	_ =	shalt  }
0x52: {  	_ =	shalt  }
0x53: {  	_ =	shalt  }
0x54: {  	_ =	shalt  }
0x55: {  	_ =	shalt  }
0x56: {  	_ =	shalt  }
0x57: {  	_ =	shalt  }
0x58: {  	_ =	shalt  }
0x59: {  	_ =	shalt  }
0x5a: {  	_ =	shalt  }
0x5b: {  	_ =	shalt  }
0x5c: {  	_ =	shalt  }
0x5d: {  	_ =	shalt  }
0x5e: {  	_ =	shalt  }
0x5f: {  	_ =	shalt  }
0x60: {  	_ =	shalt  }
0x61: {  	_ =	shalt  }
0x62: {  	_ =	shalt  }
0x63: {  	_ =	shalt  }
0x64: {  	_ =	shalt  }
0x65: {  	_ =	shalt  }
0x66: {  	_ =	shalt  }
0x67: {  	_ =	shalt  }
0x68: {  	_ =	shalt  }
0x69: {  	_ =	shalt  }
0x6a: {  	_ =	shalt  }
0x6b: {  	_ =	shalt  }
0x6c: {  	_ =	shalt  }
0x6d: {  	_ =	shalt  }
0x6e: {  	_ =	shalt  }
0x6f: {  	_ =	shalt  }
0x70: {  	_ =	shalt  }
0x71: {  	_ =	shalt  }
0x72: {  	_ =	shalt  }
0x73: {  	_ =	shalt  }
0x74: {  	_ =	shalt  }
0x75: {  	_ =	shalt  }
0x76: {  	_ =	shalt  }
0x77: {  	_ =	shalt  }
0x78: {  	_ =	shalt  }
0x79: {  	_ =	shalt  }
0x7a: {  	_ =	shalt  }
0x7b: {  	_ =	shalt  }
0x7c: {  	_ =	shalt  }
0x7d: {  	_ =	shalt  }
0x7e: {  	_ =	shalt  }
0x7f: {  	_ =	shalt  }
0x80: {  	_ =	shalt  }
0x81: {  	_ =	shalt  }
0x82: {  	_ =	shalt  }
0x83: {  	_ =	shalt  }
0x84: {  	_ =	shalt  }
0x85: {  	_ =	shalt  }
0x86: {  	_ =	shalt  }
0x87: {  	_ =	shalt  }
.Lfunc_end0:
.L_simem_size_0:
called_computation_lowered:
.L_overlay_start_0:
0x88: {  	s2 =	sld [smem:$0x3FD9]  }
0x89: {  	s3 =	sld [smem:$0x3FFE];
	_ =	sdelay $0x1  }
0x8a: {  	s1 =	srdreg.scid  }
0x8b: {  	s0 =	sand.u32 $0x1, s1  }
0x8c: {  	s16 =	sshll.u32 s0, $0xA;
	s2 =	sadd.s32 s3, s2  }
0x8d: {  	s2 =	sadd.s32 s2, s16  }
0x8e: {  	[smem:$0x3FBE] =	sst s2  }
0x8f: {  	_ = 	snop  }
0x90: {  	(tm) =	ssettm $0x1  }
0x91: {  	s17 =	sld [smem:$0x3FFB];
	_ =	sdelay $0x3  }
0x92: {  	_ =	strace s17  }
0x93: {  	s2 =	sld [smem:$0x3FFC];
	_ =	sdelay $0x3  }
0x94: {  	_ =	strace s2  }
0x95: {  	s2 =	sld [smem:$0x3FFD];
	_ =	sdelay $0x3  }
0x96: {  	_ =	strace s2  }
0x97: {  	_ =	strace $0x8FFFFFFF  }
0x98: {  	s18 =	sld [smem:$0x3FDB];
	_ =	sdelay $0x1  }
0x99: {  	s19 =	simm.s32 $_scs_section_size  }
0x9a: {  	s4 =	simm.s32 $_size__tile_overlayer_lowered;
	s5 =	simm.s32 $_tile_overlayer_lowered  }
0x9b: {  	s22 =	simm.s32 $0x1BFF;
	s21 =	sshll.u32 s5, $0x1;
	s2 =	sadd.s32 s19, s18  }
0x9c: {  	s6 =	simm.s32 $0x0;
	s20 =	sshll.u32 s4, $0x1;
	s4 =	sadd.s32 s21, s2  }
0x9d: {  	[timem:s6], [sflag:s22] =	dma.local [hbm:s4], s20  }
0x9e: {  	_ =	swait.ge [sflag:s22], s20  }
0x9f: {  	s3 =	ssub.s32 $0x0, s20;
	[sflag:s22] =	ssyncset.done $0x0  }
0xa0: {  	[sflag:s22] =	ssyncadd.s32 s3;
	_ =	sdelay $0x1  }
0xa1: {  	s23 =	simm.s32 $0x1B8B  }
0xa2: {  	_ =	swait.ge [sflag:s23], $0x1  }
0xa3: {  	[sflag:s23] =	ssyncset.done $0x0  }
0xa4: {  	s25 =	simm.s32 $0x1B8E;
	s24 =	sld [smem:$0x3FFE];
	[sflag:s23] =	ssyncadd.s32 $0xFFFFFFFF  }
0xa5: {  	s26 =	simm.s32 $execute0_lowered;
	[smem:$0x3FD2] =	sst s25  }
0xa6: {  	s4 =	sshll.u32 s26, $0x1;
	_ =	strace $0x80000046;
	[dreg:$0x1] =	wrdreg $0xFFFFFFFF  }
0xa7: {  	s28 =	simm.s32 $_size_execute0_lowered;
	s2 =	sadd.s32 s2, s4;
	[dreg:$0x0] =	wrdreg $0x0  }
0xa8: {  	s4 =	sshll.u32 s28, $0x1;
	[dreg:$0x2] =	wrdreg s2  }
0xa9: {  	[dreg:$0x3] =	wrdreg s4  }
0xaa: {  	[dreg:$0x4] =	wrdreg $0xC0  }
0xab: {  	_ =	task [dreg:s6], $0x5FFFF  }
0xac: {  	[dreg:$0x1] =	wrdreg $0xFFFFFFFF  }
0xad: {  	[dreg:$0x0] =	wrdreg $0x60  }
0xae: {  	[dreg:$0x2] =	wrdreg s24  }
0xaf: {  	[dreg:$0x3] =	wrdreg $0x0  }
0xb0: {  	[dreg:$0x4] =	wrdreg $0x9  }
0xb1: {  	_ =	task.clear_ibuf [dreg:s6], $0x5FFFF;
	_ =	strace $0x90000046  }
0xb2: {  	s29 =	simm.s32 $0x9;
	_ =	strace $0x80000048  }
0xb3: {  	_ =	swait.ge [sflag:s29], $0x1  }
0xb4: {  	[sflag:s29] =	ssyncadd.s32 $0xFFFFFFFF  }
0xb5: {  	_ =	strace $0x90000048  }
0xb6: {  	_ =	sfence  }
0xb7: {  	s30 =	sld [smem:$0x0];
	_ =	sdelay $0x2  }
0xb8: {  	s31 =	sshll.u32 s1, $0xD;
	s1 =	sshrl.u32 s1, $0x2  }
0xb9: {  	s3 =	sand.u32 $0x4000, s31;
	s1 =	sadd.s32 s1, s30  }
0xba: {  	s0 =	sor.u32 s3, s0;
	s1 =	sshll.u32 s1, $0x11  }
0xbb: {  	s0 =	sor.u32 s1, s0  }
0xbc: {  	s0 =	sadd.s32 $0x8F2B, s0  }
0xbd: {  	[sflag:s0] =	ssyncadd.remote.s32 $0x1  }
0xbe: {  	_ =	sfence.sel $0xFFFF  }
0xbf: {  	[dreg:$0x0] =	wrdreg $0xFFFFFFFF;
	(pc) =	sbr.abs _section_cstart, $3  }
0xc0: {  	[dreg:$0x1] =	wrdreg $0xFFFFFFFF  }
0xc1: {  	_ =	task.clear_ibuf [dreg:s6], $0x2FFFF;
	_ =	strace $0x9FFFFFFF  }
0xc2: {  	(tm) =	ssettm $0x7FFFFFFF  }
0xc3: {  	_ =	shalt  }
tec
execute0_lowered:
.L_overlay_start_1:
0x0: {  	(tag) =	ssettag $0x1  }
0x1: {  	s0 =	srdreg.scid;
	s6 =	rddreg [dreg:$0x0]  }
0x2: {  	s11 =	stileid.u32;
	s2 =	rddreg [dreg:$0x1];
	s28 =	simm.s32 $0x2  }
0x3: {  	s31 =	simm.s32 $0xA;
	s17 =	simm.s32 $0x4;
	s12 =	simm.s32 $0xC  }
0x4: {  	s13 =	simm.s32 $0x8;
	s0 =	sand.u32 $0x1, s0;
	s8 =	smul.u32 $0x13C00, s11  }
0x5: {  	s5 =	sshll.u32 s11, $0x7;
	s10 =	sadd.s32 $0x47A00, s6;
	s21 =	smul.u32 $0x4F000, s11  }
0x6: {  	s30 =	sshll.u32 s11, $0x6;
	s1 =	sshll.u32 s0, $0x4;
	s5 =	sand.u32 $0x380, s5  }
0x7: {  	s7 =	smul.u32 $0x13C000, s0;
	s0 =	ssub.s32 $0x2, s0;
	s1 =	sor.u32 s11, s1  }
0x8: {  	s22 =	sshrl.u32 s0, $0x1;
	s24 =	sshrl.u32 s21, $0x2;
	s21 =	simm.s32 $0x40  }
0x9: {  	s11 =	simm.s32 $0x7;
	s3 =	sshrl.u32 s1, $0x3;
	s8 =	sadd.s32 s8, s7  }
0xa: {  	s7 =	smul.u32 $0x5000, s1;
	s0 =	ssub.s32 s0, s22;
	s22 =	sor.u32 $0x1C0D, s30  }
0xb: {  	s4 =	smul.u32 $0x14000, s3;
	s3 =	simm.s32 $0x0;
	s20 =	sshrl.u32 s8, $0x3  }
0xc: {  	s0 =	smax.u32 s0, $0x1;
	[smem:$0x7FF] =	sst s3;
	s1 =	sadd.s32 s20, s6  }
0xd: {  	s23 =	sshrl.u32 s7, $0x3;
	s20 =	simm.s32 $0xD;
	s4 =	sor.u32 s5, s4  }
0xe: {  	_ =	strace $0x80000047;
	[dreg:$0x3] =	wrdreg s10;
	s1 =	sadd.s32 $0x4A200, s1  }
0xf: {  	[dreg:$0xa] =	wrdreg s0;
	s10 =	simm.s32 $0xB;
	s5 =	sshrl.u32 s4, $0x3  }
0x10: {  	[dreg:$0xb] =	wrdreg s22;
	s4 =	sadd.s32 $0x20800, s6;
	s9 =	sadd.s32 s5, s6  }
0x11: {  	[dreg:$0x9] =	wrdreg s1;
	s5 =	sadd.s32 $0x2800, s6;
	s9 =	sadd.s32 $0x16800, s9  }
0x12: {  	s6 =	sadd.s32 s24, s2;
	s25 =	sadd.s32 s5, s23;
	[dreg:$0x5] =	wrdreg s9  }
0x13: {  	s0 =	simm.s32 $0x0;
	s23 =	sshrl.u32 s6, $0x3;
	[dreg:$0x4] =	wrdreg s25  }
0x14: {  	s24 =	simm.s32 $0x16580;
	s26 =	sadd.s32 $0x10, s25;
	[dreg:$0xc] =	wrdreg s23  }
0x15: {  	s6 =	simm.s32 $0x6;
	s29 =	sadd.s32 $0x20, s25;
	[dreg:$0x6] =	wrdreg s26  }
0x16: {  	s8 =	sadd.s32 $0x30, s25;
	s9 =	simm.s32 $0x3;
	[dreg:$0x7] =	wrdreg s29  }
0x17: {  	s25 =	simm.s32 $0x16600;
	[dreg:$0x8] =	wrdreg s8;
	s26 =	simm.s32 $0x16400  }
.LBB2_1:
0x18: {  	[dreg:$0xd] =	wrdreg s0  }
0x19: {  	s8 =	rddreg [dreg:$0x5]  }
0x1a: {  	s14 =	simm.s32 $0x80;
	s18 =	simm.s32 $0x400;
	s19 =	simm.s32 $0x13C00  }
0x1b: {  	[tilespmem:s19], [sflag:$0xD] =	stream.strided.gather [hbm4b:s8+s14], $0x2800, s18, s14, $0x38;
	[tilespmem:$0x1E600] =	vst v63  }
0x1c: {  	_ =	swait.ge [sflag:s20], $0x2800  }
0x1d: {  	[sflag:s20] =	ssyncset.done $0x0  }
0x1e: {  	s29 =	rddreg [dreg:$0x3];
	[sflag:s20] =	ssyncadd.s32 $0xFFFFD800  }
0x1f: {  	[spmem:s23], [sflag:s22] =	dma.local [hbm:s29], $0x2780  }
0x20: {  	_ =	swait.ge [sflag:s20], $0x2780  }
0x21: {  	[sflag:s20] =	ssyncset.done $0x0  }
0x22: {  	[sflag:s20] =	ssyncadd.s32 $0xFFFFD880  }
0x23: {  	s14 =	simm.s32 $0x16600;
	[bflag:$0x0] =	sbarrier.arrive $0xFFFF  }
0x24: {  	[tilespmem:s14], [sflag:$0x1] =	stream.indirect.gather [hbm4b:s4+s21], $0x80, s19, s21, $0xb8;
	[tilespmem:$0x1E600] =	vst v63  }
0x25: {  	s30 =	rddreg [dreg:$0x4];
	s19 =	simm.s32 $0x16400  }
0x26: {  	[tilespmem:s19], [sflag:$0x9] =	stream.linear.gather [hbm4b:s30+s3], $0x80, $0x38;
	[tilespmem:$0x1E600] =	vst v63  }
0x27: {  	s0 =	simm.s32 $0x13C40;
	s20 =	simm.s32 $0x18600  }
0x28: {  	[tilespmem:s20], [sflag:$0x2] =	stream.indirect.gather [hbm4b:s4+s21], $0x80, s0, s21, $0xb8;
	[tilespmem:$0x1E600] =	vst v63  }
0x29: {  	s22 =	simm.s32 $0x16480;
	s1 =	rddreg [dreg:$0x6]  }
0x2a: {  	[tilespmem:s22], [sflag:$0xA] =	stream.linear.gather [hbm4b:s1+s3], $0x80, $0x38;
	[tilespmem:$0x1E600] =	vst v63  }
0x2b: {  	s23 =	simm.s32 $0x1A600;
	s1 =	simm.s32 $0x13C80  }
0x2c: {  	[tilespmem:s23], [sflag:$0x3] =	stream.indirect.gather [hbm4b:s4+s21], $0x80, s1, s21, $0xb8;
	[tilespmem:$0x1E600] =	vst v63  }
0x2d: {  	s15 =	rddreg [dreg:$0x7];
	s0 =	simm.s32 $0x16500  }
0x2e: {  	[tilespmem:s0], [sflag:$0xB] =	stream.linear.gather [hbm4b:s15+s3], $0x80, $0x38;
	[tilespmem:$0x1E600] =	vst v63  }
0x2f: {  	s16 =	simm.s32 $0x13CC0;
	s15 =	simm.s32 $0x1C600  }
0x30: {  	[tilespmem:s15], [sflag:$0x4] =	stream.indirect.gather [hbm4b:s4+s21], $0x80, s16, s21, $0xb8;
	[tilespmem:$0x1E600] =	vst v63  }
0x31: {  	s29 =	simm.s32 $0x1;
	s18 =	rddreg [dreg:$0x8];
	s1 =	simm.s32 $0x16580  }
0x32: {  	[tilespmem:s1], [sflag:$0xC] =	stream.linear.gather [hbm4b:s18+s3], $0x80, $0x38;
	[tilespmem:$0x1E600] =	vst v63  }
0x33: {  	_ =	swait.ge [sflag:s29], $0x2000  }
0x34: {  	[sflag:s29] =	ssyncset.done $0x0  }
0x35: {  	s16 =	simm.s32 $0x9;
	[sflag:s29] =	ssyncadd.s32 $0xFFFFE000  }
0x36: {  	s30 =	simm.s32 $0x200;
	_ =	swait.ge [sflag:s16], $0x80  }
0x37: {  	s8 =	sand.u32 $0x200, s30;
	[sflag:s16] =	ssyncset.done $0x0  }
0x38: {  	s29 =	sand.u32 $0xFC00, s30;
	s30 =	simm.s32 $0x5;
	[sflag:s16] =	ssyncadd.s32 $0xFFFFFF80  }
0x39: {  	[spmem:s2] =	stream.indirect.scatter.add.f32 [tilespmem:s14], [sflag:$0x5], $0x80, s19, s21, $0xb8;
	[tilespmem:$0x1E600] =	vst v63  }
0x3a: {  	s18 =	sadd.s32 s7, s29;
	_ =	swait.ge [sflag:s30], $0x2000  }
0x3b: {  	s8 =	sor.u32 s8, s18;
	[sflag:s30] =	ssyncset.done $0x0  }
0x3c: {  	s29 =	simm.s32 $0x13D00;
	s8 =	sshrl.u32 s8, $0x3;
	[sflag:s30] =	ssyncadd.s32 $0xFFFFE000  }
0x3d: {  	[tilespmem:s14], [sflag:$0x1] =	stream.indirect.gather [hbm4b:s4+s21], $0x80, s29, s21, $0xb8;
	[tilespmem:$0x1E600] =	vst v63  }
0x3e: {  	s8 =	sadd.s32 s5, s8  }
0x3f: {  	[tilespmem:s19], [sflag:$0x9] =	stream.linear.gather [hbm4b:s8+s3], $0x80, $0x38;
	[tilespmem:$0x1E600] =	vst v63  }
0x40: {  	_ =	swait.ge [sflag:s28], $0x2000  }
0x41: {  	[sflag:s28] =	ssyncset.done $0x0  }
0x42: {  	[sflag:s28] =	ssyncadd.s32 $0xFFFFE000  }
0x43: {  	_ =	swait.ge [sflag:s31], $0x80  }
0x44: {  	s30 =	simm.s32 $0x280;
	[sflag:s31] =	ssyncset.done $0x0  }
0x45: {  	s14 =	sand.u32 $0xFC00, s30;
	[sflag:s31] =	ssyncadd.s32 $0xFFFFFF80  }
0x46: {  	[spmem:s2] =	stream.indirect.scatter.add.f32 [tilespmem:s20], [sflag:$0x6], $0x80, s22, s21, $0xb8;
	[tilespmem:$0x1E600] =	vst v63  }
0x47: {  	s18 =	sadd.s32 s7, s14;
	s8 =	sand.u32 $0x280, s30;
	_ =	swait.ge [sflag:s6], $0x2000  }
0x48: {  	s8 =	sor.u32 s8, s18;
	[sflag:s6] =	ssyncset.done $0x0  }
0x49: {  	s16 =	simm.s32 $0x13D40;
	s8 =	sshrl.u32 s8, $0x3;
	[sflag:s6] =	ssyncadd.s32 $0xFFFFE000  }
0x4a: {  	[tilespmem:s20], [sflag:$0x2] =	stream.indirect.gather [hbm4b:s4+s21], $0x80, s16, s21, $0xb8;
	[tilespmem:$0x1E600] =	vst v63  }
0x4b: {  	s8 =	sadd.s32 s5, s8  }
0x4c: {  	[tilespmem:s22], [sflag:$0xA] =	stream.linear.gather [hbm4b:s8+s3], $0x80, $0x38;
	[tilespmem:$0x1E600] =	vst v63  }
0x4d: {  	_ =	swait.ge [sflag:s9], $0x2000  }
0x4e: {  	[sflag:s9] =	ssyncset.done $0x0  }
0x4f: {  	[sflag:s9] =	ssyncadd.s32 $0xFFFFE000  }
0x50: {  	_ =	swait.ge [sflag:s10], $0x80  }
0x51: {  	s19 =	simm.s32 $0x300;
	[sflag:s10] =	ssyncset.done $0x0  }
0x52: {  	s20 =	sand.u32 $0xFC00, s19;
	[sflag:s10] =	ssyncadd.s32 $0xFFFFFF80  }
0x53: {  	[spmem:s2] =	stream.indirect.scatter.add.f32 [tilespmem:s23], [sflag:$0x7], $0x80, s0, s21, $0xb8;
	[tilespmem:$0x1E600] =	vst v63  }
0x54: {  	s18 =	sadd.s32 s7, s20;
	s8 =	sand.u32 $0x300, s19;
	_ =	swait.ge [sflag:s11], $0x2000  }
0x55: {  	s8 =	sor.u32 s8, s18;
	[sflag:s11] =	ssyncset.done $0x0  }
0x56: {  	s22 =	simm.s32 $0x13D80;
	s8 =	sshrl.u32 s8, $0x3;
	[sflag:s11] =	ssyncadd.s32 $0xFFFFE000  }
0x57: {  	[tilespmem:s23], [sflag:$0x3] =	stream.indirect.gather [hbm4b:s4+s21], $0x80, s22, s21, $0xb8;
	[tilespmem:$0x1E600] =	vst v63  }
0x58: {  	s8 =	sadd.s32 s5, s8  }
0x59: {  	[tilespmem:s0], [sflag:$0xB] =	stream.linear.gather [hbm4b:s8+s3], $0x80, $0x38;
	[tilespmem:$0x1E600] =	vst v63  }
0x5a: {  	_ =	swait.ge [sflag:s17], $0x2000  }
0x5b: {  	[sflag:s17] =	ssyncset.done $0x0  }
0x5c: {  	[sflag:s17] =	ssyncadd.s32 $0xFFFFE000  }
0x5d: {  	s29 =	simm.s32 $0x380;
	_ =	swait.ge [sflag:s12], $0x80  }
0x5e: {  	s30 =	sand.u32 $0xFC00, s29;
	[sflag:s12] =	ssyncset.done $0x0  }
0x5f: {  	s20 =	sadd.s32 s7, s30;
	s18 =	sand.u32 $0x380, s29;
	[sflag:s12] =	ssyncadd.s32 $0xFFFFFF80  }
0x60: {  	[spmem:s2] =	stream.indirect.scatter.add.f32 [tilespmem:s15], [sflag:$0x8], $0x80, s1, s21, $0xb8;
	[tilespmem:$0x1E600] =	vst v63  }
0x61: {  	s19 =	simm.s32 $0x13DC0;
	s18 =	sor.u32 s18, s20;
	_ =	swait.ge [sflag:s13], $0x2000  }
0x62: {  	s20 =	simm.s32 $0x13E00;
	s8 =	simm.s32 $0x580;
	[sflag:s13] =	ssyncset.done $0x0  }
.LBB2_2:
0x63: {  	s14 =	sadd.s32 $0xC0, s20;
	[sflag:s13] =	ssyncadd.s32 $0xFFFFE000;
	s22 =	sshrl.u32 s18, $0x3  }
0x64: {  	s18 =	smov.u32 s8;
	s16 =	simm.s32 $0x1C600;
	p0 =	sne.s32 s8, $0x4F80  }
0x65: {  	[tilespmem:s16], [sflag:$0x4] =	stream.indirect.gather [hbm4b:s4+s21], $0x80, s19, s21, $0xb8;
	[tilespmem:$0x1E600] =	vst v63  }
0x66: {  	s8 =	sadd.s32 $0x200, s8;
	s0 =	simm.s32 $0x1;
	s19 =	sadd.s32 s5, s22  }
0x67: {  	[tilespmem:s24], [sflag:$0xC] =	stream.linear.gather [hbm4b:s19+s3], $0x80, $0x38;
	[tilespmem:$0x1E600] =	vst v63  }
0x68: {  	s19 =	smov.u32 s14;
	_ =	swait.ge [sflag:s0], $0x2000  }
0x69: {  	[sflag:s0] =	ssyncset.done $0x0  }
0x6a: {  	s23 =	simm.s32 $0x16600;
	[sflag:s0] =	ssyncadd.s32 $0xFFFFE000;
	s0 =	simm.s32 $0x9  }
0x6b: {  	s29 =	simm.s32 $0x16400;
	s14 =	sadd.s32 $0xFFFFFE80, s18;
	_ =	swait.ge [sflag:s0], $0x80  }
0x6c: {  	s22 =	sand.u32 $0xFC00, s14;
	s14 =	sand.u32 $0x200, s14;
	[sflag:s0] =	ssyncset.done $0x0  }
0x6d: {  	s22 =	sadd.s32 s7, s22;
	[sflag:s0] =	ssyncadd.s32 $0xFFFFFF80;
	s0 =	simm.s32 $0x5  }
0x6e: {  	[spmem:s2] =	stream.indirect.scatter.add.f32 [tilespmem:s23], [sflag:$0x5], $0x80, s29, s21, $0xb8;
	[tilespmem:$0x1E600] =	vst v63  }
0x6f: {  	s14 =	sor.u32 s14, s22;
	_ =	swait.ge [sflag:s0], $0x2000  }
0x70: {  	s14 =	sshrl.u32 s14, $0x3;
	[sflag:s0] =	ssyncset.done $0x0  }
0x71: {  	[sflag:s0] =	ssyncadd.s32 $0xFFFFE000  }
0x72: {  	[tilespmem:s23], [sflag:$0x1] =	stream.indirect.gather [hbm4b:s4+s21], $0x80, s20, s21, $0xb8;
	[tilespmem:$0x1E600] =	vst v63  }
0x73: {  	s14 =	sadd.s32 s5, s14  }
0x74: {  	[tilespmem:s29], [sflag:$0x9] =	stream.linear.gather [hbm4b:s14+s3], $0x80, $0x38;
	[tilespmem:$0x1E600] =	vst v63  }
0x75: {  	_ =	swait.ge [sflag:s28], $0x2000  }
0x76: {  	[sflag:s28] =	ssyncset.done $0x0  }
0x77: {  	[sflag:s28] =	ssyncadd.s32 $0xFFFFE000  }
0x78: {  	_ =	swait.ge [sflag:s31], $0x80  }
0x79: {  	s30 =	simm.s32 $0x18600;
	s14 =	sadd.s32 $0xFFFFFF00, s18;
	[sflag:s31] =	ssyncset.done $0x0  }
0x7a: {  	s1 =	simm.s32 $0x16480;
	s22 =	sand.u32 $0xFC00, s14;
	[sflag:s31] =	ssyncadd.s32 $0xFFFFFF80  }
0x7b: {  	[spmem:s2] =	stream.indirect.scatter.add.f32 [tilespmem:s30], [sflag:$0x6], $0x80, s1, s21, $0xb8;
	[tilespmem:$0x1E600] =	vst v63  }
0x7c: {  	s14 =	sand.u32 $0x280, s14;
	s22 =	sadd.s32 s7, s22;
	_ =	swait.ge [sflag:s6], $0x2000  }
0x7d: {  	s23 =	sadd.s32 $0x40, s20;
	s14 =	sor.u32 s14, s22;
	[sflag:s6] =	ssyncset.done $0x0  }
0x7e: {  	s29 =	simm.s32 $0x18600;
	s14 =	sshrl.u32 s14, $0x3;
	[sflag:s6] =	ssyncadd.s32 $0xFFFFE000  }
0x7f: {  	[tilespmem:s30], [sflag:$0x2] =	stream.indirect.gather [hbm4b:s4+s21], $0x80, s23, s21, $0xb8;
	[tilespmem:$0x1E600] =	vst v63  }
0x80: {  	s14 =	sadd.s32 s5, s14;
	s30 =	simm.s32 $0x16480  }
0x81: {  	[tilespmem:s1], [sflag:$0xA] =	stream.linear.gather [hbm4b:s14+s3], $0x80, $0x38;
	[tilespmem:$0x1E600] =	vst v63  }
0x82: {  	_ =	swait.ge [sflag:s9], $0x2000  }
0x83: {  	[sflag:s9] =	ssyncset.done $0x0  }
0x84: {  	[sflag:s9] =	ssyncadd.s32 $0xFFFFE000  }
0x85: {  	_ =	swait.ge [sflag:s10], $0x80  }
0x86: {  	s15 =	simm.s32 $0x16500;
	[sflag:s10] =	ssyncset.done $0x0  }
0x87: {  	s0 =	simm.s32 $0x1A600;
	s14 =	sadd.s32 $0xFFFFFF80, s18;
	[sflag:s10] =	ssyncadd.s32 $0xFFFFFF80  }
0x88: {  	[spmem:s2] =	stream.indirect.scatter.add.f32 [tilespmem:s0], [sflag:$0x7], $0x80, s15, s21, $0xb8;
	[tilespmem:$0x1E600] =	vst v63  }
0x89: {  	s22 =	sand.u32 $0xFC00, s14;
	s14 =	sand.u32 $0x300, s14;
	_ =	swait.ge [sflag:s11], $0x2000  }
0x8a: {  	s23 =	sadd.s32 $0x80, s20;
	s22 =	sadd.s32 s7, s22;
	[sflag:s11] =	ssyncset.done $0x0  }
0x8b: {  	s1 =	simm.s32 $0x1A600;
	s14 =	sor.u32 s14, s22;
	[sflag:s11] =	ssyncadd.s32 $0xFFFFE000  }
0x8c: {  	[tilespmem:s0], [sflag:$0x3] =	stream.indirect.gather [hbm4b:s4+s21], $0x80, s23, s21, $0xb8;
	[tilespmem:$0x1E600] =	vst v63  }
0x8d: {  	s14 =	sshrl.u32 s14, $0x3  }
0x8e: {  	s14 =	sadd.s32 s5, s14;
	s0 =	simm.s32 $0x16500  }
0x8f: {  	[tilespmem:s15], [sflag:$0xB] =	stream.linear.gather [hbm4b:s14+s3], $0x80, $0x38;
	[tilespmem:$0x1E600] =	vst v63  }
0x90: {  	_ =	swait.ge [sflag:s17], $0x2000  }
0x91: {  	[sflag:s17] =	ssyncset.done $0x0  }
0x92: {  	[sflag:s17] =	ssyncadd.s32 $0xFFFFE000  }
0x93: {  	_ =	swait.ge [sflag:s12], $0x80  }
.Ltmp0:
0x94: {  	[sflag:s12] =	ssyncset.done $0x0;
	(pc) =	sbr.rel @p0 .LBB2_2-.Ltmp0, $4  }
0x95: {  	s14 =	sand.u32 $0xFC00, s18;
	[sflag:s12] =	ssyncadd.s32 $0xFFFFFF80  }
0x96: {  	[spmem:s2] =	stream.indirect.scatter.add.f32 [tilespmem:s16], [sflag:$0x8], $0x80, s24, s21, $0xb8;
	[tilespmem:$0x1E600] =	vst v63  }
0x97: {  	s18 =	sand.u32 $0x380, s18;
	s14 =	sadd.s32 s7, s14;
	_ =	swait.ge [sflag:s13], $0x2000  }
0x98: {  	s20 =	sadd.s32 $0x100, s20;
	s18 =	sor.u32 s18, s14;
	[sflag:s13] =	ssyncset.done $0x0  }
0x99: {  	[sflag:s13] =	ssyncadd.s32 $0xFFFFE000;
	s14 =	simm.s32 $0x1C600;
	s8 =	sshrl.u32 s18, $0x3  }
0x9a: {  	[tilespmem:s14], [sflag:$0x4] =	stream.indirect.gather [hbm4b:s4+s21], $0x80, s19, s21, $0xb8;
	[tilespmem:$0x1E600] =	vst v63  }
0x9b: {  	s15 =	simm.s32 $0x16580;
	s16 =	simm.s32 $0x1;
	s8 =	sadd.s32 s5, s8  }
0x9c: {  	[tilespmem:s15], [sflag:$0xC] =	stream.linear.gather [hbm4b:s8+s3], $0x80, $0x38;
	[tilespmem:$0x1E600] =	vst v63  }
0x9d: {  	_ =	swait.ge [sflag:s16], $0x2000  }
0x9e: {  	[sflag:s16] =	ssyncset.done $0x0  }
0x9f: {  	s18 =	simm.s32 $0x9;
	[sflag:s16] =	ssyncadd.s32 $0xFFFFE000  }
0xa0: {  	_ =	swait.ge [sflag:s18], $0x80  }
0xa1: {  	[sflag:s18] =	ssyncset.done $0x0  }
0xa2: {  	s19 =	simm.s32 $0x5;
	[sflag:s18] =	ssyncadd.s32 $0xFFFFFF80  }
0xa3: {  	[spmem:s2] =	stream.indirect.scatter.add.f32 [tilespmem:s25], [sflag:$0x5], $0x80, s26, s21, $0xb8;
	[tilespmem:$0x1E600] =	vst v63  }
0xa4: {  	_ =	swait.ge [sflag:s19], $0x2000  }
0xa5: {  	[sflag:s19] =	ssyncset.done $0x0  }
0xa6: {  	[sflag:s19] =	ssyncadd.s32 $0xFFFFE000  }
0xa7: {  	_ =	swait.ge [sflag:s28], $0x2000  }
0xa8: {  	[sflag:s28] =	ssyncset.done $0x0  }
0xa9: {  	[sflag:s28] =	ssyncadd.s32 $0xFFFFE000  }
0xaa: {  	_ =	swait.ge [sflag:s31], $0x80  }
0xab: {  	[sflag:s31] =	ssyncset.done $0x0  }
0xac: {  	[sflag:s31] =	ssyncadd.s32 $0xFFFFFF80  }
0xad: {  	[spmem:s2] =	stream.indirect.scatter.add.f32 [tilespmem:s29], [sflag:$0x6], $0x80, s30, s21, $0xb8;
	[tilespmem:$0x1E600] =	vst v63  }
0xae: {  	_ =	swait.ge [sflag:s6], $0x2000  }
0xaf: {  	[sflag:s6] =	ssyncset.done $0x0  }
0xb0: {  	[sflag:s6] =	ssyncadd.s32 $0xFFFFE000  }
0xb1: {  	_ =	swait.ge [sflag:s9], $0x2000  }
0xb2: {  	[sflag:s9] =	ssyncset.done $0x0  }
0xb3: {  	[sflag:s9] =	ssyncadd.s32 $0xFFFFE000  }
0xb4: {  	_ =	swait.ge [sflag:s10], $0x80  }
0xb5: {  	[sflag:s10] =	ssyncset.done $0x0  }
0xb6: {  	[sflag:s10] =	ssyncadd.s32 $0xFFFFFF80  }
0xb7: {  	[spmem:s2] =	stream.indirect.scatter.add.f32 [tilespmem:s1], [sflag:$0x7], $0x80, s0, s21, $0xb8;
	[tilespmem:$0x1E600] =	vst v63  }
0xb8: {  	_ =	swait.ge [sflag:s11], $0x2000  }
0xb9: {  	[sflag:s11] =	ssyncset.done $0x0  }
0xba: {  	[sflag:s11] =	ssyncadd.s32 $0xFFFFE000  }
0xbb: {  	_ =	swait.ge [sflag:s17], $0x2000  }
0xbc: {  	[sflag:s17] =	ssyncset.done $0x0  }
0xbd: {  	[sflag:s17] =	ssyncadd.s32 $0xFFFFE000  }
0xbe: {  	_ =	swait.ge [sflag:s12], $0x80  }
0xbf: {  	[sflag:s12] =	ssyncset.done $0x0  }
0xc0: {  	[sflag:s12] =	ssyncadd.s32 $0xFFFFFF80  }
0xc1: {  	[spmem:s2] =	stream.indirect.scatter.add.f32 [tilespmem:s14], [sflag:$0x8], $0x80, s15, s21, $0xb8;
	[tilespmem:$0x1E600] =	vst v63  }
0xc2: {  	_ =	swait.ge [sflag:s13], $0x2000  }
0xc3: {  	[sflag:s13] =	ssyncset.done $0x0  }
0xc4: {  	[sflag:s13] =	ssyncadd.s32 $0xFFFFE000  }
0xc5: {  	[bflag:$0x0] =	sbarrier.arrive $0xFFFF  }
0xc6: {  	s20 =	rddreg [dreg:$0x9]  }
0xc7: {  	s22 =	rddreg [dreg:$0xb]  }
0xc8: {  	s23 =	rddreg [dreg:$0xc]  }
0xc9: {  	[hbm:s20], [sflag:s22] =	dma.local [spmem:s23], $0x2780  }
0xca: {  	s20 =	simm.s32 $0xD  }
0xcb: {  	_ =	swait.ge [sflag:s20], $0x2780  }
0xcc: {  	s29 =	rddreg [dreg:$0xd]  }
0xcd: {  	s30 =	rddreg [dreg:$0xa];
	s0 =	sadd.s32 $0x1, s29  }
0xce: {  	p0 =	sne.s32 s0, s30  }
.Ltmp1:
0xcf: {  	_ = 	snop;
	(pc) =	sbr.rel @p0 .LBB2_1-.Ltmp1, $3  }
0xd0: {  	_ =	sdelay $0x1  }
0xd1: {  	[sflag:s20] =	ssyncset.done $0x0  }
0xd2: {  	[sflag:s20] =	ssyncadd.s32 $0xFFFFD880  }
0xd3: {  	_ =	sfence.sel $0x180000  }
0xd4: {  	[bflag:$0x0] =	sbarrier.arrive $0xFFFF  }
0xd5: {  	_ =	strace $0x90000047  }
0xd6: {  	s0 =	stileid.u32;
	[bflag:$0x2] =	sbarrier.arrive $0xFFFF  }
0xd7: {  	p0 =	sne.s32 s0, $0x0;
	s0 =	rddreg [dreg:$0x2]  }
0xd8: {  	s0 =	sadd.s32 @!p0 $0x100000, s0  }
0xd9: {  	[sflag:s0] =	ssyncadd.tile.s32 @!p0 $0x1;
	_ =	shalt  }
.Lfunc_end2:
_tile_overlayer_lowered:
.L_overlay_start_2:
0xda: {  	(tag) =	ssettag $0x2  }
0xdb: {  	s0 =	rddreg [dreg:$0x0];
	s2 =	stileid.u32  }
0xdc: {  	s1 =	rddreg [dreg:$0x1];
	p0 =	sne.s32 s2, $0x0  }
0xdd: {  	s3 =	rddreg [dreg:$0x2];
	[bflag:$0x3] =	sbarrier.arrive $0xFFFF;
	s2 =	simm.s32 @!p0 $0x1C0D  }
0xde: {  	[timem:s3], [sflag:s2] =	dma.local @!p0 [hbm:s0], s1  }
0xdf: {  	s0 =	simm.s32 @!p0 $0xD  }
0xe0: {  	_ =	swait.ge @!p0 [sflag:s0], s1  }
0xe1: {  	s1 =	ssub.s32 @!p0 $0x0, s1;
	[sflag:s0] =	ssyncset.done @!p0 $0x0  }
0xe2: {  	[sflag:s0] =	ssyncadd.s32 @!p0 s1  }
0xe3: {  	[bflag:$0x3] =	sbarrier.arrive $0xFFFF  }
0xe4: {  	_ =	shalt  }

</sc_bundles>
